<compile_context>
chip_gen: v7x
topology: tpu7x:2x2x1
jax: 0.10.2.dev20260603
libtpu: 0.0.44.dev20260713+nightly
codegen_flags: <defaults>
</compile_context>

<pallas_src>
import jax
import jax.numpy as jnp
from jax import lax
from jax.experimental import pallas as pl
from jax.experimental.pallas import tpu as pltpu
from jax.experimental.pallas import tpu_sc as plsc

NEG_SLOPE = 0.1

NC = 2
NS = 16
K = 64


def _t1_body(x_ref, wft_ref, b_ref, alrl_ref, alrr_ref, feat_ref, el_ref, er_ref):
    xb = x_ref[...]
    feat = jnp.dot(xb, wft_ref[...], preferred_element_type=jnp.float32) + b_ref[...]
    feat_ref[...] = feat
    el_ref[...] = jnp.dot(feat, alrl_ref[...], preferred_element_type=jnp.float32)
    er_ref[...] = jnp.dot(feat, alrr_ref[...], preferred_element_type=jnp.float32)


def _t2_body(rst_ref, s_ref, sel_ref, bd_ref, bout_ref, out_ref):
    rst = rst_ref[0] + rst_ref[1]
    sv = s_ref[0] + s_ref[1]
    dexp = jnp.dot(sv, sel_ref[...], preferred_element_type=jnp.float32)
    rstn = rst / (dexp + 1e-9)
    out_ref[...] = (
        jnp.dot(rstn, bd_ref[...], preferred_element_type=jnp.float32) + bout_ref[...]
    )


def _sc_body(sdw_hbm, el_hbm, er_hbm, feat_hbm,
             rst_out, s_out,
             bufs0, bufs1, zA, zB,
             rst_acc, s_acc, sems0, sems1):
    N = el_hbm.shape[0]
    D = feat_hbm.shape[1]
    CH = sdw_hbm.shape[2]
    stripe = (N // NS) // 8 * 8
    rem = N - stripe * NS
    zrows = zA.shape[0]
    nz = stripe // zrows
    c = lax.axis_index("c")
    s = lax.axis_index("s")
    base = s * stripe

    def zrow(i, _):
        for j in range(D // 16):
            zA[i, pl.ds(16 * j, 16)] = jnp.zeros((16,), jnp.float32)
        zB[i, :] = jnp.zeros((16,), jnp.float32)
        return 0

    lax.fori_loop(0, zrows, zrow, 0)
    for r in range(nz):
        pltpu.sync_copy(zA, rst_acc.at[pl.ds(base + r * zrows, zrows)])
        pltpu.sync_copy(zB, s_acc.at[pl.ds(base + r * zrows, zrows)])

    @pl.when(s == NS - 1)
    def _zero_tail():
        pltpu.sync_copy(zA.at[pl.ds(0, rem)], rst_acc.at[pl.ds(NS * stripe, rem)])
        pltpu.sync_copy(zB.at[pl.ds(0, rem)], s_acc.at[pl.ds(NS * stripe, rem)])

    plsc.subcore_barrier()

    def issue(ci, bufs, sems):
        sdw_v, A_v, B_v, EE_v, F_v = bufs
        semA, semB, semF, sem_s, sem_m = sems

        @pl.when(ci >= 2)
        def _drain():
            pltpu.make_async_copy(EE_v, s_acc.at[sdw_v.at[1]], sem_s).wait()
            pltpu.make_async_copy(F_v, rst_acc.at[sdw_v.at[1]], sem_m).wait()

        @pl.when(ci < CH)
        def _fetch():
            pltpu.sync_copy(sdw_hbm.at[c, s, ci], sdw_v)
            pltpu.async_copy(el_hbm.at[sdw_v.at[0]], A_v, semA)
            pltpu.async_copy(er_hbm.at[sdw_v.at[1]], B_v, semB)
            pltpu.async_copy(feat_hbm.at[sdw_v.at[0]], F_v, semF)

    def process(bufs, sems):
        sdw_v, A_v, B_v, EE_v, F_v = bufs
        semA, semB, semF, sem_s, sem_m = sems
        pltpu.make_async_copy(el_hbm.at[sdw_v.at[0]], A_v, semA).wait()
        pltpu.make_async_copy(er_hbm.at[sdw_v.at[1]], B_v, semB).wait()

        def ee_group(g, _):
            wg = plsc.bitcast(sdw_v[2, pl.ds(16 * g, 16)], jnp.float32)
            for l in range(16):
                i = 16 * g + l
                e = A_v[i, :] + B_v[i, :]
                e = jnp.maximum(e, jnp.float32(NEG_SLOPE) * e)
                e = e * wg[l]
                EE_v[i, :] = jnp.exp(e)
            return 0

        lax.fori_loop(0, K // 16, ee_group, 0)
        pltpu.async_copy(EE_v, s_acc.at[sdw_v.at[1]], sem_s, add=True)
        pltpu.make_async_copy(feat_hbm.at[sdw_v.at[0]], F_v, semF).wait()

        def msg_edge(i, _):
            eerow = EE_v[i, :]
            for h in range(D // 16):
                F_v[i, pl.ds(16 * h, 16)] = F_v[i, pl.ds(16 * h, 16)] * eerow[h]
            return 0

        lax.fori_loop(0, K, msg_edge, 0)
        pltpu.async_copy(F_v, rst_acc.at[sdw_v.at[1]], sem_m, add=True)

    def pair_body(i2, _):
        c0 = 2 * i2

        @pl.when((i2 >= 0) & (c0 < CH))
        def _p0():
            process(bufs0, sems0)

        @pl.when((0 <= c0 + 2) & (c0 + 2 < CH + 2))
        def _prefetch0():
            issue(c0 + 2, bufs0, sems0)

        @pl.when((i2 >= 0) & (c0 + 1 < CH))
        def _p1():
            process(bufs1, sems1)

        @pl.when((0 <= c0 + 3) & (c0 + 3 < CH + 2))
        def _prefetch1():
            issue(c0 + 3, bufs1, sems1)

        return 0

    lax.fori_loop(-1, (CH + 1) // 2 + 1, pair_body, 0)

    plsc.subcore_barrier()
    for r in range(nz):
        sl = pl.ds(base + r * zrows, zrows)
        pltpu.sync_copy(rst_acc.at[sl], rst_out.at[c, sl])
        pltpu.sync_copy(s_acc.at[sl], s_out.at[c, sl])

    @pl.when(s == NS - 1)
    def _copy_tail():
        sl = pl.ds(NS * stripe, rem)
        pltpu.sync_copy(rst_acc.at[sl], rst_out.at[c, sl])
        pltpu.sync_copy(s_acc.at[sl], s_out.at[c, sl])


def kernel(vt, x, edge_index, edge_weight, W_fc, b_fc, attn_l, attn_r, W_out, b_out):
    B, N, Dm = x.shape
    H = attn_l.shape[1]
    DH = attn_l.shape[2]
    OUT = W_out.shape[1]
    E = edge_index.shape[1]
    x2d = x.reshape(N, Dm)

    eye = jnp.eye(H, dtype=jnp.float32)
    al = attn_l.reshape(H, DH)
    ar = attn_r.reshape(H, DH)
    ALRl = (eye[:, None, :] * al[:, :, None]).reshape(H * DH, H)
    ALRl = jnp.concatenate([ALRl, jnp.zeros_like(ALRl)], axis=1)
    ALRr = (eye[:, None, :] * ar[:, :, None]).reshape(H * DH, H)
    ALRr = jnp.concatenate([ALRr, jnp.zeros_like(ALRr)], axis=1)

    bn = 512
    grid1 = (pl.cdiv(N, bn),)
    feat, el16, er16 = pl.pallas_call(
        _t1_body,
        grid=grid1,
        in_specs=[
            pl.BlockSpec((bn, Dm), lambda i: (i, 0)),
            pl.BlockSpec((Dm, Dm), lambda i: (0, 0)),
            pl.BlockSpec((1, Dm), lambda i: (0, 0)),
            pl.BlockSpec((Dm, 16), lambda i: (0, 0)),
            pl.BlockSpec((Dm, 16), lambda i: (0, 0)),
        ],
        out_specs=[
            pl.BlockSpec((bn, Dm), lambda i: (i, 0)),
            pl.BlockSpec((bn, 16), lambda i: (i, 0)),
            pl.BlockSpec((bn, 16), lambda i: (i, 0)),
        ],
        out_shape=[
            jax.ShapeDtypeStruct((N, Dm), jnp.float32),
            jax.ShapeDtypeStruct((N, 16), jnp.float32),
            jax.ShapeDtypeStruct((N, 16), jnp.float32),
        ],
    )(x2d, W_fc.T, b_fc.reshape(1, Dm), ALRl, ALRr)

    TILES = NC * NS
    per_tile = E // TILES
    CH = -(-per_tile // K)
    pt_pad = CH * K
    npad8 = 8
    src2 = jnp.pad(edge_index[0].reshape(TILES, per_tile), ((0, 0), (0, pt_pad - per_tile)),
                   constant_values=N)
    dst2 = jnp.pad(edge_index[1].reshape(TILES, per_tile), ((0, 0), (0, pt_pad - per_tile)),
                   constant_values=N)
    w2 = jnp.pad(edge_weight.reshape(TILES, per_tile), ((0, 0), (0, pt_pad - per_tile)),
                 constant_values=1.0)
    src4 = src2.reshape(NC, NS, CH, K)
    dst4 = dst2.reshape(NC, NS, CH, K)
    w4i = lax.bitcast_convert_type(w2, jnp.int32).reshape(NC, NS, CH, K)
    sdw = jnp.stack([src4, dst4, w4i], axis=3)
    NP = N + npad8
    el16 = jnp.pad(el16, ((0, npad8), (0, 0)), constant_values=-1e30)
    er16 = jnp.pad(er16, ((0, npad8), (0, 0)))
    feat_p = jnp.pad(feat, ((0, npad8), (0, 0)))

    zrows = 104
    mesh = plsc.VectorSubcoreMesh(
        core_axis_name="c", subcore_axis_name="s", num_cores=NC, num_subcores=NS
    )

    def _bufset():
        return (
            pltpu.VMEM((3, K), jnp.int32),
            pltpu.VMEM((K, 16), jnp.float32),
            pltpu.VMEM((K, 16), jnp.float32),
            pltpu.VMEM((K, 16), jnp.float32),
            pltpu.VMEM((K, Dm), jnp.float32),
        )

    def _semset():
        return tuple(pltpu.SemaphoreType.DMA for _ in range(5))

    rst2, s2 = pl.kernel(
        _sc_body,
        out_type=[
            jax.ShapeDtypeStruct((NC, NP, Dm), jnp.float32),
            jax.ShapeDtypeStruct((NC, NP, 16), jnp.float32),
        ],
        mesh=mesh,
        compiler_params=pltpu.CompilerParams(
            use_tc_tiling_on_sc=False, needs_layout_passes=False,

        ),
        scratch_types=[
            _bufset(),
            _bufset(),
            pltpu.VMEM((zrows, Dm), jnp.float32),
            pltpu.VMEM((zrows, 16), jnp.float32),
            pltpu.VMEM_SHARED((NP, Dm), jnp.float32),
            pltpu.VMEM_SHARED((NP, 16), jnp.float32),
            _semset(),
            _semset(),
        ],
    )(sdw, el16, er16, feat_p)

    SEL = (eye[:, None, :] * jnp.ones((H, DH, H), jnp.float32)).reshape(H * DH, H).T
    SEL = jnp.concatenate([SEL, jnp.zeros_like(SEL)], axis=0)
    BD = (eye[:, None, :, None] * W_out[None, :, None, :]).reshape(H * DH, H * OUT)
    bout = jnp.tile(b_out, (H,)).reshape(1, H * OUT)

    grid2 = (pl.cdiv(N, bn),)
    out = pl.pallas_call(
        _t2_body,
        grid=grid2,
        in_specs=[
            pl.BlockSpec((NC, bn, Dm), lambda i: (0, i, 0)),
            pl.BlockSpec((NC, bn, 16), lambda i: (0, i, 0)),
            pl.BlockSpec((16, Dm), lambda i: (0, 0)),
            pl.BlockSpec((Dm, H * OUT), lambda i: (0, 0)),
            pl.BlockSpec((1, H * OUT), lambda i: (0, 0)),
        ],
        out_specs=pl.BlockSpec((bn, H * OUT), lambda i: (i, 0)),
        out_shape=jax.ShapeDtypeStruct((N, H * OUT), jnp.float32),
    )(rst2, s2, SEL, BD, bout)

    return out.reshape(N, H, OUT)[None]

# --- scband reference (transcript-rebuilt; emitter-appended) ---
"""Pipeline reference for scband-gatlayer-50208167690741 (READ-ONLY COPY).

The authoritative reference and input builder live on the scoring server;
editing this copy changes nothing except your own understanding.
"""

import jax, jax.numpy as jnp
import numpy as np

N = 10000
E = 320000
D = 128
H = 8
DH = D // H  # 16
OUT = 128
B = 1
NEG_SLOPE = 0.1


def setup_inputs(seed: int = 0) -> dict:
    key = jax.random.key(seed)
    ks = jax.random.split(key, 10)
    vt = jnp.zeros((1,), dtype=jnp.float32)  # unused by the layer's math
    x = jax.random.normal(ks[0], (B, N, D), dtype=jnp.float32)
    edge_index = jax.random.randint(ks[1], (2, E), 0, N, dtype=jnp.int32)
    edge_weight = jax.random.uniform(ks[2], (E,), dtype=jnp.float32)
    # learned parameters
    W_fc = jax.random.normal(ks[3], (D, D), dtype=jnp.float32) * 0.05
    b_fc = jnp.zeros((D,), dtype=jnp.float32)
    attn_l = jax.random.normal(ks[4], (1, H, DH), dtype=jnp.float32) * 0.1
    attn_r = jax.random.normal(ks[5], (1, H, DH), dtype=jnp.float32) * 0.1
    W_out = jax.random.normal(ks[6], (DH, OUT), dtype=jnp.float32) * 0.05
    b_out = jnp.zeros((OUT,), dtype=jnp.float32)
    return {
        'vt': vt, 'x': x, 'edge_index': edge_index, 'edge_weight': edge_weight,
        'W_fc': W_fc, 'b_fc': b_fc, 'attn_l': attn_l, 'attn_r': attn_r,
        'W_out': W_out, 'b_out': b_out,
    }


def reference(vt, x, edge_index, edge_weight, W_fc, b_fc, attn_l, attn_r, W_out, b_out):
    Bx, Nx, Dx = x.shape
    # self.fc: Linear(D, D); dropouts are 0.0 -> identity
    feat = (x @ W_fc.T + b_fc).reshape(Bx, Nx, H, DH).transpose(1, 0, 2, 3)  # [N,B,H,DH]
    # attention logits per node (broadcast attn params [1,H,DH] over [N,B,H,DH])
    el = jnp.sum(feat * attn_l, axis=-1, keepdims=True)  # [N,B,H,1]
    er = jnp.sum(feat * attn_r, axis=-1, keepdims=True)  # [N,B,H,1]
    src = edge_index[0]
    dst = edge_index[1]
    # u_add_v: e = el[src] + er[dst]
    e = el[src] + er[dst]  # [E,B,H,1]
    e = jnp.where(e > 0, e, NEG_SLOPE * e)  # leaky_relu
    # multiply by edge weight w (broadcast like w.reshape(E,1,1,1))
    e = edge_weight.reshape(-1, 1, 1, 1) * e
    # edge_softmax over incoming edges of each dst node
    emax = jax.ops.segment_max(e, dst, num_segments=Nx)  # [N,B,H,1]
    emax = jnp.where(jnp.isfinite(emax), emax, 0.0)
    ee = jnp.exp(e - emax[dst])
    denom = jax.ops.segment_sum(ee, dst, num_segments=Nx)
    a = ee / (denom[dst] + 1e-9)  # [E,B,H,1]
    # update_all(u_mul_e, sum): scatter-add messages to dst
    m = feat[src] * a  # [E,B,H,DH]
    rst = jax.ops.segment_sum(m, dst, num_segments=Nx)  # [N,B,H,DH]
    # out_fc: Linear(DH, OUT), activation=None
    out = rst @ W_out + b_out  # [N,B,H,OUT]
    return out.transpose(1, 0, 2, 3)  # [B,N,H,OUT]

if __name__ == "__main__":
    import jax
    _d = setup_inputs()
    print(jax.jit(kernel)(*tuple(_d.values())))

</pallas_src>

<mosaic_0001>
#map = affine_map<(d0, d1) -> (0, 0, 0, 0, 0)>
#map1 = affine_map<(d0, d1) -> (0, 0)>
#map2 = affine_map<(d0, d1) -> (0, 0, 0)>
module attributes {stable_mosaic.version = 14 : i64} {
  func.func @_sc_body(%arg0: i32, %arg1: i32, %arg2: memref<2x16x157x3x64xi32, #tpu.memory_space<hbm>>, %arg3: memref<10008x16xf32, #tpu.memory_space<hbm>>, %arg4: memref<10008x16xf32, #tpu.memory_space<hbm>>, %arg5: memref<10008x128xf32, #tpu.memory_space<hbm>>, %arg6: memref<2x10008x128xf32, #tpu.memory_space<hbm>>, %arg7: memref<2x10008x16xf32, #tpu.memory_space<hbm>>, %arg8: memref<3x64xi32, #tpu.memory_space<vmem>>, %arg9: memref<64x16xf32, #tpu.memory_space<vmem>>, %arg10: memref<64x16xf32, #tpu.memory_space<vmem>>, %arg11: memref<64x16xf32, #tpu.memory_space<vmem>>, %arg12: memref<64x128xf32, #tpu.memory_space<vmem>>, %arg13: memref<3x64xi32, #tpu.memory_space<vmem>>, %arg14: memref<64x16xf32, #tpu.memory_space<vmem>>, %arg15: memref<64x16xf32, #tpu.memory_space<vmem>>, %arg16: memref<64x16xf32, #tpu.memory_space<vmem>>, %arg17: memref<64x128xf32, #tpu.memory_space<vmem>>, %arg18: memref<104x128xf32, #tpu.memory_space<vmem>>, %arg19: memref<104x16xf32, #tpu.memory_space<vmem>>, %arg20: memref<10008x128xf32, #tpu.memory_space<vmem_shared>>, %arg21: memref<10008x16xf32, #tpu.memory_space<vmem_shared>>, %arg22: memref<!tpu.dma_semaphore, #tpu.memory_space<semaphore_mem>>, %arg23: memref<!tpu.dma_semaphore, #tpu.memory_space<semaphore_mem>>, %arg24: memref<!tpu.dma_semaphore, #tpu.memory_space<semaphore_mem>>, %arg25: memref<!tpu.dma_semaphore, #tpu.memory_space<semaphore_mem>>, %arg26: memref<!tpu.dma_semaphore, #tpu.memory_space<semaphore_mem>>, %arg27: memref<!tpu.dma_semaphore, #tpu.memory_space<semaphore_mem>>, %arg28: memref<!tpu.dma_semaphore, #tpu.memory_space<semaphore_mem>>, %arg29: memref<!tpu.dma_semaphore, #tpu.memory_space<semaphore_mem>>, %arg30: memref<!tpu.dma_semaphore, #tpu.memory_space<semaphore_mem>>, %arg31: memref<!tpu.dma_semaphore, #tpu.memory_space<semaphore_mem>>) attributes {dimension_semantics = [#tpu.dimension_semantics<core_parallel>, #tpu.dimension_semantics<subcore_parallel>], iteration_bounds = array<i64: 2, 16>, scalar_prefetch = 0 : i64, scratch_operands = 24 : i64, tpu.core_type = #tpu.core_type<sc_vector_subcore>, window_params = [{transform_indices = #map}, {transform_indices = #map1}, {transform_indices = #map1}, {transform_indices = #map1}, {transform_indices = #map2}, {transform_indices = #map2}]} {
    %mul3A = arith.constant 624 : i32
    %mul3A_0 = arith.muli %arg1, %mul3A : i32
    %scan3A = arith.constant 0 : i32
    %scan3A_1 = arith.constant 0 : i32
    %scan3A_2 = arith.constant 104 : i32
    %scan3A_3 = arith.addi %scan3A_1, %scan3A_2 : i32
    %scan3A_4 = arith.constant 1 : i32
    %scan3A_5 = scf.for %scan3A_57 = %scan3A_1 to %scan3A_3 step %scan3A_4 iter_args(%scan3A_58 = %scan3A) -> (i32)  : i32 {
      %broadcast_in_dim3A = arith.constant 0.000000e+00 : f32
      %broadcast_in_dim3A_59 = vector.broadcast %broadcast_in_dim3A : f32 to vector<16xf32>
      %swap3A = arith.index_cast %scan3A_57 : i32 to index
      %swap3A_60 = arith.constant 0 : index
      %swap3A_61 = tpu.vector_load %arg18[%swap3A, %swap3A_60] {strides = array<i32>} : memref<104x128xf32, #tpu.memory_space<vmem>>, vector<16xf32>,
      tpu.vector_store %arg18[%swap3A, %swap3A_60], %broadcast_in_dim3A_59 {strides = array<i32>} : memref<104x128xf32, #tpu.memory_space<vmem>>, vector<16xf32>,
      %broadcast_in_dim3A_62 = arith.constant 0.000000e+00 : f32
      %broadcast_in_dim3A_63 = vector.broadcast %broadcast_in_dim3A_62 : f32 to vector<16xf32>
      %swap3A_64 = arith.index_cast %scan3A_57 : i32 to index
      %swap3A_65 = arith.constant 16 : index
      %swap3A_66 = tpu.vector_load %arg18[%swap3A_64, %swap3A_65] {strides = array<i32>} : memref<104x128xf32, #tpu.memory_space<vmem>>, vector<16xf32>,
      tpu.vector_store %arg18[%swap3A_64, %swap3A_65], %broadcast_in_dim3A_63 {strides = array<i32>} : memref<104x128xf32, #tpu.memory_space<vmem>>, vector<16xf32>,
      %broadcast_in_dim3A_67 = arith.constant 0.000000e+00 : f32
      %broadcast_in_dim3A_68 = vector.broadcast %broadcast_in_dim3A_67 : f32 to vector<16xf32>
      %swap3A_69 = arith.index_cast %scan3A_57 : i32 to index
      %swap3A_70 = arith.constant 32 : index
      %swap3A_71 = tpu.vector_load %arg18[%swap3A_69, %swap3A_70] {strides = array<i32>} : memref<104x128xf32, #tpu.memory_space<vmem>>, vector<16xf32>,
      tpu.vector_store %arg18[%swap3A_69, %swap3A_70], %broadcast_in_dim3A_68 {strides = array<i32>} : memref<104x128xf32, #tpu.memory_space<vmem>>, vector<16xf32>,
      %broadcast_in_dim3A_72 = arith.constant 0.000000e+00 : f32
      %broadcast_in_dim3A_73 = vector.broadcast %broadcast_in_dim3A_72 : f32 to vector<16xf32>
      %swap3A_74 = arith.index_cast %scan3A_57 : i32 to index
      %swap3A_75 = arith.constant 48 : index
      %swap3A_76 = tpu.vector_load %arg18[%swap3A_74, %swap3A_75] {strides = array<i32>} : memref<104x128xf32, #tpu.memory_space<vmem>>, vector<16xf32>,
      tpu.vector_store %arg18[%swap3A_74, %swap3A_75], %broadcast_in_dim3A_73 {strides = array<i32>} : memref<104x128xf32, #tpu.memory_space<vmem>>, vector<16xf32>,
      %broadcast_in_dim3A_77 = arith.constant 0.000000e+00 : f32
      %broadcast_in_dim3A_78 = vector.broadcast %broadcast_in_dim3A_77 : f32 to vector<16xf32>
      %swap3A_79 = arith.index_cast %scan3A_57 : i32 to index
      %swap3A_80 = arith.constant 64 : index
      %swap3A_81 = tpu.vector_load %arg18[%swap3A_79, %swap3A_80] {strides = array<i32>} : memref<104x128xf32, #tpu.memory_space<vmem>>, vector<16xf32>,
      tpu.vector_store %arg18[%swap3A_79, %swap3A_80], %broadcast_in_dim3A_78 {strides = array<i32>} : memref<104x128xf32, #tpu.memory_space<vmem>>, vector<16xf32>,
      %broadcast_in_dim3A_82 = arith.constant 0.000000e+00 : f32
      %broadcast_in_dim3A_83 = vector.broadcast %broadcast_in_dim3A_82 : f32 to vector<16xf32>
      %swap3A_84 = arith.index_cast %scan3A_57 : i32 to index
      %swap3A_85 = arith.constant 80 : index
      %swap3A_86 = tpu.vector_load %arg18[%swap3A_84, %swap3A_85] {strides = array<i32>} : memref<104x128xf32, #tpu.memory_space<vmem>>, vector<16xf32>,
      tpu.vector_store %arg18[%swap3A_84, %swap3A_85], %broadcast_in_dim3A_83 {strides = array<i32>} : memref<104x128xf32, #tpu.memory_space<vmem>>, vector<16xf32>,
      %broadcast_in_dim3A_87 = arith.constant 0.000000e+00 : f32
      %broadcast_in_dim3A_88 = vector.broadcast %broadcast_in_dim3A_87 : f32 to vector<16xf32>
      %swap3A_89 = arith.index_cast %scan3A_57 : i32 to index
      %swap3A_90 = arith.constant 96 : index
      %swap3A_91 = tpu.vector_load %arg18[%swap3A_89, %swap3A_90] {strides = array<i32>} : memref<104x128xf32, #tpu.memory_space<vmem>>, vector<16xf32>,
      tpu.vector_store %arg18[%swap3A_89, %swap3A_90], %broadcast_in_dim3A_88 {strides = array<i32>} : memref<104x128xf32, #tpu.memory_space<vmem>>, vector<16xf32>,
      %broadcast_in_dim3A_92 = arith.constant 0.000000e+00 : f32
      %broadcast_in_dim3A_93 = vector.broadcast %broadcast_in_dim3A_92 : f32 to vector<16xf32>
      %swap3A_94 = arith.index_cast %scan3A_57 : i32 to index
      %swap3A_95 = arith.constant 112 : index
      %swap3A_96 = tpu.vector_load %arg18[%swap3A_94, %swap3A_95] {strides = array<i32>} : memref<104x128xf32, #tpu.memory_space<vmem>>, vector<16xf32>,
      tpu.vector_store %arg18[%swap3A_94, %swap3A_95], %broadcast_in_dim3A_93 {strides = array<i32>} : memref<104x128xf32, #tpu.memory_space<vmem>>, vector<16xf32>,
      %broadcast_in_dim3A_97 = arith.constant 0.000000e+00 : f32
      %broadcast_in_dim3A_98 = vector.broadcast %broadcast_in_dim3A_97 : f32 to vector<16xf32>
      %swap3A_99 = arith.index_cast %scan3A_57 : i32 to index
      %swap3A_100 = arith.constant 0 : index
      %swap3A_101 = tpu.vector_load %arg19[%swap3A_99, %swap3A_100] {strides = array<i32>} : memref<104x16xf32, #tpu.memory_space<vmem>>, vector<16xf32>,
      tpu.vector_store %arg19[%swap3A_99, %swap3A_100], %broadcast_in_dim3A_98 {strides = array<i32>} : memref<104x16xf32, #tpu.memory_space<vmem>>, vector<16xf32>,
      %scan3A_102 = arith.constant 0 : i32
      scf.yield %scan3A_102 : i32
    }
    %scan3A_6 = arith.constant 104 : i32
    %add3A = arith.constant 0 : i32
    %add3A_7 = arith.addi %mul3A_0, %add3A : i32
    "tpu.region"() ({
      %run_scoped3A = tpu.sem_alloc : memref<!tpu.dma_semaphore, #tpu.memory_space<semaphore_mem>>
      %dma_start3A = arith.constant 0 : i32
      %dma_start3A_57 = tpu.memref_slice %arg20[%add3A_7, %dma_start3A] : memref<10008x128xf32, #tpu.memory_space<vmem_shared>> -> memref<104x128xf32, #tpu.memory_space<vmem_shared>>
      %dma_start3A_58 = arith.constant 0 : i32
      %dma_start3A_59 = tpu.memref_slice %arg20[%add3A_7, %dma_start3A_58] : memref<10008x128xf32, #tpu.memory_space<vmem_shared>> -> memref<104x128xf32, #tpu.memory_space<vmem_shared>>
      tpu.enqueue_dma source(%arg18 : memref<104x128xf32, #tpu.memory_space<vmem>>) target(%dma_start3A_59 : memref<104x128xf32, #tpu.memory_space<vmem_shared>>) target_semaphore(%run_scoped3A : memref<!tpu.dma_semaphore, #tpu.memory_space<semaphore_mem>>)
      %dma_wait3A = arith.constant 0 : i32
      %dma_wait3A_60 = tpu.memref_slice %arg20[%add3A_7, %dma_wait3A] : memref<10008x128xf32, #tpu.memory_space<vmem_shared>> -> memref<104x128xf32, #tpu.memory_space<vmem_shared>>
      %dma_wait3A_61 = arith.constant 0 : i32
      %dma_wait3A_62 = tpu.memref_slice %arg20[%add3A_7, %dma_wait3A_61] : memref<10008x128xf32, #tpu.memory_space<vmem_shared>> -> memref<104x128xf32, #tpu.memory_space<vmem_shared>>
      tpu.wait_dma2 semaphore(%run_scoped3A : memref<!tpu.dma_semaphore, #tpu.memory_space<semaphore_mem>>) src(%arg18 : memref<104x128xf32, #tpu.memory_space<vmem>>) dst(%dma_wait3A_62 : memref<104x128xf32, #tpu.memory_space<vmem_shared>>)
      tpu.yield
    }) : () -> ()
    %add3A_8 = arith.constant 0 : i32
    %add3A_9 = arith.addi %mul3A_0, %add3A_8 : i32
    "tpu.region"() ({
      %run_scoped3A = tpu.sem_alloc : memref<!tpu.dma_semaphore, #tpu.memory_space<semaphore_mem>>
      %dma_start3A = arith.constant 0 : i32
      %dma_start3A_57 = tpu.memref_slice %arg21[%add3A_9, %dma_start3A] : memref<10008x16xf32, #tpu.memory_space<vmem_shared>> -> memref<104x16xf32, #tpu.memory_space<vmem_shared>>
      %dma_start3A_58 = arith.constant 0 : i32
      %dma_start3A_59 = tpu.memref_slice %arg21[%add3A_9, %dma_start3A_58] : memref<10008x16xf32, #tpu.memory_space<vmem_shared>> -> memref<104x16xf32, #tpu.memory_space<vmem_shared>>
      tpu.enqueue_dma source(%arg19 : memref<104x16xf32, #tpu.memory_space<vmem>>) target(%dma_start3A_59 : memref<104x16xf32, #tpu.memory_space<vmem_shared>>) target_semaphore(%run_scoped3A : memref<!tpu.dma_semaphore, #tpu.memory_space<semaphore_mem>>)
      %dma_wait3A = arith.constant 0 : i32
      %dma_wait3A_60 = tpu.memref_slice %arg21[%add3A_9, %dma_wait3A] : memref<10008x16xf32, #tpu.memory_space<vmem_shared>> -> memref<104x16xf32, #tpu.memory_space<vmem_shared>>
      %dma_wait3A_61 = arith.constant 0 : i32
      %dma_wait3A_62 = tpu.memref_slice %arg21[%add3A_9, %dma_wait3A_61] : memref<10008x16xf32, #tpu.memory_space<vmem_shared>> -> memref<104x16xf32, #tpu.memory_space<vmem_shared>>
      tpu.wait_dma2 semaphore(%run_scoped3A : memref<!tpu.dma_semaphore, #tpu.memory_space<semaphore_mem>>) src(%arg19 : memref<104x16xf32, #tpu.memory_space<vmem>>) dst(%dma_wait3A_62 : memref<104x16xf32, #tpu.memory_space<vmem_shared>>)
      tpu.yield
    }) : () -> ()
    %add3A_10 = arith.constant 104 : i32
    %add3A_11 = arith.addi %mul3A_0, %add3A_10 : i32
    "tpu.region"() ({
      %run_scoped3A = tpu.sem_alloc : memref<!tpu.dma_semaphore, #tpu.memory_space<semaphore_mem>>
      %dma_start3A = arith.constant 0 : i32
      %dma_start3A_57 = tpu.memref_slice %arg20[%add3A_11, %dma_start3A] : memref<10008x128xf32, #tpu.memory_space<vmem_shared>> -> memref<104x128xf32, #tpu.memory_space<vmem_shared>>
      %dma_start3A_58 = arith.constant 0 : i32
      %dma_start3A_59 = tpu.memref_slice %arg20[%add3A_11, %dma_start3A_58] : memref<10008x128xf32, #tpu.memory_space<vmem_shared>> -> memref<104x128xf32, #tpu.memory_space<vmem_shared>>
      tpu.enqueue_dma source(%arg18 : memref<104x128xf32, #tpu.memory_space<vmem>>) target(%dma_start3A_59 : memref<104x128xf32, #tpu.memory_space<vmem_shared>>) target_semaphore(%run_scoped3A : memref<!tpu.dma_semaphore, #tpu.memory_space<semaphore_mem>>)
      %dma_wait3A = arith.constant 0 : i32
      %dma_wait3A_60 = tpu.memref_slice %arg20[%add3A_11, %dma_wait3A] : memref<10008x128xf32, #tpu.memory_space<vmem_shared>> -> memref<104x128xf32, #tpu.memory_space<vmem_shared>>
      %dma_wait3A_61 = arith.constant 0 : i32
      %dma_wait3A_62 = tpu.memref_slice %arg20[%add3A_11, %dma_wait3A_61] : memref<10008x128xf32, #tpu.memory_space<vmem_shared>> -> memref<104x128xf32, #tpu.memory_space<vmem_shared>>
      tpu.wait_dma2 semaphore(%run_scoped3A : memref<!tpu.dma_semaphore, #tpu.memory_space<semaphore_mem>>) src(%arg18 : memref<104x128xf32, #tpu.memory_space<vmem>>) dst(%dma_wait3A_62 : memref<104x128xf32, #tpu.memory_space<vmem_shared>>)
      tpu.yield
    }) : () -> ()
    %add3A_12 = arith.constant 104 : i32
    %add3A_13 = arith.addi %mul3A_0, %add3A_12 : i32
    "tpu.region"() ({
      %run_scoped3A = tpu.sem_alloc : memref<!tpu.dma_semaphore, #tpu.memory_space<semaphore_mem>>
      %dma_start3A = arith.constant 0 : i32
      %dma_start3A_57 = tpu.memref_slice %arg21[%add3A_13, %dma_start3A] : memref<10008x16xf32, #tpu.memory_space<vmem_shared>> -> memref<104x16xf32, #tpu.memory_space<vmem_shared>>
      %dma_start3A_58 = arith.constant 0 : i32
      %dma_start3A_59 = tpu.memref_slice %arg21[%add3A_13, %dma_start3A_58] : memref<10008x16xf32, #tpu.memory_space<vmem_shared>> -> memref<104x16xf32, #tpu.memory_space<vmem_shared>>
      tpu.enqueue_dma source(%arg19 : memref<104x16xf32, #tpu.memory_space<vmem>>) target(%dma_start3A_59 : memref<104x16xf32, #tpu.memory_space<vmem_shared>>) target_semaphore(%run_scoped3A : memref<!tpu.dma_semaphore, #tpu.memory_space<semaphore_mem>>)
      %dma_wait3A = arith.constant 0 : i32
      %dma_wait3A_60 = tpu.memref_slice %arg21[%add3A_13, %dma_wait3A] : memref<10008x16xf32, #tpu.memory_space<vmem_shared>> -> memref<104x16xf32, #tpu.memory_space<vmem_shared>>
      %dma_wait3A_61 = arith.constant 0 : i32
      %dma_wait3A_62 = tpu.memref_slice %arg21[%add3A_13, %dma_wait3A_61] : memref<10008x16xf32, #tpu.memory_space<vmem_shared>> -> memref<104x16xf32, #tpu.memory_space<vmem_shared>>
      tpu.wait_dma2 semaphore(%run_scoped3A : memref<!tpu.dma_semaphore, #tpu.memory_space<semaphore_mem>>) src(%arg19 : memref<104x16xf32, #tpu.memory_space<vmem>>) dst(%dma_wait3A_62 : memref<104x16xf32, #tpu.memory_space<vmem_shared>>)
      tpu.yield
    }) : () -> ()
    %add3A_14 = arith.constant 208 : i32
    %add3A_15 = arith.addi %mul3A_0, %add3A_14 : i32
    "tpu.region"() ({
      %run_scoped3A = tpu.sem_alloc : memref<!tpu.dma_semaphore, #tpu.memory_space<semaphore_mem>>
      %dma_start3A = arith.constant 0 : i32
      %dma_start3A_57 = tpu.memref_slice %arg20[%add3A_15, %dma_start3A] : memref<10008x128xf32, #tpu.memory_space<vmem_shared>> -> memref<104x128xf32, #tpu.memory_space<vmem_shared>>
      %dma_start3A_58 = arith.constant 0 : i32
      %dma_start3A_59 = tpu.memref_slice %arg20[%add3A_15, %dma_start3A_58] : memref<10008x128xf32, #tpu.memory_space<vmem_shared>> -> memref<104x128xf32, #tpu.memory_space<vmem_shared>>
      tpu.enqueue_dma source(%arg18 : memref<104x128xf32, #tpu.memory_space<vmem>>) target(%dma_start3A_59 : memref<104x128xf32, #tpu.memory_space<vmem_shared>>) target_semaphore(%run_scoped3A : memref<!tpu.dma_semaphore, #tpu.memory_space<semaphore_mem>>)
      %dma_wait3A = arith.constant 0 : i32
      %dma_wait3A_60 = tpu.memref_slice %arg20[%add3A_15, %dma_wait3A] : memref<10008x128xf32, #tpu.memory_space<vmem_shared>> -> memref<104x128xf32, #tpu.memory_space<vmem_shared>>
      %dma_wait3A_61 = arith.constant 0 : i32
      %dma_wait3A_62 = tpu.memref_slice %arg20[%add3A_15, %dma_wait3A_61] : memref<10008x128xf32, #tpu.memory_space<vmem_shared>> -> memref<104x128xf32, #tpu.memory_space<vmem_shared>>
      tpu.wait_dma2 semaphore(%run_scoped3A : memref<!tpu.dma_semaphore, #tpu.memory_space<semaphore_mem>>) src(%arg18 : memref<104x128xf32, #tpu.memory_space<vmem>>) dst(%dma_wait3A_62 : memref<104x128xf32, #tpu.memory_space<vmem_shared>>)
      tpu.yield
    }) : () -> ()
    %add3A_16 = arith.constant 208 : i32
    %add3A_17 = arith.addi %mul3A_0, %add3A_16 : i32
    "tpu.region"() ({
      %run_scoped3A = tpu.sem_alloc : memref<!tpu.dma_semaphore, #tpu.memory_space<semaphore_mem>>
      %dma_start3A = arith.constant 0 : i32
      %dma_start3A_57 = tpu.memref_slice %arg21[%add3A_17, %dma_start3A] : memref<10008x16xf32, #tpu.memory_space<vmem_shared>> -> memref<104x16xf32, #tpu.memory_space<vmem_shared>>
      %dma_start3A_58 = arith.constant 0 : i32
      %dma_start3A_59 = tpu.memref_slice %arg21[%add3A_17, %dma_start3A_58] : memref<10008x16xf32, #tpu.memory_space<vmem_shared>> -> memref<104x16xf32, #tpu.memory_space<vmem_shared>>
      tpu.enqueue_dma source(%arg19 : memref<104x16xf32, #tpu.memory_space<vmem>>) target(%dma_start3A_59 : memref<104x16xf32, #tpu.memory_space<vmem_shared>>) target_semaphore(%run_scoped3A : memref<!tpu.dma_semaphore, #tpu.memory_space<semaphore_mem>>)
      %dma_wait3A = arith.constant 0 : i32
      %dma_wait3A_60 = tpu.memref_slice %arg21[%add3A_17, %dma_wait3A] : memref<10008x16xf32, #tpu.memory_space<vmem_shared>> -> memref<104x16xf32, #tpu.memory_space<vmem_shared>>
      %dma_wait3A_61 = arith.constant 0 : i32
      %dma_wait3A_62 = tpu.memref_slice %arg21[%add3A_17, %dma_wait3A_61] : memref<10008x16xf32, #tpu.memory_space<vmem_shared>> -> memref<104x16xf32, #tpu.memory_space<vmem_shared>>
      tpu.wait_dma2 semaphore(%run_scoped3A : memref<!tpu.dma_semaphore, #tpu.memory_space<semaphore_mem>>) src(%arg19 : memref<104x16xf32, #tpu.memory_space<vmem>>) dst(%dma_wait3A_62 : memref<104x16xf32, #tpu.memory_space<vmem_shared>>)
      tpu.yield
    }) : () -> ()
    %add3A_18 = arith.constant 312 : i32
    %add3A_19 = arith.addi %mul3A_0, %add3A_18 : i32
    "tpu.region"() ({
      %run_scoped3A = tpu.sem_alloc : memref<!tpu.dma_semaphore, #tpu.memory_space<semaphore_mem>>
      %dma_start3A = arith.constant 0 : i32
      %dma_start3A_57 = tpu.memref_slice %arg20[%add3A_19, %dma_start3A] : memref<10008x128xf32, #tpu.memory_space<vmem_shared>> -> memref<104x128xf32, #tpu.memory_space<vmem_shared>>
      %dma_start3A_58 = arith.constant 0 : i32
      %dma_start3A_59 = tpu.memref_slice %arg20[%add3A_19, %dma_start3A_58] : memref<10008x128xf32, #tpu.memory_space<vmem_shared>> -> memref<104x128xf32, #tpu.memory_space<vmem_shared>>
      tpu.enqueue_dma source(%arg18 : memref<104x128xf32, #tpu.memory_space<vmem>>) target(%dma_start3A_59 : memref<104x128xf32, #tpu.memory_space<vmem_shared>>) target_semaphore(%run_scoped3A : memref<!tpu.dma_semaphore, #tpu.memory_space<semaphore_mem>>)
      %dma_wait3A = arith.constant 0 : i32
      %dma_wait3A_60 = tpu.memref_slice %arg20[%add3A_19, %dma_wait3A] : memref<10008x128xf32, #tpu.memory_space<vmem_shared>> -> memref<104x128xf32, #tpu.memory_space<vmem_shared>>
      %dma_wait3A_61 = arith.constant 0 : i32
      %dma_wait3A_62 = tpu.memref_slice %arg20[%add3A_19, %dma_wait3A_61] : memref<10008x128xf32, #tpu.memory_space<vmem_shared>> -> memref<104x128xf32, #tpu.memory_space<vmem_shared>>
      tpu.wait_dma2 semaphore(%run_scoped3A : memref<!tpu.dma_semaphore, #tpu.memory_space<semaphore_mem>>) src(%arg18 : memref<104x128xf32, #tpu.memory_space<vmem>>) dst(%dma_wait3A_62 : memref<104x128xf32, #tpu.memory_space<vmem_shared>>)
      tpu.yield
    }) : () -> ()
    %add3A_20 = arith.constant 312 : i32
    %add3A_21 = arith.addi %mul3A_0, %add3A_20 : i32
    "tpu.region"() ({
      %run_scoped3A = tpu.sem_alloc : memref<!tpu.dma_semaphore, #tpu.memory_space<semaphore_mem>>
      %dma_start3A = arith.constant 0 : i32
      %dma_start3A_57 = tpu.memref_slice %arg21[%add3A_21, %dma_start3A] : memref<10008x16xf32, #tpu.memory_space<vmem_shared>> -> memref<104x16xf32, #tpu.memory_space<vmem_shared>>
      %dma_start3A_58 = arith.constant 0 : i32
      %dma_start3A_59 = tpu.memref_slice %arg21[%add3A_21, %dma_start3A_58] : memref<10008x16xf32, #tpu.memory_space<vmem_shared>> -> memref<104x16xf32, #tpu.memory_space<vmem_shared>>
      tpu.enqueue_dma source(%arg19 : memref<104x16xf32, #tpu.memory_space<vmem>>) target(%dma_start3A_59 : memref<104x16xf32, #tpu.memory_space<vmem_shared>>) target_semaphore(%run_scoped3A : memref<!tpu.dma_semaphore, #tpu.memory_space<semaphore_mem>>)
      %dma_wait3A = arith.constant 0 : i32
      %dma_wait3A_60 = tpu.memref_slice %arg21[%add3A_21, %dma_wait3A] : memref<10008x16xf32, #tpu.memory_space<vmem_shared>> -> memref<104x16xf32, #tpu.memory_space<vmem_shared>>
      %dma_wait3A_61 = arith.constant 0 : i32
      %dma_wait3A_62 = tpu.memref_slice %arg21[%add3A_21, %dma_wait3A_61] : memref<10008x16xf32, #tpu.memory_space<vmem_shared>> -> memref<104x16xf32, #tpu.memory_space<vmem_shared>>
      tpu.wait_dma2 semaphore(%run_scoped3A : memref<!tpu.dma_semaphore, #tpu.memory_space<semaphore_mem>>) src(%arg19 : memref<104x16xf32, #tpu.memory_space<vmem>>) dst(%dma_wait3A_62 : memref<104x16xf32, #tpu.memory_space<vmem_shared>>)
      tpu.yield
    }) : () -> ()
    %add3A_22 = arith.constant 416 : i32
    %add3A_23 = arith.addi %mul3A_0, %add3A_22 : i32
    "tpu.region"() ({
      %run_scoped3A = tpu.sem_alloc : memref<!tpu.dma_semaphore, #tpu.memory_space<semaphore_mem>>
      %dma_start3A = arith.constant 0 : i32
      %dma_start3A_57 = tpu.memref_slice %arg20[%add3A_23, %dma_start3A] : memref<10008x128xf32, #tpu.memory_space<vmem_shared>> -> memref<104x128xf32, #tpu.memory_space<vmem_shared>>
      %dma_start3A_58 = arith.constant 0 : i32
      %dma_start3A_59 = tpu.memref_slice %arg20[%add3A_23, %dma_start3A_58] : memref<10008x128xf32, #tpu.memory_space<vmem_shared>> -> memref<104x128xf32, #tpu.memory_space<vmem_shared>>
      tpu.enqueue_dma source(%arg18 : memref<104x128xf32, #tpu.memory_space<vmem>>) target(%dma_start3A_59 : memref<104x128xf32, #tpu.memory_space<vmem_shared>>) target_semaphore(%run_scoped3A : memref<!tpu.dma_semaphore, #tpu.memory_space<semaphore_mem>>)
      %dma_wait3A = arith.constant 0 : i32
      %dma_wait3A_60 = tpu.memref_slice %arg20[%add3A_23, %dma_wait3A] : memref<10008x128xf32, #tpu.memory_space<vmem_shared>> -> memref<104x128xf32, #tpu.memory_space<vmem_shared>>
      %dma_wait3A_61 = arith.constant 0 : i32
      %dma_wait3A_62 = tpu.memref_slice %arg20[%add3A_23, %dma_wait3A_61] : memref<10008x128xf32, #tpu.memory_space<vmem_shared>> -> memref<104x128xf32, #tpu.memory_space<vmem_shared>>
      tpu.wait_dma2 semaphore(%run_scoped3A : memref<!tpu.dma_semaphore, #tpu.memory_space<semaphore_mem>>) src(%arg18 : memref<104x128xf32, #tpu.memory_space<vmem>>) dst(%dma_wait3A_62 : memref<104x128xf32, #tpu.memory_space<vmem_shared>>)
      tpu.yield
    }) : () -> ()
    %add3A_24 = arith.constant 416 : i32
    %add3A_25 = arith.addi %mul3A_0, %add3A_24 : i32
    "tpu.region"() ({
      %run_scoped3A = tpu.sem_alloc : memref<!tpu.dma_semaphore, #tpu.memory_space<semaphore_mem>>
      %dma_start3A = arith.constant 0 : i32
      %dma_start3A_57 = tpu.memref_slice %arg21[%add3A_25, %dma_start3A] : memref<10008x16xf32, #tpu.memory_space<vmem_shared>> -> memref<104x16xf32, #tpu.memory_space<vmem_shared>>
      %dma_start3A_58 = arith.constant 0 : i32
      %dma_start3A_59 = tpu.memref_slice %arg21[%add3A_25, %dma_start3A_58] : memref<10008x16xf32, #tpu.memory_space<vmem_shared>> -> memref<104x16xf32, #tpu.memory_space<vmem_shared>>
      tpu.enqueue_dma source(%arg19 : memref<104x16xf32, #tpu.memory_space<vmem>>) target(%dma_start3A_59 : memref<104x16xf32, #tpu.memory_space<vmem_shared>>) target_semaphore(%run_scoped3A : memref<!tpu.dma_semaphore, #tpu.memory_space<semaphore_mem>>)
      %dma_wait3A = arith.constant 0 : i32
      %dma_wait3A_60 = tpu.memref_slice %arg21[%add3A_25, %dma_wait3A] : memref<10008x16xf32, #tpu.memory_space<vmem_shared>> -> memref<104x16xf32, #tpu.memory_space<vmem_shared>>
      %dma_wait3A_61 = arith.constant 0 : i32
      %dma_wait3A_62 = tpu.memref_slice %arg21[%add3A_25, %dma_wait3A_61] : memref<10008x16xf32, #tpu.memory_space<vmem_shared>> -> memref<104x16xf32, #tpu.memory_space<vmem_shared>>
      tpu.wait_dma2 semaphore(%run_scoped3A : memref<!tpu.dma_semaphore, #tpu.memory_space<semaphore_mem>>) src(%arg19 : memref<104x16xf32, #tpu.memory_space<vmem>>) dst(%dma_wait3A_62 : memref<104x16xf32, #tpu.memory_space<vmem_shared>>)
      tpu.yield
    }) : () -> ()
    %add3A_26 = arith.constant 520 : i32
    %add3A_27 = arith.addi %mul3A_0, %add3A_26 : i32
    "tpu.region"() ({
      %run_scoped3A = tpu.sem_alloc : memref<!tpu.dma_semaphore, #tpu.memory_space<semaphore_mem>>
      %dma_start3A = arith.constant 0 : i32
      %dma_start3A_57 = tpu.memref_slice %arg20[%add3A_27, %dma_start3A] : memref<10008x128xf32, #tpu.memory_space<vmem_shared>> -> memref<104x128xf32, #tpu.memory_space<vmem_shared>>
      %dma_start3A_58 = arith.constant 0 : i32
      %dma_start3A_59 = tpu.memref_slice %arg20[%add3A_27, %dma_start3A_58] : memref<10008x128xf32, #tpu.memory_space<vmem_shared>> -> memref<104x128xf32, #tpu.memory_space<vmem_shared>>
      tpu.enqueue_dma source(%arg18 : memref<104x128xf32, #tpu.memory_space<vmem>>) target(%dma_start3A_59 : memref<104x128xf32, #tpu.memory_space<vmem_shared>>) target_semaphore(%run_scoped3A : memref<!tpu.dma_semaphore, #tpu.memory_space<semaphore_mem>>)
      %dma_wait3A = arith.constant 0 : i32
      %dma_wait3A_60 = tpu.memref_slice %arg20[%add3A_27, %dma_wait3A] : memref<10008x128xf32, #tpu.memory_space<vmem_shared>> -> memref<104x128xf32, #tpu.memory_space<vmem_shared>>
      %dma_wait3A_61 = arith.constant 0 : i32
      %dma_wait3A_62 = tpu.memref_slice %arg20[%add3A_27, %dma_wait3A_61] : memref<10008x128xf32, #tpu.memory_space<vmem_shared>> -> memref<104x128xf32, #tpu.memory_space<vmem_shared>>
      tpu.wait_dma2 semaphore(%run_scoped3A : memref<!tpu.dma_semaphore, #tpu.memory_space<semaphore_mem>>) src(%arg18 : memref<104x128xf32, #tpu.memory_space<vmem>>) dst(%dma_wait3A_62 : memref<104x128xf32, #tpu.memory_space<vmem_shared>>)
      tpu.yield
    }) : () -> ()
    %add3A_28 = arith.constant 520 : i32
    %add3A_29 = arith.addi %mul3A_0, %add3A_28 : i32
    "tpu.region"() ({
      %run_scoped3A = tpu.sem_alloc : memref<!tpu.dma_semaphore, #tpu.memory_space<semaphore_mem>>
      %dma_start3A = arith.constant 0 : i32
      %dma_start3A_57 = tpu.memref_slice %arg21[%add3A_29, %dma_start3A] : memref<10008x16xf32, #tpu.memory_space<vmem_shared>> -> memref<104x16xf32, #tpu.memory_space<vmem_shared>>
      %dma_start3A_58 = arith.constant 0 : i32
      %dma_start3A_59 = tpu.memref_slice %arg21[%add3A_29, %dma_start3A_58] : memref<10008x16xf32, #tpu.memory_space<vmem_shared>> -> memref<104x16xf32, #tpu.memory_space<vmem_shared>>
      tpu.enqueue_dma source(%arg19 : memref<104x16xf32, #tpu.memory_space<vmem>>) target(%dma_start3A_59 : memref<104x16xf32, #tpu.memory_space<vmem_shared>>) target_semaphore(%run_scoped3A : memref<!tpu.dma_semaphore, #tpu.memory_space<semaphore_mem>>)
      %dma_wait3A = arith.constant 0 : i32
      %dma_wait3A_60 = tpu.memref_slice %arg21[%add3A_29, %dma_wait3A] : memref<10008x16xf32, #tpu.memory_space<vmem_shared>> -> memref<104x16xf32, #tpu.memory_space<vmem_shared>>
      %dma_wait3A_61 = arith.constant 0 : i32
      %dma_wait3A_62 = tpu.memref_slice %arg21[%add3A_29, %dma_wait3A_61] : memref<10008x16xf32, #tpu.memory_space<vmem_shared>> -> memref<104x16xf32, #tpu.memory_space<vmem_shared>>
      tpu.wait_dma2 semaphore(%run_scoped3A : memref<!tpu.dma_semaphore, #tpu.memory_space<semaphore_mem>>) src(%arg19 : memref<104x16xf32, #tpu.memory_space<vmem>>) dst(%dma_wait3A_62 : memref<104x16xf32, #tpu.memory_space<vmem_shared>>)
      tpu.yield
    }) : () -> ()
    %eq3A = arith.constant 15 : i32
    %eq3A_30 = arith.cmpi eq, %arg1, %eq3A : i32
    %convert_element_type3A = arith.extui %eq3A_30 : i1 to i32
    %cond3A = arith.constant 0 : i32
    %cond3A_31 = arith.cmpi ne, %convert_element_type3A, %cond3A : i32
    scf.if %cond3A_31 {
      "tpu.region"() ({
        %run_scoped3A = tpu.sem_alloc : memref<!tpu.dma_semaphore, #tpu.memory_space<semaphore_mem>>
        %dma_start3A = arith.constant 0 : i32
        %dma_start3A_57 = arith.constant 0 : i32
        %dma_start3A_58 = tpu.memref_slice %arg18[%dma_start3A, %dma_start3A_57] : memref<104x128xf32, #tpu.memory_space<vmem>> -> memref<24x128xf32, #tpu.memory_space<vmem>>
        %dma_start3A_59 = arith.constant 9984 : i32
        %dma_start3A_60 = arith.constant 0 : i32
        %dma_start3A_61 = tpu.memref_slice %arg20[%dma_start3A_59, %dma_start3A_60] : memref<10008x128xf32, #tpu.memory_space<vmem_shared>> -> memref<24x128xf32, #tpu.memory_space<vmem_shared>>
        %dma_start3A_62 = arith.constant 9984 : i32
        %dma_start3A_63 = arith.constant 0 : i32
        %dma_start3A_64 = tpu.memref_slice %arg20[%dma_start3A_62, %dma_start3A_63] : memref<10008x128xf32, #tpu.memory_space<vmem_shared>> -> memref<24x128xf32, #tpu.memory_space<vmem_shared>>
        %dma_start3A_65 = arith.constant 0 : i32
        %dma_start3A_66 = arith.constant 0 : i32
        %dma_start3A_67 = tpu.memref_slice %arg18[%dma_start3A_65, %dma_start3A_66] : memref<104x128xf32, #tpu.memory_space<vmem>> -> memref<24x128xf32, #tpu.memory_space<vmem>>
        tpu.enqueue_dma source(%dma_start3A_67 : memref<24x128xf32, #tpu.memory_space<vmem>>) target(%dma_start3A_64 : memref<24x128xf32, #tpu.memory_space<vmem_shared>>) target_semaphore(%run_scoped3A : memref<!tpu.dma_semaphore, #tpu.memory_space<semaphore_mem>>)
        %dma_wait3A = arith.constant 0 : i32
        %dma_wait3A_68 = arith.constant 0 : i32
        %dma_wait3A_69 = tpu.memref_slice %arg18[%dma_wait3A, %dma_wait3A_68] : memref<104x128xf32, #tpu.memory_space<vmem>> -> memref<24x128xf32, #tpu.memory_space<vmem>>
        %dma_wait3A_70 = arith.constant 9984 : i32
        %dma_wait3A_71 = arith.constant 0 : i32
        %dma_wait3A_72 = tpu.memref_slice %arg20[%dma_wait3A_70, %dma_wait3A_71] : memref<10008x128xf32, #tpu.memory_space<vmem_shared>> -> memref<24x128xf32, #tpu.memory_space<vmem_shared>>
        %dma_wait3A_73 = arith.constant 9984 : i32
        %dma_wait3A_74 = arith.constant 0 : i32
        %dma_wait3A_75 = tpu.memref_slice %arg20[%dma_wait3A_73, %dma_wait3A_74] : memref<10008x128xf32, #tpu.memory_space<vmem_shared>> -> memref<24x128xf32, #tpu.memory_space<vmem_shared>>
        %dma_wait3A_76 = arith.constant 0 : i32
        %dma_wait3A_77 = arith.constant 0 : i32
        %dma_wait3A_78 = tpu.memref_slice %arg18[%dma_wait3A_76, %dma_wait3A_77] : memref<104x128xf32, #tpu.memory_space<vmem>> -> memref<24x128xf32, #tpu.memory_space<vmem>>
        tpu.wait_dma2 semaphore(%run_scoped3A : memref<!tpu.dma_semaphore, #tpu.memory_space<semaphore_mem>>) src(%dma_wait3A_78 : memref<24x128xf32, #tpu.memory_space<vmem>>) dst(%dma_wait3A_75 : memref<24x128xf32, #tpu.memory_space<vmem_shared>>)
        tpu.yield
      }) : () -> ()
      "tpu.region"() ({
        %run_scoped3A = tpu.sem_alloc : memref<!tpu.dma_semaphore, #tpu.memory_space<semaphore_mem>>
        %dma_start3A = arith.constant 0 : i32
        %dma_start3A_57 = arith.constant 0 : i32
        %dma_start3A_58 = tpu.memref_slice %arg19[%dma_start3A, %dma_start3A_57] : memref<104x16xf32, #tpu.memory_space<vmem>> -> memref<24x16xf32, #tpu.memory_space<vmem>>
        %dma_start3A_59 = arith.constant 9984 : i32
        %dma_start3A_60 = arith.constant 0 : i32
        %dma_start3A_61 = tpu.memref_slice %arg21[%dma_start3A_59, %dma_start3A_60] : memref<10008x16xf32, #tpu.memory_space<vmem_shared>> -> memref<24x16xf32, #tpu.memory_space<vmem_shared>>
        %dma_start3A_62 = arith.constant 9984 : i32
        %dma_start3A_63 = arith.constant 0 : i32
        %dma_start3A_64 = tpu.memref_slice %arg21[%dma_start3A_62, %dma_start3A_63] : memref<10008x16xf32, #tpu.memory_space<vmem_shared>> -> memref<24x16xf32, #tpu.memory_space<vmem_shared>>
        %dma_start3A_65 = arith.constant 0 : i32
        %dma_start3A_66 = arith.constant 0 : i32
        %dma_start3A_67 = tpu.memref_slice %arg19[%dma_start3A_65, %dma_start3A_66] : memref<104x16xf32, #tpu.memory_space<vmem>> -> memref<24x16xf32, #tpu.memory_space<vmem>>
        tpu.enqueue_dma source(%dma_start3A_67 : memref<24x16xf32, #tpu.memory_space<vmem>>) target(%dma_start3A_64 : memref<24x16xf32, #tpu.memory_space<vmem_shared>>) target_semaphore(%run_scoped3A : memref<!tpu.dma_semaphore, #tpu.memory_space<semaphore_mem>>)
        %dma_wait3A = arith.constant 0 : i32
        %dma_wait3A_68 = arith.constant 0 : i32
        %dma_wait3A_69 = tpu.memref_slice %arg19[%dma_wait3A, %dma_wait3A_68] : memref<104x16xf32, #tpu.memory_space<vmem>> -> memref<24x16xf32, #tpu.memory_space<vmem>>
        %dma_wait3A_70 = arith.constant 9984 : i32
        %dma_wait3A_71 = arith.constant 0 : i32
        %dma_wait3A_72 = tpu.memref_slice %arg21[%dma_wait3A_70, %dma_wait3A_71] : memref<10008x16xf32, #tpu.memory_space<vmem_shared>> -> memref<24x16xf32, #tpu.memory_space<vmem_shared>>
        %dma_wait3A_73 = arith.constant 9984 : i32
        %dma_wait3A_74 = arith.constant 0 : i32
        %dma_wait3A_75 = tpu.memref_slice %arg21[%dma_wait3A_73, %dma_wait3A_74] : memref<10008x16xf32, #tpu.memory_space<vmem_shared>> -> memref<24x16xf32, #tpu.memory_space<vmem_shared>>
        %dma_wait3A_76 = arith.constant 0 : i32
        %dma_wait3A_77 = arith.constant 0 : i32
        %dma_wait3A_78 = tpu.memref_slice %arg19[%dma_wait3A_76, %dma_wait3A_77] : memref<104x16xf32, #tpu.memory_space<vmem>> -> memref<24x16xf32, #tpu.memory_space<vmem>>
        tpu.wait_dma2 semaphore(%run_scoped3A : memref<!tpu.dma_semaphore, #tpu.memory_space<semaphore_mem>>) src(%dma_wait3A_78 : memref<24x16xf32, #tpu.memory_space<vmem>>) dst(%dma_wait3A_75 : memref<24x16xf32, #tpu.memory_space<vmem_shared>>)
        tpu.yield
      }) : () -> ()
    } else {
    }
    %barrier3A = arith.constant 0 : index
    tpu.barrier barrier_id(%barrier3A)
    %scan3A_32 = arith.constant 0 : i32
    %scan3A_33 = arith.constant -1 : i32
    %scan3A_34 = arith.constant 81 : i32
    %scan3A_35 = arith.addi %scan3A_33, %scan3A_34 : i32
    %scan3A_36 = arith.constant 1 : i32
    %scan3A_37 = scf.for %scan3A_57 = %scan3A_33 to %scan3A_35 step %scan3A_36 iter_args(%scan3A_58 = %scan3A_32) -> (i32)  : i32 {
      %mul3A_59 = arith.constant 2 : i32
      %mul3A_60 = arith.muli %mul3A_59, %scan3A_57 : i32
      %ge3A = arith.constant 0 : i32
      %ge3A_61 = arith.cmpi sge, %scan3A_57, %ge3A : i32
      %lt3A = arith.constant 157 : i32
      %lt3A_62 = arith.cmpi slt, %mul3A_60, %lt3A : i32
      %and3A = arith.andi %ge3A_61, %lt3A_62 : i1
      %convert_element_type3A_63 = arith.extui %and3A : i1 to i32
      %cond3A_64 = arith.constant 0 : i32
      %cond3A_65 = arith.cmpi ne, %convert_element_type3A_63, %cond3A_64 : i32
      scf.if %cond3A_65 {
        %dma_wait3A = arith.constant 0 : i32
        %dma_wait3A_101 = arith.constant 0 : i32
        %dma_wait3A_102 = tpu.memref_slice %arg8[%dma_wait3A, %dma_wait3A_101] : memref<3x64xi32, #tpu.memory_space<vmem>> -> memref<1x64xi32, #tpu.memory_space<vmem>>
        %dma_wait3A_103 = tpu.memref_squeeze %dma_wait3A_102 : memref<1x64xi32, #tpu.memory_space<vmem>> -> memref<64xi32, #tpu.memory_space<vmem>>
        %dma_wait3A_104 = arith.constant 0 : i32
        %dma_wait3A_105 = arith.constant 0 : i32
        %dma_wait3A_106 = tpu.memref_slice %arg3[%dma_wait3A_104, %dma_wait3A_105] : memref<10008x16xf32, #tpu.memory_space<hbm>> -> memref<10008x16xf32, #tpu.memory_space<hbm>>
        tpu.wait_indirect_dma semaphore(%arg22 : memref<!tpu.dma_semaphore, #tpu.memory_space<semaphore_mem>>) src(%dma_wait3A_106 : memref<10008x16xf32, #tpu.memory_space<hbm>>) dst(%arg9 : memref<64x16xf32, #tpu.memory_space<vmem>>)
        %dma_wait3A_107 = arith.constant 1 : i32
        %dma_wait3A_108 = arith.constant 0 : i32
        %dma_wait3A_109 = tpu.memref_slice %arg8[%dma_wait3A_107, %dma_wait3A_108] : memref<3x64xi32, #tpu.memory_space<vmem>> -> memref<1x64xi32, #tpu.memory_space<vmem>>
        %dma_wait3A_110 = tpu.memref_squeeze %dma_wait3A_109 : memref<1x64xi32, #tpu.memory_space<vmem>> -> memref<64xi32, #tpu.memory_space<vmem>>
        %dma_wait3A_111 = arith.constant 0 : i32
        %dma_wait3A_112 = arith.constant 0 : i32
        %dma_wait3A_113 = tpu.memref_slice %arg4[%dma_wait3A_111, %dma_wait3A_112] : memref<10008x16xf32, #tpu.memory_space<hbm>> -> memref<10008x16xf32, #tpu.memory_space<hbm>>
        tpu.wait_indirect_dma semaphore(%arg23 : memref<!tpu.dma_semaphore, #tpu.memory_space<semaphore_mem>>) src(%dma_wait3A_113 : memref<10008x16xf32, #tpu.memory_space<hbm>>) dst(%arg10 : memref<64x16xf32, #tpu.memory_space<vmem>>)
        %scan3A_114 = arith.constant 0 : i32
        %scan3A_115 = arith.constant 0 : i32
        %scan3A_116 = arith.constant 4 : i32
        %scan3A_117 = arith.addi %scan3A_115, %scan3A_116 : i32
        %scan3A_118 = arith.constant 1 : i32
        %scan3A_119 = scf.for %scan3A_148 = %scan3A_115 to %scan3A_117 step %scan3A_118 iter_args(%scan3A_149 = %scan3A_114) -> (i32)  : i32 {
          %mul3A_150 = arith.constant 16 : i32
          %mul3A_151 = arith.muli %mul3A_150, %scan3A_148 : i32
          %get3A = arith.constant 2 : i32
          %get3A_152 = arith.index_cast %get3A : i32 to index
          %get3A_153 = arith.index_cast %mul3A_151 : i32 to index
          %get3A_154 = tpu.vector_load %arg8[%get3A_152, %get3A_153] {strides = array<i32>} : memref<3x64xi32, #tpu.memory_space<vmem>>, vector<16xi32>,
          %bitcast3A = vector.bitcast %get3A_154 : vector<16xi32> to vector<16xf32>
          %mul3A_155 = arith.constant 16 : i32
          %mul3A_156 = arith.muli %mul3A_155, %scan3A_148 : i32
          %add3A_157 = arith.constant 0 : i32
          %add3A_158 = arith.addi %mul3A_156, %add3A_157 : i32
          %get3A_159 = arith.index_cast %add3A_158 : i32 to index
          %get3A_160 = arith.constant 0 : index
          %get3A_161 = tpu.vector_load %arg9[%get3A_159, %get3A_160] {strides = array<i32>} : memref<64x16xf32, #tpu.memory_space<vmem>>, vector<16xf32>,
          %get3A_162 = arith.index_cast %add3A_158 : i32 to index
          %get3A_163 = arith.constant 0 : index
          %get3A_164 = tpu.vector_load %arg10[%get3A_162, %get3A_163] {strides = array<i32>} : memref<64x16xf32, #tpu.memory_space<vmem>>, vector<16xf32>,
          %add3A_165 = arith.addf %get3A_161, %get3A_164 : vector<16xf32>
          %mul3A_166 = arith.constant 1.000000e-01 : f32
          %mul3A_167 = vector.broadcast %mul3A_166 : f32 to vector<16xf32>
          %mul3A_168 = arith.mulf %mul3A_167, %add3A_165 : vector<16xf32>
          %max3A = arith.maximumf %add3A_165, %mul3A_168 : vector<16xf32>
          %slice3A = vector.extract_strided_slice %bitcast3A {offsets = [0], sizes = [1], strides = [1]} : vector<16xf32> to vector<1xf32>
          %squeeze3A = vector.extract %slice3A[0] : f32 from vector<1xf32>
          %mul3A_169 = vector.broadcast %squeeze3A : f32 to vector<16xf32>
          %mul3A_170 = arith.mulf %max3A, %mul3A_169 : vector<16xf32>
          %exp3A = math.exp %mul3A_170 : vector<16xf32>
          %swap3A = arith.index_cast %add3A_158 : i32 to index
          %swap3A_171 = arith.constant 0 : index
          %swap3A_172 = tpu.vector_load %arg11[%swap3A, %swap3A_171] {strides = array<i32>} : memref<64x16xf32, #tpu.memory_space<vmem>>, vector<16xf32>,
          tpu.vector_store %arg11[%swap3A, %swap3A_171], %exp3A {strides = array<i32>} : memref<64x16xf32, #tpu.memory_space<vmem>>, vector<16xf32>,
          %mul3A_173 = arith.constant 16 : i32
          %mul3A_174 = arith.muli %mul3A_173, %scan3A_148 : i32
          %add3A_175 = arith.constant 1 : i32
          %add3A_176 = arith.addi %mul3A_174, %add3A_175 : i32
          %get3A_177 = arith.index_cast %add3A_176 : i32 to index
          %get3A_178 = arith.constant 0 : index
          %get3A_179 = tpu.vector_load %arg9[%get3A_177, %get3A_178] {strides = array<i32>} : memref<64x16xf32, #tpu.memory_space<vmem>>, vector<16xf32>,
          %get3A_180 = arith.index_cast %add3A_176 : i32 to index
          %get3A_181 = arith.constant 0 : index
          %get3A_182 = tpu.vector_load %arg10[%get3A_180, %get3A_181] {strides = array<i32>} : memref<64x16xf32, #tpu.memory_space<vmem>>, vector<16xf32>,
          %add3A_183 = arith.addf %get3A_179, %get3A_182 : vector<16xf32>
          %mul3A_184 = arith.constant 1.000000e-01 : f32
          %mul3A_185 = vector.broadcast %mul3A_184 : f32 to vector<16xf32>
          %mul3A_186 = arith.mulf %mul3A_185, %add3A_183 : vector<16xf32>
          %max3A_187 = arith.maximumf %add3A_183, %mul3A_186 : vector<16xf32>
          %slice3A_188 = vector.extract_strided_slice %bitcast3A {offsets = [1], sizes = [1], strides = [1]} : vector<16xf32> to vector<1xf32>
          %squeeze3A_189 = vector.extract %slice3A_188[0] : f32 from vector<1xf32>
          %mul3A_190 = vector.broadcast %squeeze3A_189 : f32 to vector<16xf32>
          %mul3A_191 = arith.mulf %max3A_187, %mul3A_190 : vector<16xf32>
          %exp3A_192 = math.exp %mul3A_191 : vector<16xf32>
          %swap3A_193 = arith.index_cast %add3A_176 : i32 to index
          %swap3A_194 = arith.constant 0 : index
          %swap3A_195 = tpu.vector_load %arg11[%swap3A_193, %swap3A_194] {strides = array<i32>} : memref<64x16xf32, #tpu.memory_space<vmem>>, vector<16xf32>,
          tpu.vector_store %arg11[%swap3A_193, %swap3A_194], %exp3A_192 {strides = array<i32>} : memref<64x16xf32, #tpu.memory_space<vmem>>, vector<16xf32>,
          %mul3A_196 = arith.constant 16 : i32
          %mul3A_197 = arith.muli %mul3A_196, %scan3A_148 : i32
          %add3A_198 = arith.constant 2 : i32
          %add3A_199 = arith.addi %mul3A_197, %add3A_198 : i32
          %get3A_200 = arith.index_cast %add3A_199 : i32 to index
          %get3A_201 = arith.constant 0 : index
          %get3A_202 = tpu.vector_load %arg9[%get3A_200, %get3A_201] {strides = array<i32>} : memref<64x16xf32, #tpu.memory_space<vmem>>, vector<16xf32>,
          %get3A_203 = arith.index_cast %add3A_199 : i32 to index
          %get3A_204 = arith.constant 0 : index
          %get3A_205 = tpu.vector_load %arg10[%get3A_203, %get3A_204] {strides = array<i32>} : memref<64x16xf32, #tpu.memory_space<vmem>>, vector<16xf32>,
          %add3A_206 = arith.addf %get3A_202, %get3A_205 : vector<16xf32>
          %mul3A_207 = arith.constant 1.000000e-01 : f32
          %mul3A_208 = vector.broadcast %mul3A_207 : f32 to vector<16xf32>
          %mul3A_209 = arith.mulf %mul3A_208, %add3A_206 : vector<16xf32>
          %max3A_210 = arith.maximumf %add3A_206, %mul3A_209 : vector<16xf32>
          %slice3A_211 = vector.extract_strided_slice %bitcast3A {offsets = [2], sizes = [1], strides = [1]} : vector<16xf32> to vector<1xf32>
          %squeeze3A_212 = vector.extract %slice3A_211[0] : f32 from vector<1xf32>
          %mul3A_213 = vector.broadcast %squeeze3A_212 : f32 to vector<16xf32>
          %mul3A_214 = arith.mulf %max3A_210, %mul3A_213 : vector<16xf32>
          %exp3A_215 = math.exp %mul3A_214 : vector<16xf32>
          %swap3A_216 = arith.index_cast %add3A_199 : i32 to index
          %swap3A_217 = arith.constant 0 : index
          %swap3A_218 = tpu.vector_load %arg11[%swap3A_216, %swap3A_217] {strides = array<i32>} : memref<64x16xf32, #tpu.memory_space<vmem>>, vector<16xf32>,
          tpu.vector_store %arg11[%swap3A_216, %swap3A_217], %exp3A_215 {strides = array<i32>} : memref<64x16xf32, #tpu.memory_space<vmem>>, vector<16xf32>,
          %mul3A_219 = arith.constant 16 : i32
          %mul3A_220 = arith.muli %mul3A_219, %scan3A_148 : i32
          %add3A_221 = arith.constant 3 : i32
          %add3A_222 = arith.addi %mul3A_220, %add3A_221 : i32
          %get3A_223 = arith.index_cast %add3A_222 : i32 to index
          %get3A_224 = arith.constant 0 : index
          %get3A_225 = tpu.vector_load %arg9[%get3A_223, %get3A_224] {strides = array<i32>} : memref<64x16xf32, #tpu.memory_space<vmem>>, vector<16xf32>,
          %get3A_226 = arith.index_cast %add3A_222 : i32 to index
          %get3A_227 = arith.constant 0 : index
          %get3A_228 = tpu.vector_load %arg10[%get3A_226, %get3A_227] {strides = array<i32>} : memref<64x16xf32, #tpu.memory_space<vmem>>, vector<16xf32>,
          %add3A_229 = arith.addf %get3A_225, %get3A_228 : vector<16xf32>
          %mul3A_230 = arith.constant 1.000000e-01 : f32
          %mul3A_231 = vector.broadcast %mul3A_230 : f32 to vector<16xf32>
          %mul3A_232 = arith.mulf %mul3A_231, %add3A_229 : vector<16xf32>
          %max3A_233 = arith.maximumf %add3A_229, %mul3A_232 : vector<16xf32>
          %slice3A_234 = vector.extract_strided_slice %bitcast3A {offsets = [3], sizes = [1], strides = [1]} : vector<16xf32> to vector<1xf32>
          %squeeze3A_235 = vector.extract %slice3A_234[0] : f32 from vector<1xf32>
          %mul3A_236 = vector.broadcast %squeeze3A_235 : f32 to vector<16xf32>
          %mul3A_237 = arith.mulf %max3A_233, %mul3A_236 : vector<16xf32>
          %exp3A_238 = math.exp %mul3A_237 : vector<16xf32>
          %swap3A_239 = arith.index_cast %add3A_222 : i32 to index
          %swap3A_240 = arith.constant 0 : index
          %swap3A_241 = tpu.vector_load %arg11[%swap3A_239, %swap3A_240] {strides = array<i32>} : memref<64x16xf32, #tpu.memory_space<vmem>>, vector<16xf32>,
          tpu.vector_store %arg11[%swap3A_239, %swap3A_240], %exp3A_238 {strides = array<i32>} : memref<64x16xf32, #tpu.memory_space<vmem>>, vector<16xf32>,
          %mul3A_242 = arith.constant 16 : i32
          %mul3A_243 = arith.muli %mul3A_242, %scan3A_148 : i32
          %add3A_244 = arith.constant 4 : i32
          %add3A_245 = arith.addi %mul3A_243, %add3A_244 : i32
          %get3A_246 = arith.index_cast %add3A_245 : i32 to index
          %get3A_247 = arith.constant 0 : index
          %get3A_248 = tpu.vector_load %arg9[%get3A_246, %get3A_247] {strides = array<i32>} : memref<64x16xf32, #tpu.memory_space<vmem>>, vector<16xf32>,
          %get3A_249 = arith.index_cast %add3A_245 : i32 to index
          %get3A_250 = arith.constant 0 : index
          %get3A_251 = tpu.vector_load %arg10[%get3A_249, %get3A_250] {strides = array<i32>} : memref<64x16xf32, #tpu.memory_space<vmem>>, vector<16xf32>,
          %add3A_252 = arith.addf %get3A_248, %get3A_251 : vector<16xf32>
          %mul3A_253 = arith.constant 1.000000e-01 : f32
          %mul3A_254 = vector.broadcast %mul3A_253 : f32 to vector<16xf32>
          %mul3A_255 = arith.mulf %mul3A_254, %add3A_252 : vector<16xf32>
          %max3A_256 = arith.maximumf %add3A_252, %mul3A_255 : vector<16xf32>
          %slice3A_257 = vector.extract_strided_slice %bitcast3A {offsets = [4], sizes = [1], strides = [1]} : vector<16xf32> to vector<1xf32>
          %squeeze3A_258 = vector.extract %slice3A_257[0] : f32 from vector<1xf32>
          %mul3A_259 = vector.broadcast %squeeze3A_258 : f32 to vector<16xf32>
          %mul3A_260 = arith.mulf %max3A_256, %mul3A_259 : vector<16xf32>
          %exp3A_261 = math.exp %mul3A_260 : vector<16xf32>
          %swap3A_262 = arith.index_cast %add3A_245 : i32 to index
          %swap3A_263 = arith.constant 0 : index
          %swap3A_264 = tpu.vector_load %arg11[%swap3A_262, %swap3A_263] {strides = array<i32>} : memref<64x16xf32, #tpu.memory_space<vmem>>, vector<16xf32>,
          tpu.vector_store %arg11[%swap3A_262, %swap3A_263], %exp3A_261 {strides = array<i32>} : memref<64x16xf32, #tpu.memory_space<vmem>>, vector<16xf32>,
          %mul3A_265 = arith.constant 16 : i32
          %mul3A_266 = arith.muli %mul3A_265, %scan3A_148 : i32
          %add3A_267 = arith.constant 5 : i32
          %add3A_268 = arith.addi %mul3A_266, %add3A_267 : i32
          %get3A_269 = arith.index_cast %add3A_268 : i32 to index
          %get3A_270 = arith.constant 0 : index
          %get3A_271 = tpu.vector_load %arg9[%get3A_269, %get3A_270] {strides = array<i32>} : memref<64x16xf32, #tpu.memory_space<vmem>>, vector<16xf32>,
          %get3A_272 = arith.index_cast %add3A_268 : i32 to index
          %get3A_273 = arith.constant 0 : index
          %get3A_274 = tpu.vector_load %arg10[%get3A_272, %get3A_273] {strides = array<i32>} : memref<64x16xf32, #tpu.memory_space<vmem>>, vector<16xf32>,
          %add3A_275 = arith.addf %get3A_271, %get3A_274 : vector<16xf32>
          %mul3A_276 = arith.constant 1.000000e-01 : f32
          %mul3A_277 = vector.broadcast %mul3A_276 : f32 to vector<16xf32>
          %mul3A_278 = arith.mulf %mul3A_277, %add3A_275 : vector<16xf32>
          %max3A_279 = arith.maximumf %add3A_275, %mul3A_278 : vector<16xf32>
          %slice3A_280 = vector.extract_strided_slice %bitcast3A {offsets = [5], sizes = [1], strides = [1]} : vector<16xf32> to vector<1xf32>
          %squeeze3A_281 = vector.extract %slice3A_280[0] : f32 from vector<1xf32>
          %mul3A_282 = vector.broadcast %squeeze3A_281 : f32 to vector<16xf32>
          %mul3A_283 = arith.mulf %max3A_279, %mul3A_282 : vector<16xf32>
          %exp3A_284 = math.exp %mul3A_283 : vector<16xf32>
          %swap3A_285 = arith.index_cast %add3A_268 : i32 to index
          %swap3A_286 = arith.constant 0 : index
          %swap3A_287 = tpu.vector_load %arg11[%swap3A_285, %swap3A_286] {strides = array<i32>} : memref<64x16xf32, #tpu.memory_space<vmem>>, vector<16xf32>,
          tpu.vector_store %arg11[%swap3A_285, %swap3A_286], %exp3A_284 {strides = array<i32>} : memref<64x16xf32, #tpu.memory_space<vmem>>, vector<16xf32>,
          %mul3A_288 = arith.constant 16 : i32
          %mul3A_289 = arith.muli %mul3A_288, %scan3A_148 : i32
          %add3A_290 = arith.constant 6 : i32
          %add3A_291 = arith.addi %mul3A_289, %add3A_290 : i32
          %get3A_292 = arith.index_cast %add3A_291 : i32 to index
          %get3A_293 = arith.constant 0 : index
          %get3A_294 = tpu.vector_load %arg9[%get3A_292, %get3A_293] {strides = array<i32>} : memref<64x16xf32, #tpu.memory_space<vmem>>, vector<16xf32>,
          %get3A_295 = arith.index_cast %add3A_291 : i32 to index
          %get3A_296 = arith.constant 0 : index
          %get3A_297 = tpu.vector_load %arg10[%get3A_295, %get3A_296] {strides = array<i32>} : memref<64x16xf32, #tpu.memory_space<vmem>>, vector<16xf32>,
          %add3A_298 = arith.addf %get3A_294, %get3A_297 : vector<16xf32>
          %mul3A_299 = arith.constant 1.000000e-01 : f32
          %mul3A_300 = vector.broadcast %mul3A_299 : f32 to vector<16xf32>
          %mul3A_301 = arith.mulf %mul3A_300, %add3A_298 : vector<16xf32>
          %max3A_302 = arith.maximumf %add3A_298, %mul3A_301 : vector<16xf32>
          %slice3A_303 = vector.extract_strided_slice %bitcast3A {offsets = [6], sizes = [1], strides = [1]} : vector<16xf32> to vector<1xf32>
          %squeeze3A_304 = vector.extract %slice3A_303[0] : f32 from vector<1xf32>
          %mul3A_305 = vector.broadcast %squeeze3A_304 : f32 to vector<16xf32>
          %mul3A_306 = arith.mulf %max3A_302, %mul3A_305 : vector<16xf32>
          %exp3A_307 = math.exp %mul3A_306 : vector<16xf32>
          %swap3A_308 = arith.index_cast %add3A_291 : i32 to index
          %swap3A_309 = arith.constant 0 : index
          %swap3A_310 = tpu.vector_load %arg11[%swap3A_308, %swap3A_309] {strides = array<i32>} : memref<64x16xf32, #tpu.memory_space<vmem>>, vector<16xf32>,
          tpu.vector_store %arg11[%swap3A_308, %swap3A_309], %exp3A_307 {strides = array<i32>} : memref<64x16xf32, #tpu.memory_space<vmem>>, vector<16xf32>,
          %mul3A_311 = arith.constant 16 : i32
          %mul3A_312 = arith.muli %mul3A_311, %scan3A_148 : i32
          %add3A_313 = arith.constant 7 : i32
          %add3A_314 = arith.addi %mul3A_312, %add3A_313 : i32
          %get3A_315 = arith.index_cast %add3A_314 : i32 to index
          %get3A_316 = arith.constant 0 : index
          %get3A_317 = tpu.vector_load %arg9[%get3A_315, %get3A_316] {strides = array<i32>} : memref<64x16xf32, #tpu.memory_space<vmem>>, vector<16xf32>,
          %get3A_318 = arith.index_cast %add3A_314 : i32 to index
          %get3A_319 = arith.constant 0 : index
          %get3A_320 = tpu.vector_load %arg10[%get3A_318, %get3A_319] {strides = array<i32>} : memref<64x16xf32, #tpu.memory_space<vmem>>, vector<16xf32>,
          %add3A_321 = arith.addf %get3A_317, %get3A_320 : vector<16xf32>
          %mul3A_322 = arith.constant 1.000000e-01 : f32
          %mul3A_323 = vector.broadcast %mul3A_322 : f32 to vector<16xf32>
          %mul3A_324 = arith.mulf %mul3A_323, %add3A_321 : vector<16xf32>
          %max3A_325 = arith.maximumf %add3A_321, %mul3A_324 : vector<16xf32>
          %slice3A_326 = vector.extract_strided_slice %bitcast3A {offsets = [7], sizes = [1], strides = [1]} : vector<16xf32> to vector<1xf32>
          %squeeze3A_327 = vector.extract %slice3A_326[0] : f32 from vector<1xf32>
          %mul3A_328 = vector.broadcast %squeeze3A_327 : f32 to vector<16xf32>
          %mul3A_329 = arith.mulf %max3A_325, %mul3A_328 : vector<16xf32>
          %exp3A_330 = math.exp %mul3A_329 : vector<16xf32>
          %swap3A_331 = arith.index_cast %add3A_314 : i32 to index
          %swap3A_332 = arith.constant 0 : index
          %swap3A_333 = tpu.vector_load %arg11[%swap3A_331, %swap3A_332] {strides = array<i32>} : memref<64x16xf32, #tpu.memory_space<vmem>>, vector<16xf32>,
          tpu.vector_store %arg11[%swap3A_331, %swap3A_332], %exp3A_330 {strides = array<i32>} : memref<64x16xf32, #tpu.memory_space<vmem>>, vector<16xf32>,
          %mul3A_334 = arith.constant 16 : i32
          %mul3A_335 = arith.muli %mul3A_334, %scan3A_148 : i32
          %add3A_336 = arith.constant 8 : i32
          %add3A_337 = arith.addi %mul3A_335, %add3A_336 : i32
          %get3A_338 = arith.index_cast %add3A_337 : i32 to index
          %get3A_339 = arith.constant 0 : index
          %get3A_340 = tpu.vector_load %arg9[%get3A_338, %get3A_339] {strides = array<i32>} : memref<64x16xf32, #tpu.memory_space<vmem>>, vector<16xf32>,
          %get3A_341 = arith.index_cast %add3A_337 : i32 to index
          %get3A_342 = arith.constant 0 : index
          %get3A_343 = tpu.vector_load %arg10[%get3A_341, %get3A_342] {strides = array<i32>} : memref<64x16xf32, #tpu.memory_space<vmem>>, vector<16xf32>,
          %add3A_344 = arith.addf %get3A_340, %get3A_343 : vector<16xf32>
          %mul3A_345 = arith.constant 1.000000e-01 : f32
          %mul3A_346 = vector.broadcast %mul3A_345 : f32 to vector<16xf32>
          %mul3A_347 = arith.mulf %mul3A_346, %add3A_344 : vector<16xf32>
          %max3A_348 = arith.maximumf %add3A_344, %mul3A_347 : vector<16xf32>
          %slice3A_349 = vector.extract_strided_slice %bitcast3A {offsets = [8], sizes = [1], strides = [1]} : vector<16xf32> to vector<1xf32>
          %squeeze3A_350 = vector.extract %slice3A_349[0] : f32 from vector<1xf32>
          %mul3A_351 = vector.broadcast %squeeze3A_350 : f32 to vector<16xf32>
          %mul3A_352 = arith.mulf %max3A_348, %mul3A_351 : vector<16xf32>
          %exp3A_353 = math.exp %mul3A_352 : vector<16xf32>
          %swap3A_354 = arith.index_cast %add3A_337 : i32 to index
          %swap3A_355 = arith.constant 0 : index
          %swap3A_356 = tpu.vector_load %arg11[%swap3A_354, %swap3A_355] {strides = array<i32>} : memref<64x16xf32, #tpu.memory_space<vmem>>, vector<16xf32>,
          tpu.vector_store %arg11[%swap3A_354, %swap3A_355], %exp3A_353 {strides = array<i32>} : memref<64x16xf32, #tpu.memory_space<vmem>>, vector<16xf32>,
          %mul3A_357 = arith.constant 16 : i32
          %mul3A_358 = arith.muli %mul3A_357, %scan3A_148 : i32
          %add3A_359 = arith.constant 9 : i32
          %add3A_360 = arith.addi %mul3A_358, %add3A_359 : i32
          %get3A_361 = arith.index_cast %add3A_360 : i32 to index
          %get3A_362 = arith.constant 0 : index
          %get3A_363 = tpu.vector_load %arg9[%get3A_361, %get3A_362] {strides = array<i32>} : memref<64x16xf32, #tpu.memory_space<vmem>>, vector<16xf32>,
          %get3A_364 = arith.index_cast %add3A_360 : i32 to index
          %get3A_365 = arith.constant 0 : index
          %get3A_366 = tpu.vector_load %arg10[%get3A_364, %get3A_365] {strides = array<i32>} : memref<64x16xf32, #tpu.memory_space<vmem>>, vector<16xf32>,
          %add3A_367 = arith.addf %get3A_363, %get3A_366 : vector<16xf32>
          %mul3A_368 = arith.constant 1.000000e-01 : f32
          %mul3A_369 = vector.broadcast %mul3A_368 : f32 to vector<16xf32>
          %mul3A_370 = arith.mulf %mul3A_369, %add3A_367 : vector<16xf32>
          %max3A_371 = arith.maximumf %add3A_367, %mul3A_370 : vector<16xf32>
          %slice3A_372 = vector.extract_strided_slice %bitcast3A {offsets = [9], sizes = [1], strides = [1]} : vector<16xf32> to vector<1xf32>
          %squeeze3A_373 = vector.extract %slice3A_372[0] : f32 from vector<1xf32>
          %mul3A_374 = vector.broadcast %squeeze3A_373 : f32 to vector<16xf32>
          %mul3A_375 = arith.mulf %max3A_371, %mul3A_374 : vector<16xf32>
          %exp3A_376 = math.exp %mul3A_375 : vector<16xf32>
          %swap3A_377 = arith.index_cast %add3A_360 : i32 to index
          %swap3A_378 = arith.constant 0 : index
          %swap3A_379 = tpu.vector_load %arg11[%swap3A_377, %swap3A_378] {strides = array<i32>} : memref<64x16xf32, #tpu.memory_space<vmem>>, vector<16xf32>,
          tpu.vector_store %arg11[%swap3A_377, %swap3A_378], %exp3A_376 {strides = array<i32>} : memref<64x16xf32, #tpu.memory_space<vmem>>, vector<16xf32>,
          %mul3A_380 = arith.constant 16 : i32
          %mul3A_381 = arith.muli %mul3A_380, %scan3A_148 : i32
          %add3A_382 = arith.constant 10 : i32
          %add3A_383 = arith.addi %mul3A_381, %add3A_382 : i32
          %get3A_384 = arith.index_cast %add3A_383 : i32 to index
          %get3A_385 = arith.constant 0 : index
          %get3A_386 = tpu.vector_load %arg9[%get3A_384, %get3A_385] {strides = array<i32>} : memref<64x16xf32, #tpu.memory_space<vmem>>, vector<16xf32>,
          %get3A_387 = arith.index_cast %add3A_383 : i32 to index
          %get3A_388 = arith.constant 0 : index
          %get3A_389 = tpu.vector_load %arg10[%get3A_387, %get3A_388] {strides = array<i32>} : memref<64x16xf32, #tpu.memory_space<vmem>>, vector<16xf32>,
          %add3A_390 = arith.addf %get3A_386, %get3A_389 : vector<16xf32>
          %mul3A_391 = arith.constant 1.000000e-01 : f32
          %mul3A_392 = vector.broadcast %mul3A_391 : f32 to vector<16xf32>
          %mul3A_393 = arith.mulf %mul3A_392, %add3A_390 : vector<16xf32>
          %max3A_394 = arith.maximumf %add3A_390, %mul3A_393 : vector<16xf32>
          %slice3A_395 = vector.extract_strided_slice %bitcast3A {offsets = [10], sizes = [1], strides = [1]} : vector<16xf32> to vector<1xf32>
          %squeeze3A_396 = vector.extract %slice3A_395[0] : f32 from vector<1xf32>
          %mul3A_397 = vector.broadcast %squeeze3A_396 : f32 to vector<16xf32>
          %mul3A_398 = arith.mulf %max3A_394, %mul3A_397 : vector<16xf32>
          %exp3A_399 = math.exp %mul3A_398 : vector<16xf32>
          %swap3A_400 = arith.index_cast %add3A_383 : i32 to index
          %swap3A_401 = arith.constant 0 : index
          %swap3A_402 = tpu.vector_load %arg11[%swap3A_400, %swap3A_401] {strides = array<i32>} : memref<64x16xf32, #tpu.memory_space<vmem>>, vector<16xf32>,
          tpu.vector_store %arg11[%swap3A_400, %swap3A_401], %exp3A_399 {strides = array<i32>} : memref<64x16xf32, #tpu.memory_space<vmem>>, vector<16xf32>,
          %mul3A_403 = arith.constant 16 : i32
          %mul3A_404 = arith.muli %mul3A_403, %scan3A_148 : i32
          %add3A_405 = arith.constant 11 : i32
          %add3A_406 = arith.addi %mul3A_404, %add3A_405 : i32
          %get3A_407 = arith.index_cast %add3A_406 : i32 to index
          %get3A_408 = arith.constant 0 : index
          %get3A_409 = tpu.vector_load %arg9[%get3A_407, %get3A_408] {strides = array<i32>} : memref<64x16xf32, #tpu.memory_space<vmem>>, vector<16xf32>,
          %get3A_410 = arith.index_cast %add3A_406 : i32 to index
          %get3A_411 = arith.constant 0 : index
          %get3A_412 = tpu.vector_load %arg10[%get3A_410, %get3A_411] {strides = array<i32>} : memref<64x16xf32, #tpu.memory_space<vmem>>, vector<16xf32>,
          %add3A_413 = arith.addf %get3A_409, %get3A_412 : vector<16xf32>
          %mul3A_414 = arith.constant 1.000000e-01 : f32
          %mul3A_415 = vector.broadcast %mul3A_414 : f32 to vector<16xf32>
          %mul3A_416 = arith.mulf %mul3A_415, %add3A_413 : vector<16xf32>
          %max3A_417 = arith.maximumf %add3A_413, %mul3A_416 : vector<16xf32>
          %slice3A_418 = vector.extract_strided_slice %bitcast3A {offsets = [11], sizes = [1], strides = [1]} : vector<16xf32> to vector<1xf32>
          %squeeze3A_419 = vector.extract %slice3A_418[0] : f32 from vector<1xf32>
          %mul3A_420 = vector.broadcast %squeeze3A_419 : f32 to vector<16xf32>
          %mul3A_421 = arith.mulf %max3A_417, %mul3A_420 : vector<16xf32>
          %exp3A_422 = math.exp %mul3A_421 : vector<16xf32>
          %swap3A_423 = arith.index_cast %add3A_406 : i32 to index
          %swap3A_424 = arith.constant 0 : index
          %swap3A_425 = tpu.vector_load %arg11[%swap3A_423, %swap3A_424] {strides = array<i32>} : memref<64x16xf32, #tpu.memory_space<vmem>>, vector<16xf32>,
          tpu.vector_store %arg11[%swap3A_423, %swap3A_424], %exp3A_422 {strides = array<i32>} : memref<64x16xf32, #tpu.memory_space<vmem>>, vector<16xf32>,
          %mul3A_426 = arith.constant 16 : i32
          %mul3A_427 = arith.muli %mul3A_426, %scan3A_148 : i32
          %add3A_428 = arith.constant 12 : i32
          %add3A_429 = arith.addi %mul3A_427, %add3A_428 : i32
          %get3A_430 = arith.index_cast %add3A_429 : i32 to index
          %get3A_431 = arith.constant 0 : index
          %get3A_432 = tpu.vector_load %arg9[%get3A_430, %get3A_431] {strides = array<i32>} : memref<64x16xf32, #tpu.memory_space<vmem>>, vector<16xf32>,
          %get3A_433 = arith.index_cast %add3A_429 : i32 to index
          %get3A_434 = arith.constant 0 : index
          %get3A_435 = tpu.vector_load %arg10[%get3A_433, %get3A_434] {strides = array<i32>} : memref<64x16xf32, #tpu.memory_space<vmem>>, vector<16xf32>,
          %add3A_436 = arith.addf %get3A_432, %get3A_435 : vector<16xf32>
          %mul3A_437 = arith.constant 1.000000e-01 : f32
          %mul3A_438 = vector.broadcast %mul3A_437 : f32 to vector<16xf32>
          %mul3A_439 = arith.mulf %mul3A_438, %add3A_436 : vector<16xf32>
          %max3A_440 = arith.maximumf %add3A_436, %mul3A_439 : vector<16xf32>
          %slice3A_441 = vector.extract_strided_slice %bitcast3A {offsets = [12], sizes = [1], strides = [1]} : vector<16xf32> to vector<1xf32>
          %squeeze3A_442 = vector.extract %slice3A_441[0] : f32 from vector<1xf32>
          %mul3A_443 = vector.broadcast %squeeze3A_442 : f32 to vector<16xf32>
          %mul3A_444 = arith.mulf %max3A_440, %mul3A_443 : vector<16xf32>
          %exp3A_445 = math.exp %mul3A_444 : vector<16xf32>
          %swap3A_446 = arith.index_cast %add3A_429 : i32 to index
          %swap3A_447 = arith.constant 0 : index
          %swap3A_448 = tpu.vector_load %arg11[%swap3A_446, %swap3A_447] {strides = array<i32>} : memref<64x16xf32, #tpu.memory_space<vmem>>, vector<16xf32>,
          tpu.vector_store %arg11[%swap3A_446, %swap3A_447], %exp3A_445 {strides = array<i32>} : memref<64x16xf32, #tpu.memory_space<vmem>>, vector<16xf32>,
          %mul3A_449 = arith.constant 16 : i32
          %mul3A_450 = arith.muli %mul3A_449, %scan3A_148 : i32
          %add3A_451 = arith.constant 13 : i32
          %add3A_452 = arith.addi %mul3A_450, %add3A_451 : i32
          %get3A_453 = arith.index_cast %add3A_452 : i32 to index
          %get3A_454 = arith.constant 0 : index
          %get3A_455 = tpu.vector_load %arg9[%get3A_453, %get3A_454] {strides = array<i32>} : memref<64x16xf32, #tpu.memory_space<vmem>>, vector<16xf32>,
          %get3A_456 = arith.index_cast %add3A_452 : i32 to index
          %get3A_457 = arith.constant 0 : index
          %get3A_458 = tpu.vector_load %arg10[%get3A_456, %get3A_457] {strides = array<i32>} : memref<64x16xf32, #tpu.memory_space<vmem>>, vector<16xf32>,
          %add3A_459 = arith.addf %get3A_455, %get3A_458 : vector<16xf32>
          %mul3A_460 = arith.constant 1.000000e-01 : f32
          %mul3A_461 = vector.broadcast %mul3A_460 : f32 to vector<16xf32>
          %mul3A_462 = arith.mulf %mul3A_461, %add3A_459 : vector<16xf32>
          %max3A_463 = arith.maximumf %add3A_459, %mul3A_462 : vector<16xf32>
          %slice3A_464 = vector.extract_strided_slice %bitcast3A {offsets = [13], sizes = [1], strides = [1]} : vector<16xf32> to vector<1xf32>
          %squeeze3A_465 = vector.extract %slice3A_464[0] : f32 from vector<1xf32>
          %mul3A_466 = vector.broadcast %squeeze3A_465 : f32 to vector<16xf32>
          %mul3A_467 = arith.mulf %max3A_463, %mul3A_466 : vector<16xf32>
          %exp3A_468 = math.exp %mul3A_467 : vector<16xf32>
          %swap3A_469 = arith.index_cast %add3A_452 : i32 to index
          %swap3A_470 = arith.constant 0 : index
          %swap3A_471 = tpu.vector_load %arg11[%swap3A_469, %swap3A_470] {strides = array<i32>} : memref<64x16xf32, #tpu.memory_space<vmem>>, vector<16xf32>,
          tpu.vector_store %arg11[%swap3A_469, %swap3A_470], %exp3A_468 {strides = array<i32>} : memref<64x16xf32, #tpu.memory_space<vmem>>, vector<16xf32>,
          %mul3A_472 = arith.constant 16 : i32
          %mul3A_473 = arith.muli %mul3A_472, %scan3A_148 : i32
          %add3A_474 = arith.constant 14 : i32
          %add3A_475 = arith.addi %mul3A_473, %add3A_474 : i32
          %get3A_476 = arith.index_cast %add3A_475 : i32 to index
          %get3A_477 = arith.constant 0 : index
          %get3A_478 = tpu.vector_load %arg9[%get3A_476, %get3A_477] {strides = array<i32>} : memref<64x16xf32, #tpu.memory_space<vmem>>, vector<16xf32>,
          %get3A_479 = arith.index_cast %add3A_475 : i32 to index
          %get3A_480 = arith.constant 0 : index
          %get3A_481 = tpu.vector_load %arg10[%get3A_479, %get3A_480] {strides = array<i32>} : memref<64x16xf32, #tpu.memory_space<vmem>>, vector<16xf32>,
          %add3A_482 = arith.addf %get3A_478, %get3A_481 : vector<16xf32>
          %mul3A_483 = arith.constant 1.000000e-01 : f32
          %mul3A_484 = vector.broadcast %mul3A_483 : f32 to vector<16xf32>
          %mul3A_485 = arith.mulf %mul3A_484, %add3A_482 : vector<16xf32>
          %max3A_486 = arith.maximumf %add3A_482, %mul3A_485 : vector<16xf32>
          %slice3A_487 = vector.extract_strided_slice %bitcast3A {offsets = [14], sizes = [1], strides = [1]} : vector<16xf32> to vector<1xf32>
          %squeeze3A_488 = vector.extract %slice3A_487[0] : f32 from vector<1xf32>
          %mul3A_489 = vector.broadcast %squeeze3A_488 : f32 to vector<16xf32>
          %mul3A_490 = arith.mulf %max3A_486, %mul3A_489 : vector<16xf32>
          %exp3A_491 = math.exp %mul3A_490 : vector<16xf32>
          %swap3A_492 = arith.index_cast %add3A_475 : i32 to index
          %swap3A_493 = arith.constant 0 : index
          %swap3A_494 = tpu.vector_load %arg11[%swap3A_492, %swap3A_493] {strides = array<i32>} : memref<64x16xf32, #tpu.memory_space<vmem>>, vector<16xf32>,
          tpu.vector_store %arg11[%swap3A_492, %swap3A_493], %exp3A_491 {strides = array<i32>} : memref<64x16xf32, #tpu.memory_space<vmem>>, vector<16xf32>,
          %mul3A_495 = arith.constant 16 : i32
          %mul3A_496 = arith.muli %mul3A_495, %scan3A_148 : i32
          %add3A_497 = arith.constant 15 : i32
          %add3A_498 = arith.addi %mul3A_496, %add3A_497 : i32
          %get3A_499 = arith.index_cast %add3A_498 : i32 to index
          %get3A_500 = arith.constant 0 : index
          %get3A_501 = tpu.vector_load %arg9[%get3A_499, %get3A_500] {strides = array<i32>} : memref<64x16xf32, #tpu.memory_space<vmem>>, vector<16xf32>,
          %get3A_502 = arith.index_cast %add3A_498 : i32 to index
          %get3A_503 = arith.constant 0 : index
          %get3A_504 = tpu.vector_load %arg10[%get3A_502, %get3A_503] {strides = array<i32>} : memref<64x16xf32, #tpu.memory_space<vmem>>, vector<16xf32>,
          %add3A_505 = arith.addf %get3A_501, %get3A_504 : vector<16xf32>
          %mul3A_506 = arith.constant 1.000000e-01 : f32
          %mul3A_507 = vector.broadcast %mul3A_506 : f32 to vector<16xf32>
          %mul3A_508 = arith.mulf %mul3A_507, %add3A_505 : vector<16xf32>
          %max3A_509 = arith.maximumf %add3A_505, %mul3A_508 : vector<16xf32>
          %slice3A_510 = vector.extract_strided_slice %bitcast3A {offsets = [15], sizes = [1], strides = [1]} : vector<16xf32> to vector<1xf32>
          %squeeze3A_511 = vector.extract %slice3A_510[0] : f32 from vector<1xf32>
          %mul3A_512 = vector.broadcast %squeeze3A_511 : f32 to vector<16xf32>
          %mul3A_513 = arith.mulf %max3A_509, %mul3A_512 : vector<16xf32>
          %exp3A_514 = math.exp %mul3A_513 : vector<16xf32>
          %swap3A_515 = arith.index_cast %add3A_498 : i32 to index
          %swap3A_516 = arith.constant 0 : index
          %swap3A_517 = tpu.vector_load %arg11[%swap3A_515, %swap3A_516] {strides = array<i32>} : memref<64x16xf32, #tpu.memory_space<vmem>>, vector<16xf32>,
          tpu.vector_store %arg11[%swap3A_515, %swap3A_516], %exp3A_514 {strides = array<i32>} : memref<64x16xf32, #tpu.memory_space<vmem>>, vector<16xf32>,
          %scan3A_518 = arith.constant 0 : i32
          scf.yield %scan3A_518 : i32
        }
        %scan3A_120 = arith.constant 4 : i32
        %dma_start3A = arith.constant 1 : i32
        %dma_start3A_121 = arith.constant 0 : i32
        %dma_start3A_122 = tpu.memref_slice %arg8[%dma_start3A, %dma_start3A_121] : memref<3x64xi32, #tpu.memory_space<vmem>> -> memref<1x64xi32, #tpu.memory_space<vmem>>
        %dma_start3A_123 = tpu.memref_squeeze %dma_start3A_122 : memref<1x64xi32, #tpu.memory_space<vmem>> -> memref<64xi32, #tpu.memory_space<vmem>>
        %dma_start3A_124 = arith.constant 0 : i32
        %dma_start3A_125 = arith.constant 0 : i32
        %dma_start3A_126 = tpu.memref_slice %arg21[%dma_start3A_124, %dma_start3A_125] : memref<10008x16xf32, #tpu.memory_space<vmem_shared>> -> memref<10008x16xf32, #tpu.memory_space<vmem_shared>>
        tpu.enqueue_indirect_dma source(%arg11 : memref<64x16xf32, #tpu.memory_space<vmem>>) target(%dma_start3A_126 : memref<10008x16xf32, #tpu.memory_space<vmem_shared>>) offsets(%dma_start3A_123 : memref<64xi32, #tpu.memory_space<vmem>>) semaphore(%arg25 : memref<!tpu.dma_semaphore, #tpu.memory_space<semaphore_mem>>) {add = true}
        %dma_wait3A_127 = arith.constant 0 : i32
        %dma_wait3A_128 = arith.constant 0 : i32
        %dma_wait3A_129 = tpu.memref_slice %arg8[%dma_wait3A_127, %dma_wait3A_128] : memref<3x64xi32, #tpu.memory_space<vmem>> -> memref<1x64xi32, #tpu.memory_space<vmem>>
        %dma_wait3A_130 = tpu.memref_squeeze %dma_wait3A_129 : memref<1x64xi32, #tpu.memory_space<vmem>> -> memref<64xi32, #tpu.memory_space<vmem>>
        %dma_wait3A_131 = arith.constant 0 : i32
        %dma_wait3A_132 = arith.constant 0 : i32
        %dma_wait3A_133 = tpu.memref_slice %arg5[%dma_wait3A_131, %dma_wait3A_132] : memref<10008x128xf32, #tpu.memory_space<hbm>> -> memref<10008x128xf32, #tpu.memory_space<hbm>>
        tpu.wait_indirect_dma semaphore(%arg24 : memref<!tpu.dma_semaphore, #tpu.memory_space<semaphore_mem>>) src(%dma_wait3A_133 : memref<10008x128xf32, #tpu.memory_space<hbm>>) dst(%arg12 : memref<64x128xf32, #tpu.memory_space<vmem>>)
        %scan3A_134 = arith.constant 0 : i32
        %scan3A_135 = arith.constant 0 : i32
        %scan3A_136 = arith.constant 64 : i32
        %scan3A_137 = arith.addi %scan3A_135, %scan3A_136 : i32
        %scan3A_138 = arith.constant 1 : i32
        %scan3A_139 = scf.for %scan3A_148 = %scan3A_135 to %scan3A_137 step %scan3A_138 iter_args(%scan3A_149 = %scan3A_134) -> (i32)  : i32 {
          %get3A = arith.index_cast %scan3A_148 : i32 to index
          %get3A_150 = arith.constant 0 : index
          %get3A_151 = tpu.vector_load %arg11[%get3A, %get3A_150] {strides = array<i32>} : memref<64x16xf32, #tpu.memory_space<vmem>>, vector<16xf32>,
          %get3A_152 = arith.index_cast %scan3A_148 : i32 to index
          %get3A_153 = arith.constant 0 : index
          %get3A_154 = tpu.vector_load %arg12[%get3A_152, %get3A_153] {strides = array<i32>} : memref<64x128xf32, #tpu.memory_space<vmem>>, vector<16xf32>,
          %slice3A = vector.extract_strided_slice %get3A_151 {offsets = [0], sizes = [1], strides = [1]} : vector<16xf32> to vector<1xf32>
          %squeeze3A = vector.extract %slice3A[0] : f32 from vector<1xf32>
          %mul3A_155 = vector.broadcast %squeeze3A : f32 to vector<16xf32>
          %mul3A_156 = arith.mulf %get3A_154, %mul3A_155 : vector<16xf32>
          %swap3A = arith.index_cast %scan3A_148 : i32 to index
          %swap3A_157 = arith.constant 0 : index
          %swap3A_158 = tpu.vector_load %arg12[%swap3A, %swap3A_157] {strides = array<i32>} : memref<64x128xf32, #tpu.memory_space<vmem>>, vector<16xf32>,
          tpu.vector_store %arg12[%swap3A, %swap3A_157], %mul3A_156 {strides = array<i32>} : memref<64x128xf32, #tpu.memory_space<vmem>>, vector<16xf32>,
          %get3A_159 = arith.index_cast %scan3A_148 : i32 to index
          %get3A_160 = arith.constant 16 : index
          %get3A_161 = tpu.vector_load %arg12[%get3A_159, %get3A_160] {strides = array<i32>} : memref<64x128xf32, #tpu.memory_space<vmem>>, vector<16xf32>,
          %slice3A_162 = vector.extract_strided_slice %get3A_151 {offsets = [1], sizes = [1], strides = [1]} : vector<16xf32> to vector<1xf32>
          %squeeze3A_163 = vector.extract %slice3A_162[0] : f32 from vector<1xf32>
          %mul3A_164 = vector.broadcast %squeeze3A_163 : f32 to vector<16xf32>
          %mul3A_165 = arith.mulf %get3A_161, %mul3A_164 : vector<16xf32>
          %swap3A_166 = arith.index_cast %scan3A_148 : i32 to index
          %swap3A_167 = arith.constant 16 : index
          %swap3A_168 = tpu.vector_load %arg12[%swap3A_166, %swap3A_167] {strides = array<i32>} : memref<64x128xf32, #tpu.memory_space<vmem>>, vector<16xf32>,
          tpu.vector_store %arg12[%swap3A_166, %swap3A_167], %mul3A_165 {strides = array<i32>} : memref<64x128xf32, #tpu.memory_space<vmem>>, vector<16xf32>,
          %get3A_169 = arith.index_cast %scan3A_148 : i32 to index
          %get3A_170 = arith.constant 32 : index
          %get3A_171 = tpu.vector_load %arg12[%get3A_169, %get3A_170] {strides = array<i32>} : memref<64x128xf32, #tpu.memory_space<vmem>>, vector<16xf32>,
          %slice3A_172 = vector.extract_strided_slice %get3A_151 {offsets = [2], sizes = [1], strides = [1]} : vector<16xf32> to vector<1xf32>
          %squeeze3A_173 = vector.extract %slice3A_172[0] : f32 from vector<1xf32>
          %mul3A_174 = vector.broadcast %squeeze3A_173 : f32 to vector<16xf32>
          %mul3A_175 = arith.mulf %get3A_171, %mul3A_174 : vector<16xf32>
          %swap3A_176 = arith.index_cast %scan3A_148 : i32 to index
          %swap3A_177 = arith.constant 32 : index
          %swap3A_178 = tpu.vector_load %arg12[%swap3A_176, %swap3A_177] {strides = array<i32>} : memref<64x128xf32, #tpu.memory_space<vmem>>, vector<16xf32>,
          tpu.vector_store %arg12[%swap3A_176, %swap3A_177], %mul3A_175 {strides = array<i32>} : memref<64x128xf32, #tpu.memory_space<vmem>>, vector<16xf32>,
          %get3A_179 = arith.index_cast %scan3A_148 : i32 to index
          %get3A_180 = arith.constant 48 : index
          %get3A_181 = tpu.vector_load %arg12[%get3A_179, %get3A_180] {strides = array<i32>} : memref<64x128xf32, #tpu.memory_space<vmem>>, vector<16xf32>,
          %slice3A_182 = vector.extract_strided_slice %get3A_151 {offsets = [3], sizes = [1], strides = [1]} : vector<16xf32> to vector<1xf32>
          %squeeze3A_183 = vector.extract %slice3A_182[0] : f32 from vector<1xf32>
          %mul3A_184 = vector.broadcast %squeeze3A_183 : f32 to vector<16xf32>
          %mul3A_185 = arith.mulf %get3A_181, %mul3A_184 : vector<16xf32>
          %swap3A_186 = arith.index_cast %scan3A_148 : i32 to index
          %swap3A_187 = arith.constant 48 : index
          %swap3A_188 = tpu.vector_load %arg12[%swap3A_186, %swap3A_187] {strides = array<i32>} : memref<64x128xf32, #tpu.memory_space<vmem>>, vector<16xf32>,
          tpu.vector_store %arg12[%swap3A_186, %swap3A_187], %mul3A_185 {strides = array<i32>} : memref<64x128xf32, #tpu.memory_space<vmem>>, vector<16xf32>,
          %get3A_189 = arith.index_cast %scan3A_148 : i32 to index
          %get3A_190 = arith.constant 64 : index
          %get3A_191 = tpu.vector_load %arg12[%get3A_189, %get3A_190] {strides = array<i32>} : memref<64x128xf32, #tpu.memory_space<vmem>>, vector<16xf32>,
          %slice3A_192 = vector.extract_strided_slice %get3A_151 {offsets = [4], sizes = [1], strides = [1]} : vector<16xf32> to vector<1xf32>
          %squeeze3A_193 = vector.extract %slice3A_192[0] : f32 from vector<1xf32>
          %mul3A_194 = vector.broadcast %squeeze3A_193 : f32 to vector<16xf32>
          %mul3A_195 = arith.mulf %get3A_191, %mul3A_194 : vector<16xf32>
          %swap3A_196 = arith.index_cast %scan3A_148 : i32 to index
          %swap3A_197 = arith.constant 64 : index
          %swap3A_198 = tpu.vector_load %arg12[%swap3A_196, %swap3A_197] {strides = array<i32>} : memref<64x128xf32, #tpu.memory_space<vmem>>, vector<16xf32>,
          tpu.vector_store %arg12[%swap3A_196, %swap3A_197], %mul3A_195 {strides = array<i32>} : memref<64x128xf32, #tpu.memory_space<vmem>>, vector<16xf32>,
          %get3A_199 = arith.index_cast %scan3A_148 : i32 to index
          %get3A_200 = arith.constant 80 : index
          %get3A_201 = tpu.vector_load %arg12[%get3A_199, %get3A_200] {strides = array<i32>} : memref<64x128xf32, #tpu.memory_space<vmem>>, vector<16xf32>,
          %slice3A_202 = vector.extract_strided_slice %get3A_151 {offsets = [5], sizes = [1], strides = [1]} : vector<16xf32> to vector<1xf32>
          %squeeze3A_203 = vector.extract %slice3A_202[0] : f32 from vector<1xf32>
          %mul3A_204 = vector.broadcast %squeeze3A_203 : f32 to vector<16xf32>
          %mul3A_205 = arith.mulf %get3A_201, %mul3A_204 : vector<16xf32>
          %swap3A_206 = arith.index_cast %scan3A_148 : i32 to index
          %swap3A_207 = arith.constant 80 : index
          %swap3A_208 = tpu.vector_load %arg12[%swap3A_206, %swap3A_207] {strides = array<i32>} : memref<64x128xf32, #tpu.memory_space<vmem>>, vector<16xf32>,
          tpu.vector_store %arg12[%swap3A_206, %swap3A_207], %mul3A_205 {strides = array<i32>} : memref<64x128xf32, #tpu.memory_space<vmem>>, vector<16xf32>,
          %get3A_209 = arith.index_cast %scan3A_148 : i32 to index
          %get3A_210 = arith.constant 96 : index
          %get3A_211 = tpu.vector_load %arg12[%get3A_209, %get3A_210] {strides = array<i32>} : memref<64x128xf32, #tpu.memory_space<vmem>>, vector<16xf32>,
          %slice3A_212 = vector.extract_strided_slice %get3A_151 {offsets = [6], sizes = [1], strides = [1]} : vector<16xf32> to vector<1xf32>
          %squeeze3A_213 = vector.extract %slice3A_212[0] : f32 from vector<1xf32>
          %mul3A_214 = vector.broadcast %squeeze3A_213 : f32 to vector<16xf32>
          %mul3A_215 = arith.mulf %get3A_211, %mul3A_214 : vector<16xf32>
          %swap3A_216 = arith.index_cast %scan3A_148 : i32 to index
          %swap3A_217 = arith.constant 96 : index
          %swap3A_218 = tpu.vector_load %arg12[%swap3A_216, %swap3A_217] {strides = array<i32>} : memref<64x128xf32, #tpu.memory_space<vmem>>, vector<16xf32>,
          tpu.vector_store %arg12[%swap3A_216, %swap3A_217], %mul3A_215 {strides = array<i32>} : memref<64x128xf32, #tpu.memory_space<vmem>>, vector<16xf32>,
          %get3A_219 = arith.index_cast %scan3A_148 : i32 to index
          %get3A_220 = arith.constant 112 : index
          %get3A_221 = tpu.vector_load %arg12[%get3A_219, %get3A_220] {strides = array<i32>} : memref<64x128xf32, #tpu.memory_space<vmem>>, vector<16xf32>,
          %slice3A_222 = vector.extract_strided_slice %get3A_151 {offsets = [7], sizes = [1], strides = [1]} : vector<16xf32> to vector<1xf32>
          %squeeze3A_223 = vector.extract %slice3A_222[0] : f32 from vector<1xf32>
          %mul3A_224 = vector.broadcast %squeeze3A_223 : f32 to vector<16xf32>
          %mul3A_225 = arith.mulf %get3A_221, %mul3A_224 : vector<16xf32>
          %swap3A_226 = arith.index_cast %scan3A_148 : i32 to index
          %swap3A_227 = arith.constant 112 : index
          %swap3A_228 = tpu.vector_load %arg12[%swap3A_226, %swap3A_227] {strides = array<i32>} : memref<64x128xf32, #tpu.memory_space<vmem>>, vector<16xf32>,
          tpu.vector_store %arg12[%swap3A_226, %swap3A_227], %mul3A_225 {strides = array<i32>} : memref<64x128xf32, #tpu.memory_space<vmem>>, vector<16xf32>,
          %scan3A_229 = arith.constant 0 : i32
          scf.yield %scan3A_229 : i32
        }
        %scan3A_140 = arith.constant 64 : i32
        %dma_start3A_141 = arith.constant 1 : i32
        %dma_start3A_142 = arith.constant 0 : i32
        %dma_start3A_143 = tpu.memref_slice %arg8[%dma_start3A_141, %dma_start3A_142] : memref<3x64xi32, #tpu.memory_space<vmem>> -> memref<1x64xi32, #tpu.memory_space<vmem>>
        %dma_start3A_144 = tpu.memref_squeeze %dma_start3A_143 : memref<1x64xi32, #tpu.memory_space<vmem>> -> memref<64xi32, #tpu.memory_space<vmem>>
        %dma_start3A_145 = arith.constant 0 : i32
        %dma_start3A_146 = arith.constant 0 : i32
        %dma_start3A_147 = tpu.memref_slice %arg20[%dma_start3A_145, %dma_start3A_146] : memref<10008x128xf32, #tpu.memory_space<vmem_shared>> -> memref<10008x128xf32, #tpu.memory_space<vmem_shared>>
        tpu.enqueue_indirect_dma source(%arg12 : memref<64x128xf32, #tpu.memory_space<vmem>>) target(%dma_start3A_147 : memref<10008x128xf32, #tpu.memory_space<vmem_shared>>) offsets(%dma_start3A_144 : memref<64xi32, #tpu.memory_space<vmem>>) semaphore(%arg26 : memref<!tpu.dma_semaphore, #tpu.memory_space<semaphore_mem>>) {add = true}
      } else {
      }
      %add3A_66 = arith.constant 2 : i32
      %add3A_67 = arith.addi %mul3A_60, %add3A_66 : i32
      %ge3A_68 = arith.constant 0 : i32
      %ge3A_69 = arith.cmpi sge, %add3A_67, %ge3A_68 : i32
      %add3A_70 = arith.constant 2 : i32
      %add3A_71 = arith.addi %mul3A_60, %add3A_70 : i32
      %lt3A_72 = arith.constant 159 : i32
      %lt3A_73 = arith.cmpi slt, %add3A_71, %lt3A_72 : i32
      %and3A_74 = arith.andi %ge3A_69, %lt3A_73 : i1
      %convert_element_type3A_75 = arith.extui %and3A_74 : i1 to i32
      %cond3A_76 = arith.constant 0 : i32
      %cond3A_77 = arith.cmpi ne, %convert_element_type3A_75, %cond3A_76 : i32
      scf.if %cond3A_77 {
        %add3A_101 = arith.constant 2 : i32
        %add3A_102 = arith.addi %mul3A_60, %add3A_101 : i32
        %ge3A_103 = arith.constant 2 : i32
        %ge3A_104 = arith.cmpi sge, %add3A_102, %ge3A_103 : i32
        %convert_element_type3A_105 = arith.extui %ge3A_104 : i1 to i32
        %cond3A_106 = arith.constant 0 : i32
        %cond3A_107 = arith.cmpi ne, %convert_element_type3A_105, %cond3A_106 : i32
        scf.if %cond3A_107 {
          %dma_wait3A = arith.constant 1 : i32
          %dma_wait3A_113 = arith.constant 0 : i32
          %dma_wait3A_114 = tpu.memref_slice %arg8[%dma_wait3A, %dma_wait3A_113] : memref<3x64xi32, #tpu.memory_space<vmem>> -> memref<1x64xi32, #tpu.memory_space<vmem>>
          %dma_wait3A_115 = tpu.memref_squeeze %dma_wait3A_114 : memref<1x64xi32, #tpu.memory_space<vmem>> -> memref<64xi32, #tpu.memory_space<vmem>>
          %dma_wait3A_116 = arith.constant 0 : i32
          %dma_wait3A_117 = arith.constant 0 : i32
          %dma_wait3A_118 = tpu.memref_slice %arg21[%dma_wait3A_116, %dma_wait3A_117] : memref<10008x16xf32, #tpu.memory_space<vmem_shared>> -> memref<10008x16xf32, #tpu.memory_space<vmem_shared>>
          tpu.wait_indirect_dma semaphore(%arg25 : memref<!tpu.dma_semaphore, #tpu.memory_space<semaphore_mem>>) src(%arg11 : memref<64x16xf32, #tpu.memory_space<vmem>>) dst(%dma_wait3A_118 : memref<10008x16xf32, #tpu.memory_space<vmem_shared>>)
          %dma_wait3A_119 = arith.constant 1 : i32
          %dma_wait3A_120 = arith.constant 0 : i32
          %dma_wait3A_121 = tpu.memref_slice %arg8[%dma_wait3A_119, %dma_wait3A_120] : memref<3x64xi32, #tpu.memory_space<vmem>> -> memref<1x64xi32, #tpu.memory_space<vmem>>
          %dma_wait3A_122 = tpu.memref_squeeze %dma_wait3A_121 : memref<1x64xi32, #tpu.memory_space<vmem>> -> memref<64xi32, #tpu.memory_space<vmem>>
          %dma_wait3A_123 = arith.constant 0 : i32
          %dma_wait3A_124 = arith.constant 0 : i32
          %dma_wait3A_125 = tpu.memref_slice %arg20[%dma_wait3A_123, %dma_wait3A_124] : memref<10008x128xf32, #tpu.memory_space<vmem_shared>> -> memref<10008x128xf32, #tpu.memory_space<vmem_shared>>
          tpu.wait_indirect_dma semaphore(%arg26 : memref<!tpu.dma_semaphore, #tpu.memory_space<semaphore_mem>>) src(%arg12 : memref<64x128xf32, #tpu.memory_space<vmem>>) dst(%dma_wait3A_125 : memref<10008x128xf32, #tpu.memory_space<vmem_shared>>)
        } else {
        }
        %lt3A_108 = arith.constant 157 : i32
        %lt3A_109 = arith.cmpi slt, %add3A_102, %lt3A_108 : i32
        %convert_element_type3A_110 = arith.extui %lt3A_109 : i1 to i32
        %cond3A_111 = arith.constant 0 : i32
        %cond3A_112 = arith.cmpi ne, %convert_element_type3A_110, %cond3A_111 : i32
        scf.if %cond3A_112 {
          "tpu.region"() ({
            %run_scoped3A = tpu.sem_alloc : memref<!tpu.dma_semaphore, #tpu.memory_space<semaphore_mem>>
            %dma_start3A_133 = arith.constant 0 : i32
            %dma_start3A_134 = arith.constant 0 : i32
            %dma_start3A_135 = tpu.memref_slice %arg2[%arg0, %arg1, %add3A_102, %dma_start3A_133, %dma_start3A_134] : memref<2x16x157x3x64xi32, #tpu.memory_space<hbm>> -> memref<1x1x1x3x64xi32, #tpu.memory_space<hbm>>
            %dma_start3A_136 = tpu.memref_squeeze %dma_start3A_135 : memref<1x1x1x3x64xi32, #tpu.memory_space<hbm>> -> memref<3x64xi32, #tpu.memory_space<hbm>>
            %dma_start3A_137 = arith.constant 0 : i32
            %dma_start3A_138 = arith.constant 0 : i32
            %dma_start3A_139 = tpu.memref_slice %arg2[%arg0, %arg1, %add3A_102, %dma_start3A_137, %dma_start3A_138] : memref<2x16x157x3x64xi32, #tpu.memory_space<hbm>> -> memref<1x1x1x3x64xi32, #tpu.memory_space<hbm>>
            %dma_start3A_140 = tpu.memref_squeeze %dma_start3A_139 : memref<1x1x1x3x64xi32, #tpu.memory_space<hbm>> -> memref<3x64xi32, #tpu.memory_space<hbm>>
            tpu.enqueue_dma source(%dma_start3A_140 : memref<3x64xi32, #tpu.memory_space<hbm>>) target(%arg8 : memref<3x64xi32, #tpu.memory_space<vmem>>) target_semaphore(%run_scoped3A : memref<!tpu.dma_semaphore, #tpu.memory_space<semaphore_mem>>)
            %dma_wait3A = arith.constant 0 : i32
            %dma_wait3A_141 = arith.constant 0 : i32
            %dma_wait3A_142 = tpu.memref_slice %arg2[%arg0, %arg1, %add3A_102, %dma_wait3A, %dma_wait3A_141] : memref<2x16x157x3x64xi32, #tpu.memory_space<hbm>> -> memref<1x1x1x3x64xi32, #tpu.memory_space<hbm>>
            %dma_wait3A_143 = tpu.memref_squeeze %dma_wait3A_142 : memref<1x1x1x3x64xi32, #tpu.memory_space<hbm>> -> memref<3x64xi32, #tpu.memory_space<hbm>>
            %dma_wait3A_144 = arith.constant 0 : i32
            %dma_wait3A_145 = arith.constant 0 : i32
            %dma_wait3A_146 = tpu.memref_slice %arg2[%arg0, %arg1, %add3A_102, %dma_wait3A_144, %dma_wait3A_145] : memref<2x16x157x3x64xi32, #tpu.memory_space<hbm>> -> memref<1x1x1x3x64xi32, #tpu.memory_space<hbm>>
            %dma_wait3A_147 = tpu.memref_squeeze %dma_wait3A_146 : memref<1x1x1x3x64xi32, #tpu.memory_space<hbm>> -> memref<3x64xi32, #tpu.memory_space<hbm>>
            tpu.wait_dma2 semaphore(%run_scoped3A : memref<!tpu.dma_semaphore, #tpu.memory_space<semaphore_mem>>) src(%dma_wait3A_147 : memref<3x64xi32, #tpu.memory_space<hbm>>) dst(%arg8 : memref<3x64xi32, #tpu.memory_space<vmem>>)
            tpu.yield
          }) : () -> ()
          %dma_start3A = arith.constant 0 : i32
          %dma_start3A_113 = arith.constant 0 : i32
          %dma_start3A_114 = tpu.memref_slice %arg8[%dma_start3A, %dma_start3A_113] : memref<3x64xi32, #tpu.memory_space<vmem>> -> memref<1x64xi32, #tpu.memory_space<vmem>>
          %dma_start3A_115 = tpu.memref_squeeze %dma_start3A_114 : memref<1x64xi32, #tpu.memory_space<vmem>> -> memref<64xi32, #tpu.memory_space<vmem>>
          %dma_start3A_116 = arith.constant 0 : i32
          %dma_start3A_117 = arith.constant 0 : i32
          %dma_start3A_118 = tpu.memref_slice %arg3[%dma_start3A_116, %dma_start3A_117] : memref<10008x16xf32, #tpu.memory_space<hbm>> -> memref<10008x16xf32, #tpu.memory_space<hbm>>
          tpu.enqueue_indirect_dma source(%dma_start3A_118 : memref<10008x16xf32, #tpu.memory_space<hbm>>) target(%arg9 : memref<64x16xf32, #tpu.memory_space<vmem>>) offsets(%dma_start3A_115 : memref<64xi32, #tpu.memory_space<vmem>>) semaphore(%arg22 : memref<!tpu.dma_semaphore, #tpu.memory_space<semaphore_mem>>)
          %dma_start3A_119 = arith.constant 1 : i32
          %dma_start3A_120 = arith.constant 0 : i32
          %dma_start3A_121 = tpu.memref_slice %arg8[%dma_start3A_119, %dma_start3A_120] : memref<3x64xi32, #tpu.memory_space<vmem>> -> memref<1x64xi32, #tpu.memory_space<vmem>>
          %dma_start3A_122 = tpu.memref_squeeze %dma_start3A_121 : memref<1x64xi32, #tpu.memory_space<vmem>> -> memref<64xi32, #tpu.memory_space<vmem>>
          %dma_start3A_123 = arith.constant 0 : i32
          %dma_start3A_124 = arith.constant 0 : i32
          %dma_start3A_125 = tpu.memref_slice %arg4[%dma_start3A_123, %dma_start3A_124] : memref<10008x16xf32, #tpu.memory_space<hbm>> -> memref<10008x16xf32, #tpu.memory_space<hbm>>
          tpu.enqueue_indirect_dma source(%dma_start3A_125 : memref<10008x16xf32, #tpu.memory_space<hbm>>) target(%arg10 : memref<64x16xf32, #tpu.memory_space<vmem>>) offsets(%dma_start3A_122 : memref<64xi32, #tpu.memory_space<vmem>>) semaphore(%arg23 : memref<!tpu.dma_semaphore, #tpu.memory_space<semaphore_mem>>)
          %dma_start3A_126 = arith.constant 0 : i32
          %dma_start3A_127 = arith.constant 0 : i32
          %dma_start3A_128 = tpu.memref_slice %arg8[%dma_start3A_126, %dma_start3A_127] : memref<3x64xi32, #tpu.memory_space<vmem>> -> memref<1x64xi32, #tpu.memory_space<vmem>>
          %dma_start3A_129 = tpu.memref_squeeze %dma_start3A_128 : memref<1x64xi32, #tpu.memory_space<vmem>> -> memref<64xi32, #tpu.memory_space<vmem>>
          %dma_start3A_130 = arith.constant 0 : i32
          %dma_start3A_131 = arith.constant 0 : i32
          %dma_start3A_132 = tpu.memref_slice %arg5[%dma_start3A_130, %dma_start3A_131] : memref<10008x128xf32, #tpu.memory_space<hbm>> -> memref<10008x128xf32, #tpu.memory_space<hbm>>
          tpu.enqueue_indirect_dma source(%dma_start3A_132 : memref<10008x128xf32, #tpu.memory_space<hbm>>) target(%arg12 : memref<64x128xf32, #tpu.memory_space<vmem>>) offsets(%dma_start3A_129 : memref<64xi32, #tpu.memory_space<vmem>>) semaphore(%arg24 : memref<!tpu.dma_semaphore, #tpu.memory_space<semaphore_mem>>)
        } else {
        }
      } else {
      }
      %ge3A_78 = arith.constant 0 : i32
      %ge3A_79 = arith.cmpi sge, %scan3A_57, %ge3A_78 : i32
      %add3A_80 = arith.constant 1 : i32
      %add3A_81 = arith.addi %mul3A_60, %add3A_80 : i32
      %lt3A_82 = arith.constant 157 : i32
      %lt3A_83 = arith.cmpi slt, %add3A_81, %lt3A_82 : i32
      %and3A_84 = arith.andi %ge3A_79, %lt3A_83 : i1
      %convert_element_type3A_85 = arith.extui %and3A_84 : i1 to i32
      %cond3A_86 = arith.constant 0 : i32
      %cond3A_87 = arith.cmpi ne, %convert_element_type3A_85, %cond3A_86 : i32
      scf.if %cond3A_87 {
        %dma_wait3A = arith.constant 0 : i32
        %dma_wait3A_101 = arith.constant 0 : i32
        %dma_wait3A_102 = tpu.memref_slice %arg13[%dma_wait3A, %dma_wait3A_101] : memref<3x64xi32, #tpu.memory_space<vmem>> -> memref<1x64xi32, #tpu.memory_space<vmem>>
        %dma_wait3A_103 = tpu.memref_squeeze %dma_wait3A_102 : memref<1x64xi32, #tpu.memory_space<vmem>> -> memref<64xi32, #tpu.memory_space<vmem>>
        %dma_wait3A_104 = arith.constant 0 : i32
        %dma_wait3A_105 = arith.constant 0 : i32
        %dma_wait3A_106 = tpu.memref_slice %arg3[%dma_wait3A_104, %dma_wait3A_105] : memref<10008x16xf32, #tpu.memory_space<hbm>> -> memref<10008x16xf32, #tpu.memory_space<hbm>>
        tpu.wait_indirect_dma semaphore(%arg27 : memref<!tpu.dma_semaphore, #tpu.memory_space<semaphore_mem>>) src(%dma_wait3A_106 : memref<10008x16xf32, #tpu.memory_space<hbm>>) dst(%arg14 : memref<64x16xf32, #tpu.memory_space<vmem>>)
        %dma_wait3A_107 = arith.constant 1 : i32
        %dma_wait3A_108 = arith.constant 0 : i32
        %dma_wait3A_109 = tpu.memref_slice %arg13[%dma_wait3A_107, %dma_wait3A_108] : memref<3x64xi32, #tpu.memory_space<vmem>> -> memref<1x64xi32, #tpu.memory_space<vmem>>
        %dma_wait3A_110 = tpu.memref_squeeze %dma_wait3A_109 : memref<1x64xi32, #tpu.memory_space<vmem>> -> memref<64xi32, #tpu.memory_space<vmem>>
        %dma_wait3A_111 = arith.constant 0 : i32
        %dma_wait3A_112 = arith.constant 0 : i32
        %dma_wait3A_113 = tpu.memref_slice %arg4[%dma_wait3A_111, %dma_wait3A_112] : memref<10008x16xf32, #tpu.memory_space<hbm>> -> memref<10008x16xf32, #tpu.memory_space<hbm>>
        tpu.wait_indirect_dma semaphore(%arg28 : memref<!tpu.dma_semaphore, #tpu.memory_space<semaphore_mem>>) src(%dma_wait3A_113 : memref<10008x16xf32, #tpu.memory_space<hbm>>) dst(%arg15 : memref<64x16xf32, #tpu.memory_space<vmem>>)
        %scan3A_114 = arith.constant 0 : i32
        %scan3A_115 = arith.constant 0 : i32
        %scan3A_116 = arith.constant 4 : i32
        %scan3A_117 = arith.addi %scan3A_115, %scan3A_116 : i32
        %scan3A_118 = arith.constant 1 : i32
        %scan3A_119 = scf.for %scan3A_148 = %scan3A_115 to %scan3A_117 step %scan3A_118 iter_args(%scan3A_149 = %scan3A_114) -> (i32)  : i32 {
          %mul3A_150 = arith.constant 16 : i32
          %mul3A_151 = arith.muli %mul3A_150, %scan3A_148 : i32
          %get3A = arith.constant 2 : i32
          %get3A_152 = arith.index_cast %get3A : i32 to index
          %get3A_153 = arith.index_cast %mul3A_151 : i32 to index
          %get3A_154 = tpu.vector_load %arg13[%get3A_152, %get3A_153] {strides = array<i32>} : memref<3x64xi32, #tpu.memory_space<vmem>>, vector<16xi32>,
          %bitcast3A = vector.bitcast %get3A_154 : vector<16xi32> to vector<16xf32>
          %mul3A_155 = arith.constant 16 : i32
          %mul3A_156 = arith.muli %mul3A_155, %scan3A_148 : i32
          %add3A_157 = arith.constant 0 : i32
          %add3A_158 = arith.addi %mul3A_156, %add3A_157 : i32
          %get3A_159 = arith.index_cast %add3A_158 : i32 to index
          %get3A_160 = arith.constant 0 : index
          %get3A_161 = tpu.vector_load %arg14[%get3A_159, %get3A_160] {strides = array<i32>} : memref<64x16xf32, #tpu.memory_space<vmem>>, vector<16xf32>,
          %get3A_162 = arith.index_cast %add3A_158 : i32 to index
          %get3A_163 = arith.constant 0 : index
          %get3A_164 = tpu.vector_load %arg15[%get3A_162, %get3A_163] {strides = array<i32>} : memref<64x16xf32, #tpu.memory_space<vmem>>, vector<16xf32>,
          %add3A_165 = arith.addf %get3A_161, %get3A_164 : vector<16xf32>
          %mul3A_166 = arith.constant 1.000000e-01 : f32
          %mul3A_167 = vector.broadcast %mul3A_166 : f32 to vector<16xf32>
          %mul3A_168 = arith.mulf %mul3A_167, %add3A_165 : vector<16xf32>
          %max3A = arith.maximumf %add3A_165, %mul3A_168 : vector<16xf32>
          %slice3A = vector.extract_strided_slice %bitcast3A {offsets = [0], sizes = [1], strides = [1]} : vector<16xf32> to vector<1xf32>
          %squeeze3A = vector.extract %slice3A[0] : f32 from vector<1xf32>
          %mul3A_169 = vector.broadcast %squeeze3A : f32 to vector<16xf32>
          %mul3A_170 = arith.mulf %max3A, %mul3A_169 : vector<16xf32>
          %exp3A = math.exp %mul3A_170 : vector<16xf32>
          %swap3A = arith.index_cast %add3A_158 : i32 to index
          %swap3A_171 = arith.constant 0 : index
          %swap3A_172 = tpu.vector_load %arg16[%swap3A, %swap3A_171] {strides = array<i32>} : memref<64x16xf32, #tpu.memory_space<vmem>>, vector<16xf32>,
          tpu.vector_store %arg16[%swap3A, %swap3A_171], %exp3A {strides = array<i32>} : memref<64x16xf32, #tpu.memory_space<vmem>>, vector<16xf32>,
          %mul3A_173 = arith.constant 16 : i32
          %mul3A_174 = arith.muli %mul3A_173, %scan3A_148 : i32
          %add3A_175 = arith.constant 1 : i32
          %add3A_176 = arith.addi %mul3A_174, %add3A_175 : i32
          %get3A_177 = arith.index_cast %add3A_176 : i32 to index
          %get3A_178 = arith.constant 0 : index
          %get3A_179 = tpu.vector_load %arg14[%get3A_177, %get3A_178] {strides = array<i32>} : memref<64x16xf32, #tpu.memory_space<vmem>>, vector<16xf32>,
          %get3A_180 = arith.index_cast %add3A_176 : i32 to index
          %get3A_181 = arith.constant 0 : index
          %get3A_182 = tpu.vector_load %arg15[%get3A_180, %get3A_181] {strides = array<i32>} : memref<64x16xf32, #tpu.memory_space<vmem>>, vector<16xf32>,
          %add3A_183 = arith.addf %get3A_179, %get3A_182 : vector<16xf32>
          %mul3A_184 = arith.constant 1.000000e-01 : f32
          %mul3A_185 = vector.broadcast %mul3A_184 : f32 to vector<16xf32>
          %mul3A_186 = arith.mulf %mul3A_185, %add3A_183 : vector<16xf32>
          %max3A_187 = arith.maximumf %add3A_183, %mul3A_186 : vector<16xf32>
          %slice3A_188 = vector.extract_strided_slice %bitcast3A {offsets = [1], sizes = [1], strides = [1]} : vector<16xf32> to vector<1xf32>
          %squeeze3A_189 = vector.extract %slice3A_188[0] : f32 from vector<1xf32>
          %mul3A_190 = vector.broadcast %squeeze3A_189 : f32 to vector<16xf32>
          %mul3A_191 = arith.mulf %max3A_187, %mul3A_190 : vector<16xf32>
          %exp3A_192 = math.exp %mul3A_191 : vector<16xf32>
          %swap3A_193 = arith.index_cast %add3A_176 : i32 to index
          %swap3A_194 = arith.constant 0 : index
          %swap3A_195 = tpu.vector_load %arg16[%swap3A_193, %swap3A_194] {strides = array<i32>} : memref<64x16xf32, #tpu.memory_space<vmem>>, vector<16xf32>,
          tpu.vector_store %arg16[%swap3A_193, %swap3A_194], %exp3A_192 {strides = array<i32>} : memref<64x16xf32, #tpu.memory_space<vmem>>, vector<16xf32>,
          %mul3A_196 = arith.constant 16 : i32
          %mul3A_197 = arith.muli %mul3A_196, %scan3A_148 : i32
          %add3A_198 = arith.constant 2 : i32
          %add3A_199 = arith.addi %mul3A_197, %add3A_198 : i32
          %get3A_200 = arith.index_cast %add3A_199 : i32 to index
          %get3A_201 = arith.constant 0 : index
          %get3A_202 = tpu.vector_load %arg14[%get3A_200, %get3A_201] {strides = array<i32>} : memref<64x16xf32, #tpu.memory_space<vmem>>, vector<16xf32>,
          %get3A_203 = arith.index_cast %add3A_199 : i32 to index
          %get3A_204 = arith.constant 0 : index
          %get3A_205 = tpu.vector_load %arg15[%get3A_203, %get3A_204] {strides = array<i32>} : memref<64x16xf32, #tpu.memory_space<vmem>>, vector<16xf32>,
          %add3A_206 = arith.addf %get3A_202, %get3A_205 : vector<16xf32>
          %mul3A_207 = arith.constant 1.000000e-01 : f32
          %mul3A_208 = vector.broadcast %mul3A_207 : f32 to vector<16xf32>
          %mul3A_209 = arith.mulf %mul3A_208, %add3A_206 : vector<16xf32>
          %max3A_210 = arith.maximumf %add3A_206, %mul3A_209 : vector<16xf32>
          %slice3A_211 = vector.extract_strided_slice %bitcast3A {offsets = [2], sizes = [1], strides = [1]} : vector<16xf32> to vector<1xf32>
          %squeeze3A_212 = vector.extract %slice3A_211[0] : f32 from vector<1xf32>
          %mul3A_213 = vector.broadcast %squeeze3A_212 : f32 to vector<16xf32>
          %mul3A_214 = arith.mulf %max3A_210, %mul3A_213 : vector<16xf32>
          %exp3A_215 = math.exp %mul3A_214 : vector<16xf32>
          %swap3A_216 = arith.index_cast %add3A_199 : i32 to index
          %swap3A_217 = arith.constant 0 : index
          %swap3A_218 = tpu.vector_load %arg16[%swap3A_216, %swap3A_217] {strides = array<i32>} : memref<64x16xf32, #tpu.memory_space<vmem>>, vector<16xf32>,
          tpu.vector_store %arg16[%swap3A_216, %swap3A_217], %exp3A_215 {strides = array<i32>} : memref<64x16xf32, #tpu.memory_space<vmem>>, vector<16xf32>,
          %mul3A_219 = arith.constant 16 : i32
          %mul3A_220 = arith.muli %mul3A_219, %scan3A_148 : i32
          %add3A_221 = arith.constant 3 : i32
          %add3A_222 = arith.addi %mul3A_220, %add3A_221 : i32
          %get3A_223 = arith.index_cast %add3A_222 : i32 to index
          %get3A_224 = arith.constant 0 : index
          %get3A_225 = tpu.vector_load %arg14[%get3A_223, %get3A_224] {strides = array<i32>} : memref<64x16xf32, #tpu.memory_space<vmem>>, vector<16xf32>,
          %get3A_226 = arith.index_cast %add3A_222 : i32 to index
          %get3A_227 = arith.constant 0 : index
          %get3A_228 = tpu.vector_load %arg15[%get3A_226, %get3A_227] {strides = array<i32>} : memref<64x16xf32, #tpu.memory_space<vmem>>, vector<16xf32>,
          %add3A_229 = arith.addf %get3A_225, %get3A_228 : vector<16xf32>
          %mul3A_230 = arith.constant 1.000000e-01 : f32
          %mul3A_231 = vector.broadcast %mul3A_230 : f32 to vector<16xf32>
          %mul3A_232 = arith.mulf %mul3A_231, %add3A_229 : vector<16xf32>
          %max3A_233 = arith.maximumf %add3A_229, %mul3A_232 : vector<16xf32>
          %slice3A_234 = vector.extract_strided_slice %bitcast3A {offsets = [3], sizes = [1], strides = [1]} : vector<16xf32> to vector<1xf32>
          %squeeze3A_235 = vector.extract %slice3A_234[0] : f32 from vector<1xf32>
          %mul3A_236 = vector.broadcast %squeeze3A_235 : f32 to vector<16xf32>
          %mul3A_237 = arith.mulf %max3A_233, %mul3A_236 : vector<16xf32>
          %exp3A_238 = math.exp %mul3A_237 : vector<16xf32>
          %swap3A_239 = arith.index_cast %add3A_222 : i32 to index
          %swap3A_240 = arith.constant 0 : index
          %swap3A_241 = tpu.vector_load %arg16[%swap3A_239, %swap3A_240] {strides = array<i32>} : memref<64x16xf32, #tpu.memory_space<vmem>>, vector<16xf32>,
          tpu.vector_store %arg16[%swap3A_239, %swap3A_240], %exp3A_238 {strides = array<i32>} : memref<64x16xf32, #tpu.memory_space<vmem>>, vector<16xf32>,
          %mul3A_242 = arith.constant 16 : i32
          %mul3A_243 = arith.muli %mul3A_242, %scan3A_148 : i32
          %add3A_244 = arith.constant 4 : i32
          %add3A_245 = arith.addi %mul3A_243, %add3A_244 : i32
          %get3A_246 = arith.index_cast %add3A_245 : i32 to index
          %get3A_247 = arith.constant 0 : index
          %get3A_248 = tpu.vector_load %arg14[%get3A_246, %get3A_247] {strides = array<i32>} : memref<64x16xf32, #tpu.memory_space<vmem>>, vector<16xf32>,
          %get3A_249 = arith.index_cast %add3A_245 : i32 to index
          %get3A_250 = arith.constant 0 : index
          %get3A_251 = tpu.vector_load %arg15[%get3A_249, %get3A_250] {strides = array<i32>} : memref<64x16xf32, #tpu.memory_space<vmem>>, vector<16xf32>,
          %add3A_252 = arith.addf %get3A_248, %get3A_251 : vector<16xf32>
          %mul3A_253 = arith.constant 1.000000e-01 : f32
          %mul3A_254 = vector.broadcast %mul3A_253 : f32 to vector<16xf32>
          %mul3A_255 = arith.mulf %mul3A_254, %add3A_252 : vector<16xf32>
          %max3A_256 = arith.maximumf %add3A_252, %mul3A_255 : vector<16xf32>
          %slice3A_257 = vector.extract_strided_slice %bitcast3A {offsets = [4], sizes = [1], strides = [1]} : vector<16xf32> to vector<1xf32>
          %squeeze3A_258 = vector.extract %slice3A_257[0] : f32 from vector<1xf32>
          %mul3A_259 = vector.broadcast %squeeze3A_258 : f32 to vector<16xf32>
          %mul3A_260 = arith.mulf %max3A_256, %mul3A_259 : vector<16xf32>
          %exp3A_261 = math.exp %mul3A_260 : vector<16xf32>
          %swap3A_262 = arith.index_cast %add3A_245 : i32 to index
          %swap3A_263 = arith.constant 0 : index
          %swap3A_264 = tpu.vector_load %arg16[%swap3A_262, %swap3A_263] {strides = array<i32>} : memref<64x16xf32, #tpu.memory_space<vmem>>, vector<16xf32>,
          tpu.vector_store %arg16[%swap3A_262, %swap3A_263], %exp3A_261 {strides = array<i32>} : memref<64x16xf32, #tpu.memory_space<vmem>>, vector<16xf32>,
          %mul3A_265 = arith.constant 16 : i32
          %mul3A_266 = arith.muli %mul3A_265, %scan3A_148 : i32
          %add3A_267 = arith.constant 5 : i32
          %add3A_268 = arith.addi %mul3A_266, %add3A_267 : i32
          %get3A_269 = arith.index_cast %add3A_268 : i32 to index
          %get3A_270 = arith.constant 0 : index
          %get3A_271 = tpu.vector_load %arg14[%get3A_269, %get3A_270] {strides = array<i32>} : memref<64x16xf32, #tpu.memory_space<vmem>>, vector<16xf32>,
          %get3A_272 = arith.index_cast %add3A_268 : i32 to index
          %get3A_273 = arith.constant 0 : index
          %get3A_274 = tpu.vector_load %arg15[%get3A_272, %get3A_273] {strides = array<i32>} : memref<64x16xf32, #tpu.memory_space<vmem>>, vector<16xf32>,
          %add3A_275 = arith.addf %get3A_271, %get3A_274 : vector<16xf32>
          %mul3A_276 = arith.constant 1.000000e-01 : f32
          %mul3A_277 = vector.broadcast %mul3A_276 : f32 to vector<16xf32>
          %mul3A_278 = arith.mulf %mul3A_277, %add3A_275 : vector<16xf32>
          %max3A_279 = arith.maximumf %add3A_275, %mul3A_278 : vector<16xf32>
          %slice3A_280 = vector.extract_strided_slice %bitcast3A {offsets = [5], sizes = [1], strides = [1]} : vector<16xf32> to vector<1xf32>
          %squeeze3A_281 = vector.extract %slice3A_280[0] : f32 from vector<1xf32>
          %mul3A_282 = vector.broadcast %squeeze3A_281 : f32 to vector<16xf32>
          %mul3A_283 = arith.mulf %max3A_279, %mul3A_282 : vector<16xf32>
          %exp3A_284 = math.exp %mul3A_283 : vector<16xf32>
          %swap3A_285 = arith.index_cast %add3A_268 : i32 to index
          %swap3A_286 = arith.constant 0 : index
          %swap3A_287 = tpu.vector_load %arg16[%swap3A_285, %swap3A_286] {strides = array<i32>} : memref<64x16xf32, #tpu.memory_space<vmem>>, vector<16xf32>,
          tpu.vector_store %arg16[%swap3A_285, %swap3A_286], %exp3A_284 {strides = array<i32>} : memref<64x16xf32, #tpu.memory_space<vmem>>, vector<16xf32>,
          %mul3A_288 = arith.constant 16 : i32
          %mul3A_289 = arith.muli %mul3A_288, %scan3A_148 : i32
          %add3A_290 = arith.constant 6 : i32
          %add3A_291 = arith.addi %mul3A_289, %add3A_290 : i32
          %get3A_292 = arith.index_cast %add3A_291 : i32 to index
          %get3A_293 = arith.constant 0 : index
          %get3A_294 = tpu.vector_load %arg14[%get3A_292, %get3A_293] {strides = array<i32>} : memref<64x16xf32, #tpu.memory_space<vmem>>, vector<16xf32>,
          %get3A_295 = arith.index_cast %add3A_291 : i32 to index
          %get3A_296 = arith.constant 0 : index
          %get3A_297 = tpu.vector_load %arg15[%get3A_295, %get3A_296] {strides = array<i32>} : memref<64x16xf32, #tpu.memory_space<vmem>>, vector<16xf32>,
          %add3A_298 = arith.addf %get3A_294, %get3A_297 : vector<16xf32>
          %mul3A_299 = arith.constant 1.000000e-01 : f32
          %mul3A_300 = vector.broadcast %mul3A_299 : f32 to vector<16xf32>
          %mul3A_301 = arith.mulf %mul3A_300, %add3A_298 : vector<16xf32>
          %max3A_302 = arith.maximumf %add3A_298, %mul3A_301 : vector<16xf32>
          %slice3A_303 = vector.extract_strided_slice %bitcast3A {offsets = [6], sizes = [1], strides = [1]} : vector<16xf32> to vector<1xf32>
          %squeeze3A_304 = vector.extract %slice3A_303[0] : f32 from vector<1xf32>
          %mul3A_305 = vector.broadcast %squeeze3A_304 : f32 to vector<16xf32>
          %mul3A_306 = arith.mulf %max3A_302, %mul3A_305 : vector<16xf32>
          %exp3A_307 = math.exp %mul3A_306 : vector<16xf32>
          %swap3A_308 = arith.index_cast %add3A_291 : i32 to index
          %swap3A_309 = arith.constant 0 : index
          %swap3A_310 = tpu.vector_load %arg16[%swap3A_308, %swap3A_309] {strides = array<i32>} : memref<64x16xf32, #tpu.memory_space<vmem>>, vector<16xf32>,
          tpu.vector_store %arg16[%swap3A_308, %swap3A_309], %exp3A_307 {strides = array<i32>} : memref<64x16xf32, #tpu.memory_space<vmem>>, vector<16xf32>,
          %mul3A_311 = arith.constant 16 : i32
          %mul3A_312 = arith.muli %mul3A_311, %scan3A_148 : i32
          %add3A_313 = arith.constant 7 : i32
          %add3A_314 = arith.addi %mul3A_312, %add3A_313 : i32
          %get3A_315 = arith.index_cast %add3A_314 : i32 to index
          %get3A_316 = arith.constant 0 : index
          %get3A_317 = tpu.vector_load %arg14[%get3A_315, %get3A_316] {strides = array<i32>} : memref<64x16xf32, #tpu.memory_space<vmem>>, vector<16xf32>,
          %get3A_318 = arith.index_cast %add3A_314 : i32 to index
          %get3A_319 = arith.constant 0 : index
          %get3A_320 = tpu.vector_load %arg15[%get3A_318, %get3A_319] {strides = array<i32>} : memref<64x16xf32, #tpu.memory_space<vmem>>, vector<16xf32>,
          %add3A_321 = arith.addf %get3A_317, %get3A_320 : vector<16xf32>
          %mul3A_322 = arith.constant 1.000000e-01 : f32
          %mul3A_323 = vector.broadcast %mul3A_322 : f32 to vector<16xf32>
          %mul3A_324 = arith.mulf %mul3A_323, %add3A_321 : vector<16xf32>
          %max3A_325 = arith.maximumf %add3A_321, %mul3A_324 : vector<16xf32>
          %slice3A_326 = vector.extract_strided_slice %bitcast3A {offsets = [7], sizes = [1], strides = [1]} : vector<16xf32> to vector<1xf32>
          %squeeze3A_327 = vector.extract %slice3A_326[0] : f32 from vector<1xf32>
          %mul3A_328 = vector.broadcast %squeeze3A_327 : f32 to vector<16xf32>
          %mul3A_329 = arith.mulf %max3A_325, %mul3A_328 : vector<16xf32>
          %exp3A_330 = math.exp %mul3A_329 : vector<16xf32>
          %swap3A_331 = arith.index_cast %add3A_314 : i32 to index
          %swap3A_332 = arith.constant 0 : index
          %swap3A_333 = tpu.vector_load %arg16[%swap3A_331, %swap3A_332] {strides = array<i32>} : memref<64x16xf32, #tpu.memory_space<vmem>>, vector<16xf32>,
          tpu.vector_store %arg16[%swap3A_331, %swap3A_332], %exp3A_330 {strides = array<i32>} : memref<64x16xf32, #tpu.memory_space<vmem>>, vector<16xf32>,
          %mul3A_334 = arith.constant 16 : i32
          %mul3A_335 = arith.muli %mul3A_334, %scan3A_148 : i32
          %add3A_336 = arith.constant 8 : i32
          %add3A_337 = arith.addi %mul3A_335, %add3A_336 : i32
          %get3A_338 = arith.index_cast %add3A_337 : i32 to index
          %get3A_339 = arith.constant 0 : index
          %get3A_340 = tpu.vector_load %arg14[%get3A_338, %get3A_339] {strides = array<i32>} : memref<64x16xf32, #tpu.memory_space<vmem>>, vector<16xf32>,
          %get3A_341 = arith.index_cast %add3A_337 : i32 to index
          %get3A_342 = arith.constant 0 : index
          %get3A_343 = tpu.vector_load %arg15[%get3A_341, %get3A_342] {strides = array<i32>} : memref<64x16xf32, #tpu.memory_space<vmem>>, vector<16xf32>,
          %add3A_344 = arith.addf %get3A_340, %get3A_343 : vector<16xf32>
          %mul3A_345 = arith.constant 1.000000e-01 : f32
          %mul3A_346 = vector.broadcast %mul3A_345 : f32 to vector<16xf32>
          %mul3A_347 = arith.mulf %mul3A_346, %add3A_344 : vector<16xf32>
          %max3A_348 = arith.maximumf %add3A_344, %mul3A_347 : vector<16xf32>
          %slice3A_349 = vector.extract_strided_slice %bitcast3A {offsets = [8], sizes = [1], strides = [1]} : vector<16xf32> to vector<1xf32>
          %squeeze3A_350 = vector.extract %slice3A_349[0] : f32 from vector<1xf32>
          %mul3A_351 = vector.broadcast %squeeze3A_350 : f32 to vector<16xf32>
          %mul3A_352 = arith.mulf %max3A_348, %mul3A_351 : vector<16xf32>
          %exp3A_353 = math.exp %mul3A_352 : vector<16xf32>
          %swap3A_354 = arith.index_cast %add3A_337 : i32 to index
          %swap3A_355 = arith.constant 0 : index
          %swap3A_356 = tpu.vector_load %arg16[%swap3A_354, %swap3A_355] {strides = array<i32>} : memref<64x16xf32, #tpu.memory_space<vmem>>, vector<16xf32>,
          tpu.vector_store %arg16[%swap3A_354, %swap3A_355], %exp3A_353 {strides = array<i32>} : memref<64x16xf32, #tpu.memory_space<vmem>>, vector<16xf32>,
          %mul3A_357 = arith.constant 16 : i32
          %mul3A_358 = arith.muli %mul3A_357, %scan3A_148 : i32
          %add3A_359 = arith.constant 9 : i32
          %add3A_360 = arith.addi %mul3A_358, %add3A_359 : i32
          %get3A_361 = arith.index_cast %add3A_360 : i32 to index
          %get3A_362 = arith.constant 0 : index
          %get3A_363 = tpu.vector_load %arg14[%get3A_361, %get3A_362] {strides = array<i32>} : memref<64x16xf32, #tpu.memory_space<vmem>>, vector<16xf32>,
          %get3A_364 = arith.index_cast %add3A_360 : i32 to index
          %get3A_365 = arith.constant 0 : index
          %get3A_366 = tpu.vector_load %arg15[%get3A_364, %get3A_365] {strides = array<i32>} : memref<64x16xf32, #tpu.memory_space<vmem>>, vector<16xf32>,
          %add3A_367 = arith.addf %get3A_363, %get3A_366 : vector<16xf32>
          %mul3A_368 = arith.constant 1.000000e-01 : f32
          %mul3A_369 = vector.broadcast %mul3A_368 : f32 to vector<16xf32>
          %mul3A_370 = arith.mulf %mul3A_369, %add3A_367 : vector<16xf32>
          %max3A_371 = arith.maximumf %add3A_367, %mul3A_370 : vector<16xf32>
          %slice3A_372 = vector.extract_strided_slice %bitcast3A {offsets = [9], sizes = [1], strides = [1]} : vector<16xf32> to vector<1xf32>
          %squeeze3A_373 = vector.extract %slice3A_372[0] : f32 from vector<1xf32>
          %mul3A_374 = vector.broadcast %squeeze3A_373 : f32 to vector<16xf32>
          %mul3A_375 = arith.mulf %max3A_371, %mul3A_374 : vector<16xf32>
          %exp3A_376 = math.exp %mul3A_375 : vector<16xf32>
          %swap3A_377 = arith.index_cast %add3A_360 : i32 to index
          %swap3A_378 = arith.constant 0 : index
          %swap3A_379 = tpu.vector_load %arg16[%swap3A_377, %swap3A_378] {strides = array<i32>} : memref<64x16xf32, #tpu.memory_space<vmem>>, vector<16xf32>,
          tpu.vector_store %arg16[%swap3A_377, %swap3A_378], %exp3A_376 {strides = array<i32>} : memref<64x16xf32, #tpu.memory_space<vmem>>, vector<16xf32>,
          %mul3A_380 = arith.constant 16 : i32
          %mul3A_381 = arith.muli %mul3A_380, %scan3A_148 : i32
          %add3A_382 = arith.constant 10 : i32
          %add3A_383 = arith.addi %mul3A_381, %add3A_382 : i32
          %get3A_384 = arith.index_cast %add3A_383 : i32 to index
          %get3A_385 = arith.constant 0 : index
          %get3A_386 = tpu.vector_load %arg14[%get3A_384, %get3A_385] {strides = array<i32>} : memref<64x16xf32, #tpu.memory_space<vmem>>, vector<16xf32>,
          %get3A_387 = arith.index_cast %add3A_383 : i32 to index
          %get3A_388 = arith.constant 0 : index
          %get3A_389 = tpu.vector_load %arg15[%get3A_387, %get3A_388] {strides = array<i32>} : memref<64x16xf32, #tpu.memory_space<vmem>>, vector<16xf32>,
          %add3A_390 = arith.addf %get3A_386, %get3A_389 : vector<16xf32>
          %mul3A_391 = arith.constant 1.000000e-01 : f32
          %mul3A_392 = vector.broadcast %mul3A_391 : f32 to vector<16xf32>
          %mul3A_393 = arith.mulf %mul3A_392, %add3A_390 : vector<16xf32>
          %max3A_394 = arith.maximumf %add3A_390, %mul3A_393 : vector<16xf32>
          %slice3A_395 = vector.extract_strided_slice %bitcast3A {offsets = [10], sizes = [1], strides = [1]} : vector<16xf32> to vector<1xf32>
          %squeeze3A_396 = vector.extract %slice3A_395[0] : f32 from vector<1xf32>
          %mul3A_397 = vector.broadcast %squeeze3A_396 : f32 to vector<16xf32>
          %mul3A_398 = arith.mulf %max3A_394, %mul3A_397 : vector<16xf32>
          %exp3A_399 = math.exp %mul3A_398 : vector<16xf32>
          %swap3A_400 = arith.index_cast %add3A_383 : i32 to index
          %swap3A_401 = arith.constant 0 : index
          %swap3A_402 = tpu.vector_load %arg16[%swap3A_400, %swap3A_401] {strides = array<i32>} : memref<64x16xf32, #tpu.memory_space<vmem>>, vector<16xf32>,
          tpu.vector_store %arg16[%swap3A_400, %swap3A_401], %exp3A_399 {strides = array<i32>} : memref<64x16xf32, #tpu.memory_space<vmem>>, vector<16xf32>,
          %mul3A_403 = arith.constant 16 : i32
          %mul3A_404 = arith.muli %mul3A_403, %scan3A_148 : i32
          %add3A_405 = arith.constant 11 : i32
          %add3A_406 = arith.addi %mul3A_404, %add3A_405 : i32
          %get3A_407 = arith.index_cast %add3A_406 : i32 to index
          %get3A_408 = arith.constant 0 : index
          %get3A_409 = tpu.vector_load %arg14[%get3A_407, %get3A_408] {strides = array<i32>} : memref<64x16xf32, #tpu.memory_space<vmem>>, vector<16xf32>,
          %get3A_410 = arith.index_cast %add3A_406 : i32 to index
          %get3A_411 = arith.constant 0 : index
          %get3A_412 = tpu.vector_load %arg15[%get3A_410, %get3A_411] {strides = array<i32>} : memref<64x16xf32, #tpu.memory_space<vmem>>, vector<16xf32>,
          %add3A_413 = arith.addf %get3A_409, %get3A_412 : vector<16xf32>
          %mul3A_414 = arith.constant 1.000000e-01 : f32
          %mul3A_415 = vector.broadcast %mul3A_414 : f32 to vector<16xf32>
          %mul3A_416 = arith.mulf %mul3A_415, %add3A_413 : vector<16xf32>
          %max3A_417 = arith.maximumf %add3A_413, %mul3A_416 : vector<16xf32>
          %slice3A_418 = vector.extract_strided_slice %bitcast3A {offsets = [11], sizes = [1], strides = [1]} : vector<16xf32> to vector<1xf32>
          %squeeze3A_419 = vector.extract %slice3A_418[0] : f32 from vector<1xf32>
          %mul3A_420 = vector.broadcast %squeeze3A_419 : f32 to vector<16xf32>
          %mul3A_421 = arith.mulf %max3A_417, %mul3A_420 : vector<16xf32>
          %exp3A_422 = math.exp %mul3A_421 : vector<16xf32>
          %swap3A_423 = arith.index_cast %add3A_406 : i32 to index
          %swap3A_424 = arith.constant 0 : index
          %swap3A_425 = tpu.vector_load %arg16[%swap3A_423, %swap3A_424] {strides = array<i32>} : memref<64x16xf32, #tpu.memory_space<vmem>>, vector<16xf32>,
          tpu.vector_store %arg16[%swap3A_423, %swap3A_424], %exp3A_422 {strides = array<i32>} : memref<64x16xf32, #tpu.memory_space<vmem>>, vector<16xf32>,
          %mul3A_426 = arith.constant 16 : i32
          %mul3A_427 = arith.muli %mul3A_426, %scan3A_148 : i32
          %add3A_428 = arith.constant 12 : i32
          %add3A_429 = arith.addi %mul3A_427, %add3A_428 : i32
          %get3A_430 = arith.index_cast %add3A_429 : i32 to index
          %get3A_431 = arith.constant 0 : index
          %get3A_432 = tpu.vector_load %arg14[%get3A_430, %get3A_431] {strides = array<i32>} : memref<64x16xf32, #tpu.memory_space<vmem>>, vector<16xf32>,
          %get3A_433 = arith.index_cast %add3A_429 : i32 to index
          %get3A_434 = arith.constant 0 : index
          %get3A_435 = tpu.vector_load %arg15[%get3A_433, %get3A_434] {strides = array<i32>} : memref<64x16xf32, #tpu.memory_space<vmem>>, vector<16xf32>,
          %add3A_436 = arith.addf %get3A_432, %get3A_435 : vector<16xf32>
          %mul3A_437 = arith.constant 1.000000e-01 : f32
          %mul3A_438 = vector.broadcast %mul3A_437 : f32 to vector<16xf32>
          %mul3A_439 = arith.mulf %mul3A_438, %add3A_436 : vector<16xf32>
          %max3A_440 = arith.maximumf %add3A_436, %mul3A_439 : vector<16xf32>
          %slice3A_441 = vector.extract_strided_slice %bitcast3A {offsets = [12], sizes = [1], strides = [1]} : vector<16xf32> to vector<1xf32>
          %squeeze3A_442 = vector.extract %slice3A_441[0] : f32 from vector<1xf32>
          %mul3A_443 = vector.broadcast %squeeze3A_442 : f32 to vector<16xf32>
          %mul3A_444 = arith.mulf %max3A_440, %mul3A_443 : vector<16xf32>
          %exp3A_445 = math.exp %mul3A_444 : vector<16xf32>
          %swap3A_446 = arith.index_cast %add3A_429 : i32 to index
          %swap3A_447 = arith.constant 0 : index
          %swap3A_448 = tpu.vector_load %arg16[%swap3A_446, %swap3A_447] {strides = array<i32>} : memref<64x16xf32, #tpu.memory_space<vmem>>, vector<16xf32>,
          tpu.vector_store %arg16[%swap3A_446, %swap3A_447], %exp3A_445 {strides = array<i32>} : memref<64x16xf32, #tpu.memory_space<vmem>>, vector<16xf32>,
          %mul3A_449 = arith.constant 16 : i32
          %mul3A_450 = arith.muli %mul3A_449, %scan3A_148 : i32
          %add3A_451 = arith.constant 13 : i32
          %add3A_452 = arith.addi %mul3A_450, %add3A_451 : i32
          %get3A_453 = arith.index_cast %add3A_452 : i32 to index
          %get3A_454 = arith.constant 0 : index
          %get3A_455 = tpu.vector_load %arg14[%get3A_453, %get3A_454] {strides = array<i32>} : memref<64x16xf32, #tpu.memory_space<vmem>>, vector<16xf32>,
          %get3A_456 = arith.index_cast %add3A_452 : i32 to index
          %get3A_457 = arith.constant 0 : index
          %get3A_458 = tpu.vector_load %arg15[%get3A_456, %get3A_457] {strides = array<i32>} : memref<64x16xf32, #tpu.memory_space<vmem>>, vector<16xf32>,
          %add3A_459 = arith.addf %get3A_455, %get3A_458 : vector<16xf32>
          %mul3A_460 = arith.constant 1.000000e-01 : f32
          %mul3A_461 = vector.broadcast %mul3A_460 : f32 to vector<16xf32>
          %mul3A_462 = arith.mulf %mul3A_461, %add3A_459 : vector<16xf32>
          %max3A_463 = arith.maximumf %add3A_459, %mul3A_462 : vector<16xf32>
          %slice3A_464 = vector.extract_strided_slice %bitcast3A {offsets = [13], sizes = [1], strides = [1]} : vector<16xf32> to vector<1xf32>
          %squeeze3A_465 = vector.extract %slice3A_464[0] : f32 from vector<1xf32>
          %mul3A_466 = vector.broadcast %squeeze3A_465 : f32 to vector<16xf32>
          %mul3A_467 = arith.mulf %max3A_463, %mul3A_466 : vector<16xf32>
          %exp3A_468 = math.exp %mul3A_467 : vector<16xf32>
          %swap3A_469 = arith.index_cast %add3A_452 : i32 to index
          %swap3A_470 = arith.constant 0 : index
          %swap3A_471 = tpu.vector_load %arg16[%swap3A_469, %swap3A_470] {strides = array<i32>} : memref<64x16xf32, #tpu.memory_space<vmem>>, vector<16xf32>,
          tpu.vector_store %arg16[%swap3A_469, %swap3A_470], %exp3A_468 {strides = array<i32>} : memref<64x16xf32, #tpu.memory_space<vmem>>, vector<16xf32>,
          %mul3A_472 = arith.constant 16 : i32
          %mul3A_473 = arith.muli %mul3A_472, %scan3A_148 : i32
          %add3A_474 = arith.constant 14 : i32
          %add3A_475 = arith.addi %mul3A_473, %add3A_474 : i32
          %get3A_476 = arith.index_cast %add3A_475 : i32 to index
          %get3A_477 = arith.constant 0 : index
          %get3A_478 = tpu.vector_load %arg14[%get3A_476, %get3A_477] {strides = array<i32>} : memref<64x16xf32, #tpu.memory_space<vmem>>, vector<16xf32>,
          %get3A_479 = arith.index_cast %add3A_475 : i32 to index
          %get3A_480 = arith.constant 0 : index
          %get3A_481 = tpu.vector_load %arg15[%get3A_479, %get3A_480] {strides = array<i32>} : memref<64x16xf32, #tpu.memory_space<vmem>>, vector<16xf32>,
          %add3A_482 = arith.addf %get3A_478, %get3A_481 : vector<16xf32>
          %mul3A_483 = arith.constant 1.000000e-01 : f32
          %mul3A_484 = vector.broadcast %mul3A_483 : f32 to vector<16xf32>
          %mul3A_485 = arith.mulf %mul3A_484, %add3A_482 : vector<16xf32>
          %max3A_486 = arith.maximumf %add3A_482, %mul3A_485 : vector<16xf32>
          %slice3A_487 = vector.extract_strided_slice %bitcast3A {offsets = [14], sizes = [1], strides = [1]} : vector<16xf32> to vector<1xf32>
          %squeeze3A_488 = vector.extract %slice3A_487[0] : f32 from vector<1xf32>
          %mul3A_489 = vector.broadcast %squeeze3A_488 : f32 to vector<16xf32>
          %mul3A_490 = arith.mulf %max3A_486, %mul3A_489 : vector<16xf32>
          %exp3A_491 = math.exp %mul3A_490 : vector<16xf32>
          %swap3A_492 = arith.index_cast %add3A_475 : i32 to index
          %swap3A_493 = arith.constant 0 : index
          %swap3A_494 = tpu.vector_load %arg16[%swap3A_492, %swap3A_493] {strides = array<i32>} : memref<64x16xf32, #tpu.memory_space<vmem>>, vector<16xf32>,
          tpu.vector_store %arg16[%swap3A_492, %swap3A_493], %exp3A_491 {strides = array<i32>} : memref<64x16xf32, #tpu.memory_space<vmem>>, vector<16xf32>,
          %mul3A_495 = arith.constant 16 : i32
          %mul3A_496 = arith.muli %mul3A_495, %scan3A_148 : i32
          %add3A_497 = arith.constant 15 : i32
          %add3A_498 = arith.addi %mul3A_496, %add3A_497 : i32
          %get3A_499 = arith.index_cast %add3A_498 : i32 to index
          %get3A_500 = arith.constant 0 : index
          %get3A_501 = tpu.vector_load %arg14[%get3A_499, %get3A_500] {strides = array<i32>} : memref<64x16xf32, #tpu.memory_space<vmem>>, vector<16xf32>,
          %get3A_502 = arith.index_cast %add3A_498 : i32 to index
          %get3A_503 = arith.constant 0 : index
          %get3A_504 = tpu.vector_load %arg15[%get3A_502, %get3A_503] {strides = array<i32>} : memref<64x16xf32, #tpu.memory_space<vmem>>, vector<16xf32>,
          %add3A_505 = arith.addf %get3A_501, %get3A_504 : vector<16xf32>
          %mul3A_506 = arith.constant 1.000000e-01 : f32
          %mul3A_507 = vector.broadcast %mul3A_506 : f32 to vector<16xf32>
          %mul3A_508 = arith.mulf %mul3A_507, %add3A_505 : vector<16xf32>
          %max3A_509 = arith.maximumf %add3A_505, %mul3A_508 : vector<16xf32>
          %slice3A_510 = vector.extract_strided_slice %bitcast3A {offsets = [15], sizes = [1], strides = [1]} : vector<16xf32> to vector<1xf32>
          %squeeze3A_511 = vector.extract %slice3A_510[0] : f32 from vector<1xf32>
          %mul3A_512 = vector.broadcast %squeeze3A_511 : f32 to vector<16xf32>
          %mul3A_513 = arith.mulf %max3A_509, %mul3A_512 : vector<16xf32>
          %exp3A_514 = math.exp %mul3A_513 : vector<16xf32>
          %swap3A_515 = arith.index_cast %add3A_498 : i32 to index
          %swap3A_516 = arith.constant 0 : index
          %swap3A_517 = tpu.vector_load %arg16[%swap3A_515, %swap3A_516] {strides = array<i32>} : memref<64x16xf32, #tpu.memory_space<vmem>>, vector<16xf32>,
          tpu.vector_store %arg16[%swap3A_515, %swap3A_516], %exp3A_514 {strides = array<i32>} : memref<64x16xf32, #tpu.memory_space<vmem>>, vector<16xf32>,
          %scan3A_518 = arith.constant 0 : i32
          scf.yield %scan3A_518 : i32
        }
        %scan3A_120 = arith.constant 4 : i32
        %dma_start3A = arith.constant 1 : i32
        %dma_start3A_121 = arith.constant 0 : i32
        %dma_start3A_122 = tpu.memref_slice %arg13[%dma_start3A, %dma_start3A_121] : memref<3x64xi32, #tpu.memory_space<vmem>> -> memref<1x64xi32, #tpu.memory_space<vmem>>
        %dma_start3A_123 = tpu.memref_squeeze %dma_start3A_122 : memref<1x64xi32, #tpu.memory_space<vmem>> -> memref<64xi32, #tpu.memory_space<vmem>>
        %dma_start3A_124 = arith.constant 0 : i32
        %dma_start3A_125 = arith.constant 0 : i32
        %dma_start3A_126 = tpu.memref_slice %arg21[%dma_start3A_124, %dma_start3A_125] : memref<10008x16xf32, #tpu.memory_space<vmem_shared>> -> memref<10008x16xf32, #tpu.memory_space<vmem_shared>>
        tpu.enqueue_indirect_dma source(%arg16 : memref<64x16xf32, #tpu.memory_space<vmem>>) target(%dma_start3A_126 : memref<10008x16xf32, #tpu.memory_space<vmem_shared>>) offsets(%dma_start3A_123 : memref<64xi32, #tpu.memory_space<vmem>>) semaphore(%arg30 : memref<!tpu.dma_semaphore, #tpu.memory_space<semaphore_mem>>) {add = true}
        %dma_wait3A_127 = arith.constant 0 : i32
        %dma_wait3A_128 = arith.constant 0 : i32
        %dma_wait3A_129 = tpu.memref_slice %arg13[%dma_wait3A_127, %dma_wait3A_128] : memref<3x64xi32, #tpu.memory_space<vmem>> -> memref<1x64xi32, #tpu.memory_space<vmem>>
        %dma_wait3A_130 = tpu.memref_squeeze %dma_wait3A_129 : memref<1x64xi32, #tpu.memory_space<vmem>> -> memref<64xi32, #tpu.memory_space<vmem>>
        %dma_wait3A_131 = arith.constant 0 : i32
        %dma_wait3A_132 = arith.constant 0 : i32
        %dma_wait3A_133 = tpu.memref_slice %arg5[%dma_wait3A_131, %dma_wait3A_132] : memref<10008x128xf32, #tpu.memory_space<hbm>> -> memref<10008x128xf32, #tpu.memory_space<hbm>>
        tpu.wait_indirect_dma semaphore(%arg29 : memref<!tpu.dma_semaphore, #tpu.memory_space<semaphore_mem>>) src(%dma_wait3A_133 : memref<10008x128xf32, #tpu.memory_space<hbm>>) dst(%arg17 : memref<64x128xf32, #tpu.memory_space<vmem>>)
        %scan3A_134 = arith.constant 0 : i32
        %scan3A_135 = arith.constant 0 : i32
        %scan3A_136 = arith.constant 64 : i32
        %scan3A_137 = arith.addi %scan3A_135, %scan3A_136 : i32
        %scan3A_138 = arith.constant 1 : i32
        %scan3A_139 = scf.for %scan3A_148 = %scan3A_135 to %scan3A_137 step %scan3A_138 iter_args(%scan3A_149 = %scan3A_134) -> (i32)  : i32 {
          %get3A = arith.index_cast %scan3A_148 : i32 to index
          %get3A_150 = arith.constant 0 : index
          %get3A_151 = tpu.vector_load %arg16[%get3A, %get3A_150] {strides = array<i32>} : memref<64x16xf32, #tpu.memory_space<vmem>>, vector<16xf32>,
          %get3A_152 = arith.index_cast %scan3A_148 : i32 to index
          %get3A_153 = arith.constant 0 : index
          %get3A_154 = tpu.vector_load %arg17[%get3A_152, %get3A_153] {strides = array<i32>} : memref<64x128xf32, #tpu.memory_space<vmem>>, vector<16xf32>,
          %slice3A = vector.extract_strided_slice %get3A_151 {offsets = [0], sizes = [1], strides = [1]} : vector<16xf32> to vector<1xf32>
          %squeeze3A = vector.extract %slice3A[0] : f32 from vector<1xf32>
          %mul3A_155 = vector.broadcast %squeeze3A : f32 to vector<16xf32>
          %mul3A_156 = arith.mulf %get3A_154, %mul3A_155 : vector<16xf32>
          %swap3A = arith.index_cast %scan3A_148 : i32 to index
          %swap3A_157 = arith.constant 0 : index
          %swap3A_158 = tpu.vector_load %arg17[%swap3A, %swap3A_157] {strides = array<i32>} : memref<64x128xf32, #tpu.memory_space<vmem>>, vector<16xf32>,
          tpu.vector_store %arg17[%swap3A, %swap3A_157], %mul3A_156 {strides = array<i32>} : memref<64x128xf32, #tpu.memory_space<vmem>>, vector<16xf32>,
          %get3A_159 = arith.index_cast %scan3A_148 : i32 to index
          %get3A_160 = arith.constant 16 : index
          %get3A_161 = tpu.vector_load %arg17[%get3A_159, %get3A_160] {strides = array<i32>} : memref<64x128xf32, #tpu.memory_space<vmem>>, vector<16xf32>,
          %slice3A_162 = vector.extract_strided_slice %get3A_151 {offsets = [1], sizes = [1], strides = [1]} : vector<16xf32> to vector<1xf32>
          %squeeze3A_163 = vector.extract %slice3A_162[0] : f32 from vector<1xf32>
          %mul3A_164 = vector.broadcast %squeeze3A_163 : f32 to vector<16xf32>
          %mul3A_165 = arith.mulf %get3A_161, %mul3A_164 : vector<16xf32>
          %swap3A_166 = arith.index_cast %scan3A_148 : i32 to index
          %swap3A_167 = arith.constant 16 : index
          %swap3A_168 = tpu.vector_load %arg17[%swap3A_166, %swap3A_167] {strides = array<i32>} : memref<64x128xf32, #tpu.memory_space<vmem>>, vector<16xf32>,
          tpu.vector_store %arg17[%swap3A_166, %swap3A_167], %mul3A_165 {strides = array<i32>} : memref<64x128xf32, #tpu.memory_space<vmem>>, vector<16xf32>,
          %get3A_169 = arith.index_cast %scan3A_148 : i32 to index
          %get3A_170 = arith.constant 32 : index
          %get3A_171 = tpu.vector_load %arg17[%get3A_169, %get3A_170] {strides = array<i32>} : memref<64x128xf32, #tpu.memory_space<vmem>>, vector<16xf32>,
          %slice3A_172 = vector.extract_strided_slice %get3A_151 {offsets = [2], sizes = [1], strides = [1]} : vector<16xf32> to vector<1xf32>
          %squeeze3A_173 = vector.extract %slice3A_172[0] : f32 from vector<1xf32>
          %mul3A_174 = vector.broadcast %squeeze3A_173 : f32 to vector<16xf32>
          %mul3A_175 = arith.mulf %get3A_171, %mul3A_174 : vector<16xf32>
          %swap3A_176 = arith.index_cast %scan3A_148 : i32 to index
          %swap3A_177 = arith.constant 32 : index
          %swap3A_178 = tpu.vector_load %arg17[%swap3A_176, %swap3A_177] {strides = array<i32>} : memref<64x128xf32, #tpu.memory_space<vmem>>, vector<16xf32>,
          tpu.vector_store %arg17[%swap3A_176, %swap3A_177], %mul3A_175 {strides = array<i32>} : memref<64x128xf32, #tpu.memory_space<vmem>>, vector<16xf32>,
          %get3A_179 = arith.index_cast %scan3A_148 : i32 to index
          %get3A_180 = arith.constant 48 : index
          %get3A_181 = tpu.vector_load %arg17[%get3A_179, %get3A_180] {strides = array<i32>} : memref<64x128xf32, #tpu.memory_space<vmem>>, vector<16xf32>,
          %slice3A_182 = vector.extract_strided_slice %get3A_151 {offsets = [3], sizes = [1], strides = [1]} : vector<16xf32> to vector<1xf32>
          %squeeze3A_183 = vector.extract %slice3A_182[0] : f32 from vector<1xf32>
          %mul3A_184 = vector.broadcast %squeeze3A_183 : f32 to vector<16xf32>
          %mul3A_185 = arith.mulf %get3A_181, %mul3A_184 : vector<16xf32>
          %swap3A_186 = arith.index_cast %scan3A_148 : i32 to index
          %swap3A_187 = arith.constant 48 : index
          %swap3A_188 = tpu.vector_load %arg17[%swap3A_186, %swap3A_187] {strides = array<i32>} : memref<64x128xf32, #tpu.memory_space<vmem>>, vector<16xf32>,
          tpu.vector_store %arg17[%swap3A_186, %swap3A_187], %mul3A_185 {strides = array<i32>} : memref<64x128xf32, #tpu.memory_space<vmem>>, vector<16xf32>,
          %get3A_189 = arith.index_cast %scan3A_148 : i32 to index
          %get3A_190 = arith.constant 64 : index
          %get3A_191 = tpu.vector_load %arg17[%get3A_189, %get3A_190] {strides = array<i32>} : memref<64x128xf32, #tpu.memory_space<vmem>>, vector<16xf32>,
          %slice3A_192 = vector.extract_strided_slice %get3A_151 {offsets = [4], sizes = [1], strides = [1]} : vector<16xf32> to vector<1xf32>
          %squeeze3A_193 = vector.extract %slice3A_192[0] : f32 from vector<1xf32>
          %mul3A_194 = vector.broadcast %squeeze3A_193 : f32 to vector<16xf32>
          %mul3A_195 = arith.mulf %get3A_191, %mul3A_194 : vector<16xf32>
          %swap3A_196 = arith.index_cast %scan3A_148 : i32 to index
          %swap3A_197 = arith.constant 64 : index
          %swap3A_198 = tpu.vector_load %arg17[%swap3A_196, %swap3A_197] {strides = array<i32>} : memref<64x128xf32, #tpu.memory_space<vmem>>, vector<16xf32>,
          tpu.vector_store %arg17[%swap3A_196, %swap3A_197], %mul3A_195 {strides = array<i32>} : memref<64x128xf32, #tpu.memory_space<vmem>>, vector<16xf32>,
          %get3A_199 = arith.index_cast %scan3A_148 : i32 to index
          %get3A_200 = arith.constant 80 : index
          %get3A_201 = tpu.vector_load %arg17[%get3A_199, %get3A_200] {strides = array<i32>} : memref<64x128xf32, #tpu.memory_space<vmem>>, vector<16xf32>,
          %slice3A_202 = vector.extract_strided_slice %get3A_151 {offsets = [5], sizes = [1], strides = [1]} : vector<16xf32> to vector<1xf32>
          %squeeze3A_203 = vector.extract %slice3A_202[0] : f32 from vector<1xf32>
          %mul3A_204 = vector.broadcast %squeeze3A_203 : f32 to vector<16xf32>
          %mul3A_205 = arith.mulf %get3A_201, %mul3A_204 : vector<16xf32>
          %swap3A_206 = arith.index_cast %scan3A_148 : i32 to index
          %swap3A_207 = arith.constant 80 : index
          %swap3A_208 = tpu.vector_load %arg17[%swap3A_206, %swap3A_207] {strides = array<i32>} : memref<64x128xf32, #tpu.memory_space<vmem>>, vector<16xf32>,
          tpu.vector_store %arg17[%swap3A_206, %swap3A_207], %mul3A_205 {strides = array<i32>} : memref<64x128xf32, #tpu.memory_space<vmem>>, vector<16xf32>,
          %get3A_209 = arith.index_cast %scan3A_148 : i32 to index
          %get3A_210 = arith.constant 96 : index
          %get3A_211 = tpu.vector_load %arg17[%get3A_209, %get3A_210] {strides = array<i32>} : memref<64x128xf32, #tpu.memory_space<vmem>>, vector<16xf32>,
          %slice3A_212 = vector.extract_strided_slice %get3A_151 {offsets = [6], sizes = [1], strides = [1]} : vector<16xf32> to vector<1xf32>
          %squeeze3A_213 = vector.extract %slice3A_212[0] : f32 from vector<1xf32>
          %mul3A_214 = vector.broadcast %squeeze3A_213 : f32 to vector<16xf32>
          %mul3A_215 = arith.mulf %get3A_211, %mul3A_214 : vector<16xf32>
          %swap3A_216 = arith.index_cast %scan3A_148 : i32 to index
          %swap3A_217 = arith.constant 96 : index
          %swap3A_218 = tpu.vector_load %arg17[%swap3A_216, %swap3A_217] {strides = array<i32>} : memref<64x128xf32, #tpu.memory_space<vmem>>, vector<16xf32>,
          tpu.vector_store %arg17[%swap3A_216, %swap3A_217], %mul3A_215 {strides = array<i32>} : memref<64x128xf32, #tpu.memory_space<vmem>>, vector<16xf32>,
          %get3A_219 = arith.index_cast %scan3A_148 : i32 to index
          %get3A_220 = arith.constant 112 : index
          %get3A_221 = tpu.vector_load %arg17[%get3A_219, %get3A_220] {strides = array<i32>} : memref<64x128xf32, #tpu.memory_space<vmem>>, vector<16xf32>,
          %slice3A_222 = vector.extract_strided_slice %get3A_151 {offsets = [7], sizes = [1], strides = [1]} : vector<16xf32> to vector<1xf32>
          %squeeze3A_223 = vector.extract %slice3A_222[0] : f32 from vector<1xf32>
          %mul3A_224 = vector.broadcast %squeeze3A_223 : f32 to vector<16xf32>
          %mul3A_225 = arith.mulf %get3A_221, %mul3A_224 : vector<16xf32>
          %swap3A_226 = arith.index_cast %scan3A_148 : i32 to index
          %swap3A_227 = arith.constant 112 : index
          %swap3A_228 = tpu.vector_load %arg17[%swap3A_226, %swap3A_227] {strides = array<i32>} : memref<64x128xf32, #tpu.memory_space<vmem>>, vector<16xf32>,
          tpu.vector_store %arg17[%swap3A_226, %swap3A_227], %mul3A_225 {strides = array<i32>} : memref<64x128xf32, #tpu.memory_space<vmem>>, vector<16xf32>,
          %scan3A_229 = arith.constant 0 : i32
          scf.yield %scan3A_229 : i32
        }
        %scan3A_140 = arith.constant 64 : i32
        %dma_start3A_141 = arith.constant 1 : i32
        %dma_start3A_142 = arith.constant 0 : i32
        %dma_start3A_143 = tpu.memref_slice %arg13[%dma_start3A_141, %dma_start3A_142] : memref<3x64xi32, #tpu.memory_space<vmem>> -> memref<1x64xi32, #tpu.memory_space<vmem>>
        %dma_start3A_144 = tpu.memref_squeeze %dma_start3A_143 : memref<1x64xi32, #tpu.memory_space<vmem>> -> memref<64xi32, #tpu.memory_space<vmem>>
        %dma_start3A_145 = arith.constant 0 : i32
        %dma_start3A_146 = arith.constant 0 : i32
        %dma_start3A_147 = tpu.memref_slice %arg20[%dma_start3A_145, %dma_start3A_146] : memref<10008x128xf32, #tpu.memory_space<vmem_shared>> -> memref<10008x128xf32, #tpu.memory_space<vmem_shared>>
        tpu.enqueue_indirect_dma source(%arg17 : memref<64x128xf32, #tpu.memory_space<vmem>>) target(%dma_start3A_147 : memref<10008x128xf32, #tpu.memory_space<vmem_shared>>) offsets(%dma_start3A_144 : memref<64xi32, #tpu.memory_space<vmem>>) semaphore(%arg31 : memref<!tpu.dma_semaphore, #tpu.memory_space<semaphore_mem>>) {add = true}
      } else {
      }
      %add3A_88 = arith.constant 3 : i32
      %add3A_89 = arith.addi %mul3A_60, %add3A_88 : i32
      %ge3A_90 = arith.constant 0 : i32
      %ge3A_91 = arith.cmpi sge, %add3A_89, %ge3A_90 : i32
      %add3A_92 = arith.constant 3 : i32
      %add3A_93 = arith.addi %mul3A_60, %add3A_92 : i32
      %lt3A_94 = arith.constant 159 : i32
      %lt3A_95 = arith.cmpi slt, %add3A_93, %lt3A_94 : i32
      %and3A_96 = arith.andi %ge3A_91, %lt3A_95 : i1
      %convert_element_type3A_97 = arith.extui %and3A_96 : i1 to i32
      %cond3A_98 = arith.constant 0 : i32
      %cond3A_99 = arith.cmpi ne, %convert_element_type3A_97, %cond3A_98 : i32
      scf.if %cond3A_99 {
        %add3A_101 = arith.constant 3 : i32
        %add3A_102 = arith.addi %mul3A_60, %add3A_101 : i32
        %ge3A_103 = arith.constant 2 : i32
        %ge3A_104 = arith.cmpi sge, %add3A_102, %ge3A_103 : i32
        %convert_element_type3A_105 = arith.extui %ge3A_104 : i1 to i32
        %cond3A_106 = arith.constant 0 : i32
        %cond3A_107 = arith.cmpi ne, %convert_element_type3A_105, %cond3A_106 : i32
        scf.if %cond3A_107 {
          %dma_wait3A = arith.constant 1 : i32
          %dma_wait3A_113 = arith.constant 0 : i32
          %dma_wait3A_114 = tpu.memref_slice %arg13[%dma_wait3A, %dma_wait3A_113] : memref<3x64xi32, #tpu.memory_space<vmem>> -> memref<1x64xi32, #tpu.memory_space<vmem>>
          %dma_wait3A_115 = tpu.memref_squeeze %dma_wait3A_114 : memref<1x64xi32, #tpu.memory_space<vmem>> -> memref<64xi32, #tpu.memory_space<vmem>>
          %dma_wait3A_116 = arith.constant 0 : i32
          %dma_wait3A_117 = arith.constant 0 : i32
          %dma_wait3A_118 = tpu.memref_slice %arg21[%dma_wait3A_116, %dma_wait3A_117] : memref<10008x16xf32, #tpu.memory_space<vmem_shared>> -> memref<10008x16xf32, #tpu.memory_space<vmem_shared>>
          tpu.wait_indirect_dma semaphore(%arg30 : memref<!tpu.dma_semaphore, #tpu.memory_space<semaphore_mem>>) src(%arg16 : memref<64x16xf32, #tpu.memory_space<vmem>>) dst(%dma_wait3A_118 : memref<10008x16xf32, #tpu.memory_space<vmem_shared>>)
          %dma_wait3A_119 = arith.constant 1 : i32
          %dma_wait3A_120 = arith.constant 0 : i32
          %dma_wait3A_121 = tpu.memref_slice %arg13[%dma_wait3A_119, %dma_wait3A_120] : memref<3x64xi32, #tpu.memory_space<vmem>> -> memref<1x64xi32, #tpu.memory_space<vmem>>
          %dma_wait3A_122 = tpu.memref_squeeze %dma_wait3A_121 : memref<1x64xi32, #tpu.memory_space<vmem>> -> memref<64xi32, #tpu.memory_space<vmem>>
          %dma_wait3A_123 = arith.constant 0 : i32
          %dma_wait3A_124 = arith.constant 0 : i32
          %dma_wait3A_125 = tpu.memref_slice %arg20[%dma_wait3A_123, %dma_wait3A_124] : memref<10008x128xf32, #tpu.memory_space<vmem_shared>> -> memref<10008x128xf32, #tpu.memory_space<vmem_shared>>
          tpu.wait_indirect_dma semaphore(%arg31 : memref<!tpu.dma_semaphore, #tpu.memory_space<semaphore_mem>>) src(%arg17 : memref<64x128xf32, #tpu.memory_space<vmem>>) dst(%dma_wait3A_125 : memref<10008x128xf32, #tpu.memory_space<vmem_shared>>)
        } else {
        }
        %lt3A_108 = arith.constant 157 : i32
        %lt3A_109 = arith.cmpi slt, %add3A_102, %lt3A_108 : i32
        %convert_element_type3A_110 = arith.extui %lt3A_109 : i1 to i32
        %cond3A_111 = arith.constant 0 : i32
        %cond3A_112 = arith.cmpi ne, %convert_element_type3A_110, %cond3A_111 : i32
        scf.if %cond3A_112 {
          "tpu.region"() ({
            %run_scoped3A = tpu.sem_alloc : memref<!tpu.dma_semaphore, #tpu.memory_space<semaphore_mem>>
            %dma_start3A_133 = arith.constant 0 : i32
            %dma_start3A_134 = arith.constant 0 : i32
            %dma_start3A_135 = tpu.memref_slice %arg2[%arg0, %arg1, %add3A_102, %dma_start3A_133, %dma_start3A_134] : memref<2x16x157x3x64xi32, #tpu.memory_space<hbm>> -> memref<1x1x1x3x64xi32, #tpu.memory_space<hbm>>
            %dma_start3A_136 = tpu.memref_squeeze %dma_start3A_135 : memref<1x1x1x3x64xi32, #tpu.memory_space<hbm>> -> memref<3x64xi32, #tpu.memory_space<hbm>>
            %dma_start3A_137 = arith.constant 0 : i32
            %dma_start3A_138 = arith.constant 0 : i32
            %dma_start3A_139 = tpu.memref_slice %arg2[%arg0, %arg1, %add3A_102, %dma_start3A_137, %dma_start3A_138] : memref<2x16x157x3x64xi32, #tpu.memory_space<hbm>> -> memref<1x1x1x3x64xi32, #tpu.memory_space<hbm>>
            %dma_start3A_140 = tpu.memref_squeeze %dma_start3A_139 : memref<1x1x1x3x64xi32, #tpu.memory_space<hbm>> -> memref<3x64xi32, #tpu.memory_space<hbm>>
            tpu.enqueue_dma source(%dma_start3A_140 : memref<3x64xi32, #tpu.memory_space<hbm>>) target(%arg13 : memref<3x64xi32, #tpu.memory_space<vmem>>) target_semaphore(%run_scoped3A : memref<!tpu.dma_semaphore, #tpu.memory_space<semaphore_mem>>)
            %dma_wait3A = arith.constant 0 : i32
            %dma_wait3A_141 = arith.constant 0 : i32
            %dma_wait3A_142 = tpu.memref_slice %arg2[%arg0, %arg1, %add3A_102, %dma_wait3A, %dma_wait3A_141] : memref<2x16x157x3x64xi32, #tpu.memory_space<hbm>> -> memref<1x1x1x3x64xi32, #tpu.memory_space<hbm>>
            %dma_wait3A_143 = tpu.memref_squeeze %dma_wait3A_142 : memref<1x1x1x3x64xi32, #tpu.memory_space<hbm>> -> memref<3x64xi32, #tpu.memory_space<hbm>>
            %dma_wait3A_144 = arith.constant 0 : i32
            %dma_wait3A_145 = arith.constant 0 : i32
            %dma_wait3A_146 = tpu.memref_slice %arg2[%arg0, %arg1, %add3A_102, %dma_wait3A_144, %dma_wait3A_145] : memref<2x16x157x3x64xi32, #tpu.memory_space<hbm>> -> memref<1x1x1x3x64xi32, #tpu.memory_space<hbm>>
            %dma_wait3A_147 = tpu.memref_squeeze %dma_wait3A_146 : memref<1x1x1x3x64xi32, #tpu.memory_space<hbm>> -> memref<3x64xi32, #tpu.memory_space<hbm>>
            tpu.wait_dma2 semaphore(%run_scoped3A : memref<!tpu.dma_semaphore, #tpu.memory_space<semaphore_mem>>) src(%dma_wait3A_147 : memref<3x64xi32, #tpu.memory_space<hbm>>) dst(%arg13 : memref<3x64xi32, #tpu.memory_space<vmem>>)
            tpu.yield
          }) : () -> ()
          %dma_start3A = arith.constant 0 : i32
          %dma_start3A_113 = arith.constant 0 : i32
          %dma_start3A_114 = tpu.memref_slice %arg13[%dma_start3A, %dma_start3A_113] : memref<3x64xi32, #tpu.memory_space<vmem>> -> memref<1x64xi32, #tpu.memory_space<vmem>>
          %dma_start3A_115 = tpu.memref_squeeze %dma_start3A_114 : memref<1x64xi32, #tpu.memory_space<vmem>> -> memref<64xi32, #tpu.memory_space<vmem>>
          %dma_start3A_116 = arith.constant 0 : i32
          %dma_start3A_117 = arith.constant 0 : i32
          %dma_start3A_118 = tpu.memref_slice %arg3[%dma_start3A_116, %dma_start3A_117] : memref<10008x16xf32, #tpu.memory_space<hbm>> -> memref<10008x16xf32, #tpu.memory_space<hbm>>
          tpu.enqueue_indirect_dma source(%dma_start3A_118 : memref<10008x16xf32, #tpu.memory_space<hbm>>) target(%arg14 : memref<64x16xf32, #tpu.memory_space<vmem>>) offsets(%dma_start3A_115 : memref<64xi32, #tpu.memory_space<vmem>>) semaphore(%arg27 : memref<!tpu.dma_semaphore, #tpu.memory_space<semaphore_mem>>)
          %dma_start3A_119 = arith.constant 1 : i32
          %dma_start3A_120 = arith.constant 0 : i32
          %dma_start3A_121 = tpu.memref_slice %arg13[%dma_start3A_119, %dma_start3A_120] : memref<3x64xi32, #tpu.memory_space<vmem>> -> memref<1x64xi32, #tpu.memory_space<vmem>>
          %dma_start3A_122 = tpu.memref_squeeze %dma_start3A_121 : memref<1x64xi32, #tpu.memory_space<vmem>> -> memref<64xi32, #tpu.memory_space<vmem>>
          %dma_start3A_123 = arith.constant 0 : i32
          %dma_start3A_124 = arith.constant 0 : i32
          %dma_start3A_125 = tpu.memref_slice %arg4[%dma_start3A_123, %dma_start3A_124] : memref<10008x16xf32, #tpu.memory_space<hbm>> -> memref<10008x16xf32, #tpu.memory_space<hbm>>
          tpu.enqueue_indirect_dma source(%dma_start3A_125 : memref<10008x16xf32, #tpu.memory_space<hbm>>) target(%arg15 : memref<64x16xf32, #tpu.memory_space<vmem>>) offsets(%dma_start3A_122 : memref<64xi32, #tpu.memory_space<vmem>>) semaphore(%arg28 : memref<!tpu.dma_semaphore, #tpu.memory_space<semaphore_mem>>)
          %dma_start3A_126 = arith.constant 0 : i32
          %dma_start3A_127 = arith.constant 0 : i32
          %dma_start3A_128 = tpu.memref_slice %arg13[%dma_start3A_126, %dma_start3A_127] : memref<3x64xi32, #tpu.memory_space<vmem>> -> memref<1x64xi32, #tpu.memory_space<vmem>>
          %dma_start3A_129 = tpu.memref_squeeze %dma_start3A_128 : memref<1x64xi32, #tpu.memory_space<vmem>> -> memref<64xi32, #tpu.memory_space<vmem>>
          %dma_start3A_130 = arith.constant 0 : i32
          %dma_start3A_131 = arith.constant 0 : i32
          %dma_start3A_132 = tpu.memref_slice %arg5[%dma_start3A_130, %dma_start3A_131] : memref<10008x128xf32, #tpu.memory_space<hbm>> -> memref<10008x128xf32, #tpu.memory_space<hbm>>
          tpu.enqueue_indirect_dma source(%dma_start3A_132 : memref<10008x128xf32, #tpu.memory_space<hbm>>) target(%arg17 : memref<64x128xf32, #tpu.memory_space<vmem>>) offsets(%dma_start3A_129 : memref<64xi32, #tpu.memory_space<vmem>>) semaphore(%arg29 : memref<!tpu.dma_semaphore, #tpu.memory_space<semaphore_mem>>)
        } else {
        }
      } else {
      }
      %scan3A_100 = arith.constant 0 : i32
      scf.yield %scan3A_100 : i32
    }
    %scan3A_38 = arith.constant 81 : i32
    %barrier3A_39 = arith.constant 0 : index
    tpu.barrier barrier_id(%barrier3A_39)
    %add3A_40 = arith.constant 0 : i32
    %add3A_41 = arith.addi %mul3A_0, %add3A_40 : i32
    "tpu.region"() ({
      %run_scoped3A = tpu.sem_alloc : memref<!tpu.dma_semaphore, #tpu.memory_space<semaphore_mem>>
      %dma_start3A = arith.constant 0 : i32
      %dma_start3A_57 = tpu.memref_slice %arg6[%arg0, %add3A_41, %dma_start3A] : memref<2x10008x128xf32, #tpu.memory_space<hbm>> -> memref<1x104x128xf32, #tpu.memory_space<hbm>>
      %dma_start3A_58 = tpu.memref_squeeze %dma_start3A_57 : memref<1x104x128xf32, #tpu.memory_space<hbm>> -> memref<104x128xf32, #tpu.memory_space<hbm>>
      %dma_start3A_59 = arith.constant 0 : i32
      %dma_start3A_60 = tpu.memref_slice %arg20[%add3A_41, %dma_start3A_59] : memref<10008x128xf32, #tpu.memory_space<vmem_shared>> -> memref<104x128xf32, #tpu.memory_space<vmem_shared>>
      tpu.enqueue_dma source(%dma_start3A_60 : memref<104x128xf32, #tpu.memory_space<vmem_shared>>) target(%dma_start3A_58 : memref<104x128xf32, #tpu.memory_space<hbm>>) target_semaphore(%run_scoped3A : memref<!tpu.dma_semaphore, #tpu.memory_space<semaphore_mem>>)
      %dma_wait3A = arith.constant 0 : i32
      %dma_wait3A_61 = tpu.memref_slice %arg6[%arg0, %add3A_41, %dma_wait3A] : memref<2x10008x128xf32, #tpu.memory_space<hbm>> -> memref<1x104x128xf32, #tpu.memory_space<hbm>>
      %dma_wait3A_62 = tpu.memref_squeeze %dma_wait3A_61 : memref<1x104x128xf32, #tpu.memory_space<hbm>> -> memref<104x128xf32, #tpu.memory_space<hbm>>
      %dma_wait3A_63 = arith.constant 0 : i32
      %dma_wait3A_64 = tpu.memref_slice %arg20[%add3A_41, %dma_wait3A_63] : memref<10008x128xf32, #tpu.memory_space<vmem_shared>> -> memref<104x128xf32, #tpu.memory_space<vmem_shared>>
      tpu.wait_dma2 semaphore(%run_scoped3A : memref<!tpu.dma_semaphore, #tpu.memory_space<semaphore_mem>>) src(%dma_wait3A_64 : memref<104x128xf32, #tpu.memory_space<vmem_shared>>) dst(%dma_wait3A_62 : memref<104x128xf32, #tpu.memory_space<hbm>>)
      tpu.yield
    }) : () -> ()
    "tpu.region"() ({
      %run_scoped3A = tpu.sem_alloc : memref<!tpu.dma_semaphore, #tpu.memory_space<semaphore_mem>>
      %dma_start3A = arith.constant 0 : i32
      %dma_start3A_57 = tpu.memref_slice %arg7[%arg0, %add3A_41, %dma_start3A] : memref<2x10008x16xf32, #tpu.memory_space<hbm>> -> memref<1x104x16xf32, #tpu.memory_space<hbm>>
      %dma_start3A_58 = tpu.memref_squeeze %dma_start3A_57 : memref<1x104x16xf32, #tpu.memory_space<hbm>> -> memref<104x16xf32, #tpu.memory_space<hbm>>
      %dma_start3A_59 = arith.constant 0 : i32
      %dma_start3A_60 = tpu.memref_slice %arg21[%add3A_41, %dma_start3A_59] : memref<10008x16xf32, #tpu.memory_space<vmem_shared>> -> memref<104x16xf32, #tpu.memory_space<vmem_shared>>
      tpu.enqueue_dma source(%dma_start3A_60 : memref<104x16xf32, #tpu.memory_space<vmem_shared>>) target(%dma_start3A_58 : memref<104x16xf32, #tpu.memory_space<hbm>>) target_semaphore(%run_scoped3A : memref<!tpu.dma_semaphore, #tpu.memory_space<semaphore_mem>>)
      %dma_wait3A = arith.constant 0 : i32
      %dma_wait3A_61 = tpu.memref_slice %arg7[%arg0, %add3A_41, %dma_wait3A] : memref<2x10008x16xf32, #tpu.memory_space<hbm>> -> memref<1x104x16xf32, #tpu.memory_space<hbm>>
      %dma_wait3A_62 = tpu.memref_squeeze %dma_wait3A_61 : memref<1x104x16xf32, #tpu.memory_space<hbm>> -> memref<104x16xf32, #tpu.memory_space<hbm>>
      %dma_wait3A_63 = arith.constant 0 : i32
      %dma_wait3A_64 = tpu.memref_slice %arg21[%add3A_41, %dma_wait3A_63] : memref<10008x16xf32, #tpu.memory_space<vmem_shared>> -> memref<104x16xf32, #tpu.memory_space<vmem_shared>>
      tpu.wait_dma2 semaphore(%run_scoped3A : memref<!tpu.dma_semaphore, #tpu.memory_space<semaphore_mem>>) src(%dma_wait3A_64 : memref<104x16xf32, #tpu.memory_space<vmem_shared>>) dst(%dma_wait3A_62 : memref<104x16xf32, #tpu.memory_space<hbm>>)
      tpu.yield
    }) : () -> ()
    %add3A_42 = arith.constant 104 : i32
    %add3A_43 = arith.addi %mul3A_0, %add3A_42 : i32
    "tpu.region"() ({
      %run_scoped3A = tpu.sem_alloc : memref<!tpu.dma_semaphore, #tpu.memory_space<semaphore_mem>>
      %dma_start3A = arith.constant 0 : i32
      %dma_start3A_57 = tpu.memref_slice %arg6[%arg0, %add3A_43, %dma_start3A] : memref<2x10008x128xf32, #tpu.memory_space<hbm>> -> memref<1x104x128xf32, #tpu.memory_space<hbm>>
      %dma_start3A_58 = tpu.memref_squeeze %dma_start3A_57 : memref<1x104x128xf32, #tpu.memory_space<hbm>> -> memref<104x128xf32, #tpu.memory_space<hbm>>
      %dma_start3A_59 = arith.constant 0 : i32
      %dma_start3A_60 = tpu.memref_slice %arg20[%add3A_43, %dma_start3A_59] : memref<10008x128xf32, #tpu.memory_space<vmem_shared>> -> memref<104x128xf32, #tpu.memory_space<vmem_shared>>
      tpu.enqueue_dma source(%dma_start3A_60 : memref<104x128xf32, #tpu.memory_space<vmem_shared>>) target(%dma_start3A_58 : memref<104x128xf32, #tpu.memory_space<hbm>>) target_semaphore(%run_scoped3A : memref<!tpu.dma_semaphore, #tpu.memory_space<semaphore_mem>>)
      %dma_wait3A = arith.constant 0 : i32
      %dma_wait3A_61 = tpu.memref_slice %arg6[%arg0, %add3A_43, %dma_wait3A] : memref<2x10008x128xf32, #tpu.memory_space<hbm>> -> memref<1x104x128xf32, #tpu.memory_space<hbm>>
      %dma_wait3A_62 = tpu.memref_squeeze %dma_wait3A_61 : memref<1x104x128xf32, #tpu.memory_space<hbm>> -> memref<104x128xf32, #tpu.memory_space<hbm>>
      %dma_wait3A_63 = arith.constant 0 : i32
      %dma_wait3A_64 = tpu.memref_slice %arg20[%add3A_43, %dma_wait3A_63] : memref<10008x128xf32, #tpu.memory_space<vmem_shared>> -> memref<104x128xf32, #tpu.memory_space<vmem_shared>>
      tpu.wait_dma2 semaphore(%run_scoped3A : memref<!tpu.dma_semaphore, #tpu.memory_space<semaphore_mem>>) src(%dma_wait3A_64 : memref<104x128xf32, #tpu.memory_space<vmem_shared>>) dst(%dma_wait3A_62 : memref<104x128xf32, #tpu.memory_space<hbm>>)
      tpu.yield
    }) : () -> ()
    "tpu.region"() ({
      %run_scoped3A = tpu.sem_alloc : memref<!tpu.dma_semaphore, #tpu.memory_space<semaphore_mem>>
      %dma_start3A = arith.constant 0 : i32
      %dma_start3A_57 = tpu.memref_slice %arg7[%arg0, %add3A_43, %dma_start3A] : memref<2x10008x16xf32, #tpu.memory_space<hbm>> -> memref<1x104x16xf32, #tpu.memory_space<hbm>>
      %dma_start3A_58 = tpu.memref_squeeze %dma_start3A_57 : memref<1x104x16xf32, #tpu.memory_space<hbm>> -> memref<104x16xf32, #tpu.memory_space<hbm>>
      %dma_start3A_59 = arith.constant 0 : i32
      %dma_start3A_60 = tpu.memref_slice %arg21[%add3A_43, %dma_start3A_59] : memref<10008x16xf32, #tpu.memory_space<vmem_shared>> -> memref<104x16xf32, #tpu.memory_space<vmem_shared>>
      tpu.enqueue_dma source(%dma_start3A_60 : memref<104x16xf32, #tpu.memory_space<vmem_shared>>) target(%dma_start3A_58 : memref<104x16xf32, #tpu.memory_space<hbm>>) target_semaphore(%run_scoped3A : memref<!tpu.dma_semaphore, #tpu.memory_space<semaphore_mem>>)
      %dma_wait3A = arith.constant 0 : i32
      %dma_wait3A_61 = tpu.memref_slice %arg7[%arg0, %add3A_43, %dma_wait3A] : memref<2x10008x16xf32, #tpu.memory_space<hbm>> -> memref<1x104x16xf32, #tpu.memory_space<hbm>>
      %dma_wait3A_62 = tpu.memref_squeeze %dma_wait3A_61 : memref<1x104x16xf32, #tpu.memory_space<hbm>> -> memref<104x16xf32, #tpu.memory_space<hbm>>
      %dma_wait3A_63 = arith.constant 0 : i32
      %dma_wait3A_64 = tpu.memref_slice %arg21[%add3A_43, %dma_wait3A_63] : memref<10008x16xf32, #tpu.memory_space<vmem_shared>> -> memref<104x16xf32, #tpu.memory_space<vmem_shared>>
      tpu.wait_dma2 semaphore(%run_scoped3A : memref<!tpu.dma_semaphore, #tpu.memory_space<semaphore_mem>>) src(%dma_wait3A_64 : memref<104x16xf32, #tpu.memory_space<vmem_shared>>) dst(%dma_wait3A_62 : memref<104x16xf32, #tpu.memory_space<hbm>>)
      tpu.yield
    }) : () -> ()
    %add3A_44 = arith.constant 208 : i32
    %add3A_45 = arith.addi %mul3A_0, %add3A_44 : i32
    "tpu.region"() ({
      %run_scoped3A = tpu.sem_alloc : memref<!tpu.dma_semaphore, #tpu.memory_space<semaphore_mem>>
      %dma_start3A = arith.constant 0 : i32
      %dma_start3A_57 = tpu.memref_slice %arg6[%arg0, %add3A_45, %dma_start3A] : memref<2x10008x128xf32, #tpu.memory_space<hbm>> -> memref<1x104x128xf32, #tpu.memory_space<hbm>>
      %dma_start3A_58 = tpu.memref_squeeze %dma_start3A_57 : memref<1x104x128xf32, #tpu.memory_space<hbm>> -> memref<104x128xf32, #tpu.memory_space<hbm>>
      %dma_start3A_59 = arith.constant 0 : i32
      %dma_start3A_60 = tpu.memref_slice %arg20[%add3A_45, %dma_start3A_59] : memref<10008x128xf32, #tpu.memory_space<vmem_shared>> -> memref<104x128xf32, #tpu.memory_space<vmem_shared>>
      tpu.enqueue_dma source(%dma_start3A_60 : memref<104x128xf32, #tpu.memory_space<vmem_shared>>) target(%dma_start3A_58 : memref<104x128xf32, #tpu.memory_space<hbm>>) target_semaphore(%run_scoped3A : memref<!tpu.dma_semaphore, #tpu.memory_space<semaphore_mem>>)
      %dma_wait3A = arith.constant 0 : i32
      %dma_wait3A_61 = tpu.memref_slice %arg6[%arg0, %add3A_45, %dma_wait3A] : memref<2x10008x128xf32, #tpu.memory_space<hbm>> -> memref<1x104x128xf32, #tpu.memory_space<hbm>>
      %dma_wait3A_62 = tpu.memref_squeeze %dma_wait3A_61 : memref<1x104x128xf32, #tpu.memory_space<hbm>> -> memref<104x128xf32, #tpu.memory_space<hbm>>
      %dma_wait3A_63 = arith.constant 0 : i32
      %dma_wait3A_64 = tpu.memref_slice %arg20[%add3A_45, %dma_wait3A_63] : memref<10008x128xf32, #tpu.memory_space<vmem_shared>> -> memref<104x128xf32, #tpu.memory_space<vmem_shared>>
      tpu.wait_dma2 semaphore(%run_scoped3A : memref<!tpu.dma_semaphore, #tpu.memory_space<semaphore_mem>>) src(%dma_wait3A_64 : memref<104x128xf32, #tpu.memory_space<vmem_shared>>) dst(%dma_wait3A_62 : memref<104x128xf32, #tpu.memory_space<hbm>>)
      tpu.yield
    }) : () -> ()
    "tpu.region"() ({
      %run_scoped3A = tpu.sem_alloc : memref<!tpu.dma_semaphore, #tpu.memory_space<semaphore_mem>>
      %dma_start3A = arith.constant 0 : i32
      %dma_start3A_57 = tpu.memref_slice %arg7[%arg0, %add3A_45, %dma_start3A] : memref<2x10008x16xf32, #tpu.memory_space<hbm>> -> memref<1x104x16xf32, #tpu.memory_space<hbm>>
      %dma_start3A_58 = tpu.memref_squeeze %dma_start3A_57 : memref<1x104x16xf32, #tpu.memory_space<hbm>> -> memref<104x16xf32, #tpu.memory_space<hbm>>
      %dma_start3A_59 = arith.constant 0 : i32
      %dma_start3A_60 = tpu.memref_slice %arg21[%add3A_45, %dma_start3A_59] : memref<10008x16xf32, #tpu.memory_space<vmem_shared>> -> memref<104x16xf32, #tpu.memory_space<vmem_shared>>
      tpu.enqueue_dma source(%dma_start3A_60 : memref<104x16xf32, #tpu.memory_space<vmem_shared>>) target(%dma_start3A_58 : memref<104x16xf32, #tpu.memory_space<hbm>>) target_semaphore(%run_scoped3A : memref<!tpu.dma_semaphore, #tpu.memory_space<semaphore_mem>>)
      %dma_wait3A = arith.constant 0 : i32
      %dma_wait3A_61 = tpu.memref_slice %arg7[%arg0, %add3A_45, %dma_wait3A] : memref<2x10008x16xf32, #tpu.memory_space<hbm>> -> memref<1x104x16xf32, #tpu.memory_space<hbm>>
      %dma_wait3A_62 = tpu.memref_squeeze %dma_wait3A_61 : memref<1x104x16xf32, #tpu.memory_space<hbm>> -> memref<104x16xf32, #tpu.memory_space<hbm>>
      %dma_wait3A_63 = arith.constant 0 : i32
      %dma_wait3A_64 = tpu.memref_slice %arg21[%add3A_45, %dma_wait3A_63] : memref<10008x16xf32, #tpu.memory_space<vmem_shared>> -> memref<104x16xf32, #tpu.memory_space<vmem_shared>>
      tpu.wait_dma2 semaphore(%run_scoped3A : memref<!tpu.dma_semaphore, #tpu.memory_space<semaphore_mem>>) src(%dma_wait3A_64 : memref<104x16xf32, #tpu.memory_space<vmem_shared>>) dst(%dma_wait3A_62 : memref<104x16xf32, #tpu.memory_space<hbm>>)
      tpu.yield
    }) : () -> ()
    %add3A_46 = arith.constant 312 : i32
    %add3A_47 = arith.addi %mul3A_0, %add3A_46 : i32
    "tpu.region"() ({
      %run_scoped3A = tpu.sem_alloc : memref<!tpu.dma_semaphore, #tpu.memory_space<semaphore_mem>>
      %dma_start3A = arith.constant 0 : i32
      %dma_start3A_57 = tpu.memref_slice %arg6[%arg0, %add3A_47, %dma_start3A] : memref<2x10008x128xf32, #tpu.memory_space<hbm>> -> memref<1x104x128xf32, #tpu.memory_space<hbm>>
      %dma_start3A_58 = tpu.memref_squeeze %dma_start3A_57 : memref<1x104x128xf32, #tpu.memory_space<hbm>> -> memref<104x128xf32, #tpu.memory_space<hbm>>
      %dma_start3A_59 = arith.constant 0 : i32
      %dma_start3A_60 = tpu.memref_slice %arg20[%add3A_47, %dma_start3A_59] : memref<10008x128xf32, #tpu.memory_space<vmem_shared>> -> memref<104x128xf32, #tpu.memory_space<vmem_shared>>
      tpu.enqueue_dma source(%dma_start3A_60 : memref<104x128xf32, #tpu.memory_space<vmem_shared>>) target(%dma_start3A_58 : memref<104x128xf32, #tpu.memory_space<hbm>>) target_semaphore(%run_scoped3A : memref<!tpu.dma_semaphore, #tpu.memory_space<semaphore_mem>>)
      %dma_wait3A = arith.constant 0 : i32
      %dma_wait3A_61 = tpu.memref_slice %arg6[%arg0, %add3A_47, %dma_wait3A] : memref<2x10008x128xf32, #tpu.memory_space<hbm>> -> memref<1x104x128xf32, #tpu.memory_space<hbm>>
      %dma_wait3A_62 = tpu.memref_squeeze %dma_wait3A_61 : memref<1x104x128xf32, #tpu.memory_space<hbm>> -> memref<104x128xf32, #tpu.memory_space<hbm>>
      %dma_wait3A_63 = arith.constant 0 : i32
      %dma_wait3A_64 = tpu.memref_slice %arg20[%add3A_47, %dma_wait3A_63] : memref<10008x128xf32, #tpu.memory_space<vmem_shared>> -> memref<104x128xf32, #tpu.memory_space<vmem_shared>>
      tpu.wait_dma2 semaphore(%run_scoped3A : memref<!tpu.dma_semaphore, #tpu.memory_space<semaphore_mem>>) src(%dma_wait3A_64 : memref<104x128xf32, #tpu.memory_space<vmem_shared>>) dst(%dma_wait3A_62 : memref<104x128xf32, #tpu.memory_space<hbm>>)
      tpu.yield
    }) : () -> ()
    "tpu.region"() ({
      %run_scoped3A = tpu.sem_alloc : memref<!tpu.dma_semaphore, #tpu.memory_space<semaphore_mem>>
      %dma_start3A = arith.constant 0 : i32
      %dma_start3A_57 = tpu.memref_slice %arg7[%arg0, %add3A_47, %dma_start3A] : memref<2x10008x16xf32, #tpu.memory_space<hbm>> -> memref<1x104x16xf32, #tpu.memory_space<hbm>>
      %dma_start3A_58 = tpu.memref_squeeze %dma_start3A_57 : memref<1x104x16xf32, #tpu.memory_space<hbm>> -> memref<104x16xf32, #tpu.memory_space<hbm>>
      %dma_start3A_59 = arith.constant 0 : i32
      %dma_start3A_60 = tpu.memref_slice %arg21[%add3A_47, %dma_start3A_59] : memref<10008x16xf32, #tpu.memory_space<vmem_shared>> -> memref<104x16xf32, #tpu.memory_space<vmem_shared>>
      tpu.enqueue_dma source(%dma_start3A_60 : memref<104x16xf32, #tpu.memory_space<vmem_shared>>) target(%dma_start3A_58 : memref<104x16xf32, #tpu.memory_space<hbm>>) target_semaphore(%run_scoped3A : memref<!tpu.dma_semaphore, #tpu.memory_space<semaphore_mem>>)
      %dma_wait3A = arith.constant 0 : i32
      %dma_wait3A_61 = tpu.memref_slice %arg7[%arg0, %add3A_47, %dma_wait3A] : memref<2x10008x16xf32, #tpu.memory_space<hbm>> -> memref<1x104x16xf32, #tpu.memory_space<hbm>>
      %dma_wait3A_62 = tpu.memref_squeeze %dma_wait3A_61 : memref<1x104x16xf32, #tpu.memory_space<hbm>> -> memref<104x16xf32, #tpu.memory_space<hbm>>
      %dma_wait3A_63 = arith.constant 0 : i32
      %dma_wait3A_64 = tpu.memref_slice %arg21[%add3A_47, %dma_wait3A_63] : memref<10008x16xf32, #tpu.memory_space<vmem_shared>> -> memref<104x16xf32, #tpu.memory_space<vmem_shared>>
      tpu.wait_dma2 semaphore(%run_scoped3A : memref<!tpu.dma_semaphore, #tpu.memory_space<semaphore_mem>>) src(%dma_wait3A_64 : memref<104x16xf32, #tpu.memory_space<vmem_shared>>) dst(%dma_wait3A_62 : memref<104x16xf32, #tpu.memory_space<hbm>>)
      tpu.yield
    }) : () -> ()
    %add3A_48 = arith.constant 416 : i32
    %add3A_49 = arith.addi %mul3A_0, %add3A_48 : i32
    "tpu.region"() ({
      %run_scoped3A = tpu.sem_alloc : memref<!tpu.dma_semaphore, #tpu.memory_space<semaphore_mem>>
      %dma_start3A = arith.constant 0 : i32
      %dma_start3A_57 = tpu.memref_slice %arg6[%arg0, %add3A_49, %dma_start3A] : memref<2x10008x128xf32, #tpu.memory_space<hbm>> -> memref<1x104x128xf32, #tpu.memory_space<hbm>>
      %dma_start3A_58 = tpu.memref_squeeze %dma_start3A_57 : memref<1x104x128xf32, #tpu.memory_space<hbm>> -> memref<104x128xf32, #tpu.memory_space<hbm>>
      %dma_start3A_59 = arith.constant 0 : i32
      %dma_start3A_60 = tpu.memref_slice %arg20[%add3A_49, %dma_start3A_59] : memref<10008x128xf32, #tpu.memory_space<vmem_shared>> -> memref<104x128xf32, #tpu.memory_space<vmem_shared>>
      tpu.enqueue_dma source(%dma_start3A_60 : memref<104x128xf32, #tpu.memory_space<vmem_shared>>) target(%dma_start3A_58 : memref<104x128xf32, #tpu.memory_space<hbm>>) target_semaphore(%run_scoped3A : memref<!tpu.dma_semaphore, #tpu.memory_space<semaphore_mem>>)
      %dma_wait3A = arith.constant 0 : i32
      %dma_wait3A_61 = tpu.memref_slice %arg6[%arg0, %add3A_49, %dma_wait3A] : memref<2x10008x128xf32, #tpu.memory_space<hbm>> -> memref<1x104x128xf32, #tpu.memory_space<hbm>>
      %dma_wait3A_62 = tpu.memref_squeeze %dma_wait3A_61 : memref<1x104x128xf32, #tpu.memory_space<hbm>> -> memref<104x128xf32, #tpu.memory_space<hbm>>
      %dma_wait3A_63 = arith.constant 0 : i32
      %dma_wait3A_64 = tpu.memref_slice %arg20[%add3A_49, %dma_wait3A_63] : memref<10008x128xf32, #tpu.memory_space<vmem_shared>> -> memref<104x128xf32, #tpu.memory_space<vmem_shared>>
      tpu.wait_dma2 semaphore(%run_scoped3A : memref<!tpu.dma_semaphore, #tpu.memory_space<semaphore_mem>>) src(%dma_wait3A_64 : memref<104x128xf32, #tpu.memory_space<vmem_shared>>) dst(%dma_wait3A_62 : memref<104x128xf32, #tpu.memory_space<hbm>>)
      tpu.yield
    }) : () -> ()
    "tpu.region"() ({
      %run_scoped3A = tpu.sem_alloc : memref<!tpu.dma_semaphore, #tpu.memory_space<semaphore_mem>>
      %dma_start3A = arith.constant 0 : i32
      %dma_start3A_57 = tpu.memref_slice %arg7[%arg0, %add3A_49, %dma_start3A] : memref<2x10008x16xf32, #tpu.memory_space<hbm>> -> memref<1x104x16xf32, #tpu.memory_space<hbm>>
      %dma_start3A_58 = tpu.memref_squeeze %dma_start3A_57 : memref<1x104x16xf32, #tpu.memory_space<hbm>> -> memref<104x16xf32, #tpu.memory_space<hbm>>
      %dma_start3A_59 = arith.constant 0 : i32
      %dma_start3A_60 = tpu.memref_slice %arg21[%add3A_49, %dma_start3A_59] : memref<10008x16xf32, #tpu.memory_space<vmem_shared>> -> memref<104x16xf32, #tpu.memory_space<vmem_shared>>
      tpu.enqueue_dma source(%dma_start3A_60 : memref<104x16xf32, #tpu.memory_space<vmem_shared>>) target(%dma_start3A_58 : memref<104x16xf32, #tpu.memory_space<hbm>>) target_semaphore(%run_scoped3A : memref<!tpu.dma_semaphore, #tpu.memory_space<semaphore_mem>>)
      %dma_wait3A = arith.constant 0 : i32
      %dma_wait3A_61 = tpu.memref_slice %arg7[%arg0, %add3A_49, %dma_wait3A] : memref<2x10008x16xf32, #tpu.memory_space<hbm>> -> memref<1x104x16xf32, #tpu.memory_space<hbm>>
      %dma_wait3A_62 = tpu.memref_squeeze %dma_wait3A_61 : memref<1x104x16xf32, #tpu.memory_space<hbm>> -> memref<104x16xf32, #tpu.memory_space<hbm>>
      %dma_wait3A_63 = arith.constant 0 : i32
      %dma_wait3A_64 = tpu.memref_slice %arg21[%add3A_49, %dma_wait3A_63] : memref<10008x16xf32, #tpu.memory_space<vmem_shared>> -> memref<104x16xf32, #tpu.memory_space<vmem_shared>>
      tpu.wait_dma2 semaphore(%run_scoped3A : memref<!tpu.dma_semaphore, #tpu.memory_space<semaphore_mem>>) src(%dma_wait3A_64 : memref<104x16xf32, #tpu.memory_space<vmem_shared>>) dst(%dma_wait3A_62 : memref<104x16xf32, #tpu.memory_space<hbm>>)
      tpu.yield
    }) : () -> ()
    %add3A_50 = arith.constant 520 : i32
    %add3A_51 = arith.addi %mul3A_0, %add3A_50 : i32
    "tpu.region"() ({
      %run_scoped3A = tpu.sem_alloc : memref<!tpu.dma_semaphore, #tpu.memory_space<semaphore_mem>>
      %dma_start3A = arith.constant 0 : i32
      %dma_start3A_57 = tpu.memref_slice %arg6[%arg0, %add3A_51, %dma_start3A] : memref<2x10008x128xf32, #tpu.memory_space<hbm>> -> memref<1x104x128xf32, #tpu.memory_space<hbm>>
      %dma_start3A_58 = tpu.memref_squeeze %dma_start3A_57 : memref<1x104x128xf32, #tpu.memory_space<hbm>> -> memref<104x128xf32, #tpu.memory_space<hbm>>
      %dma_start3A_59 = arith.constant 0 : i32
      %dma_start3A_60 = tpu.memref_slice %arg20[%add3A_51, %dma_start3A_59] : memref<10008x128xf32, #tpu.memory_space<vmem_shared>> -> memref<104x128xf32, #tpu.memory_space<vmem_shared>>
      tpu.enqueue_dma source(%dma_start3A_60 : memref<104x128xf32, #tpu.memory_space<vmem_shared>>) target(%dma_start3A_58 : memref<104x128xf32, #tpu.memory_space<hbm>>) target_semaphore(%run_scoped3A : memref<!tpu.dma_semaphore, #tpu.memory_space<semaphore_mem>>)
      %dma_wait3A = arith.constant 0 : i32
      %dma_wait3A_61 = tpu.memref_slice %arg6[%arg0, %add3A_51, %dma_wait3A] : memref<2x10008x128xf32, #tpu.memory_space<hbm>> -> memref<1x104x128xf32, #tpu.memory_space<hbm>>
      %dma_wait3A_62 = tpu.memref_squeeze %dma_wait3A_61 : memref<1x104x128xf32, #tpu.memory_space<hbm>> -> memref<104x128xf32, #tpu.memory_space<hbm>>
      %dma_wait3A_63 = arith.constant 0 : i32
      %dma_wait3A_64 = tpu.memref_slice %arg20[%add3A_51, %dma_wait3A_63] : memref<10008x128xf32, #tpu.memory_space<vmem_shared>> -> memref<104x128xf32, #tpu.memory_space<vmem_shared>>
      tpu.wait_dma2 semaphore(%run_scoped3A : memref<!tpu.dma_semaphore, #tpu.memory_space<semaphore_mem>>) src(%dma_wait3A_64 : memref<104x128xf32, #tpu.memory_space<vmem_shared>>) dst(%dma_wait3A_62 : memref<104x128xf32, #tpu.memory_space<hbm>>)
      tpu.yield
    }) : () -> ()
    "tpu.region"() ({
      %run_scoped3A = tpu.sem_alloc : memref<!tpu.dma_semaphore, #tpu.memory_space<semaphore_mem>>
      %dma_start3A = arith.constant 0 : i32
      %dma_start3A_57 = tpu.memref_slice %arg7[%arg0, %add3A_51, %dma_start3A] : memref<2x10008x16xf32, #tpu.memory_space<hbm>> -> memref<1x104x16xf32, #tpu.memory_space<hbm>>
      %dma_start3A_58 = tpu.memref_squeeze %dma_start3A_57 : memref<1x104x16xf32, #tpu.memory_space<hbm>> -> memref<104x16xf32, #tpu.memory_space<hbm>>
      %dma_start3A_59 = arith.constant 0 : i32
      %dma_start3A_60 = tpu.memref_slice %arg21[%add3A_51, %dma_start3A_59] : memref<10008x16xf32, #tpu.memory_space<vmem_shared>> -> memref<104x16xf32, #tpu.memory_space<vmem_shared>>
      tpu.enqueue_dma source(%dma_start3A_60 : memref<104x16xf32, #tpu.memory_space<vmem_shared>>) target(%dma_start3A_58 : memref<104x16xf32, #tpu.memory_space<hbm>>) target_semaphore(%run_scoped3A : memref<!tpu.dma_semaphore, #tpu.memory_space<semaphore_mem>>)
      %dma_wait3A = arith.constant 0 : i32
      %dma_wait3A_61 = tpu.memref_slice %arg7[%arg0, %add3A_51, %dma_wait3A] : memref<2x10008x16xf32, #tpu.memory_space<hbm>> -> memref<1x104x16xf32, #tpu.memory_space<hbm>>
      %dma_wait3A_62 = tpu.memref_squeeze %dma_wait3A_61 : memref<1x104x16xf32, #tpu.memory_space<hbm>> -> memref<104x16xf32, #tpu.memory_space<hbm>>
      %dma_wait3A_63 = arith.constant 0 : i32
      %dma_wait3A_64 = tpu.memref_slice %arg21[%add3A_51, %dma_wait3A_63] : memref<10008x16xf32, #tpu.memory_space<vmem_shared>> -> memref<104x16xf32, #tpu.memory_space<vmem_shared>>
      tpu.wait_dma2 semaphore(%run_scoped3A : memref<!tpu.dma_semaphore, #tpu.memory_space<semaphore_mem>>) src(%dma_wait3A_64 : memref<104x16xf32, #tpu.memory_space<vmem_shared>>) dst(%dma_wait3A_62 : memref<104x16xf32, #tpu.memory_space<hbm>>)
      tpu.yield
    }) : () -> ()
    %eq3A_52 = arith.constant 15 : i32
    %eq3A_53 = arith.cmpi eq, %arg1, %eq3A_52 : i32
    %convert_element_type3A_54 = arith.extui %eq3A_53 : i1 to i32
    %cond3A_55 = arith.constant 0 : i32
    %cond3A_56 = arith.cmpi ne, %convert_element_type3A_54, %cond3A_55 : i32
    scf.if %cond3A_56 {
      "tpu.region"() ({
        %run_scoped3A = tpu.sem_alloc : memref<!tpu.dma_semaphore, #tpu.memory_space<semaphore_mem>>
        %dma_start3A = arith.constant 9984 : i32
        %dma_start3A_57 = arith.constant 0 : i32
        %dma_start3A_58 = tpu.memref_slice %arg6[%arg0, %dma_start3A, %dma_start3A_57] : memref<2x10008x128xf32, #tpu.memory_space<hbm>> -> memref<1x24x128xf32, #tpu.memory_space<hbm>>
        %dma_start3A_59 = tpu.memref_squeeze %dma_start3A_58 : memref<1x24x128xf32, #tpu.memory_space<hbm>> -> memref<24x128xf32, #tpu.memory_space<hbm>>
        %dma_start3A_60 = arith.constant 9984 : i32
        %dma_start3A_61 = arith.constant 0 : i32
        %dma_start3A_62 = tpu.memref_slice %arg20[%dma_start3A_60, %dma_start3A_61] : memref<10008x128xf32, #tpu.memory_space<vmem_shared>> -> memref<24x128xf32, #tpu.memory_space<vmem_shared>>
        tpu.enqueue_dma source(%dma_start3A_62 : memref<24x128xf32, #tpu.memory_space<vmem_shared>>) target(%dma_start3A_59 : memref<24x128xf32, #tpu.memory_space<hbm>>) target_semaphore(%run_scoped3A : memref<!tpu.dma_semaphore, #tpu.memory_space<semaphore_mem>>)
        %dma_wait3A = arith.constant 9984 : i32
        %dma_wait3A_63 = arith.constant 0 : i32
        %dma_wait3A_64 = tpu.memref_slice %arg6[%arg0, %dma_wait3A, %dma_wait3A_63] : memref<2x10008x128xf32, #tpu.memory_space<hbm>> -> memref<1x24x128xf32, #tpu.memory_space<hbm>>
        %dma_wait3A_65 = tpu.memref_squeeze %dma_wait3A_64 : memref<1x24x128xf32, #tpu.memory_space<hbm>> -> memref<24x128xf32, #tpu.memory_space<hbm>>
        %dma_wait3A_66 = arith.constant 9984 : i32
        %dma_wait3A_67 = arith.constant 0 : i32
        %dma_wait3A_68 = tpu.memref_slice %arg20[%dma_wait3A_66, %dma_wait3A_67] : memref<10008x128xf32, #tpu.memory_space<vmem_shared>> -> memref<24x128xf32, #tpu.memory_space<vmem_shared>>
        tpu.wait_dma2 semaphore(%run_scoped3A : memref<!tpu.dma_semaphore, #tpu.memory_space<semaphore_mem>>) src(%dma_wait3A_68 : memref<24x128xf32, #tpu.memory_space<vmem_shared>>) dst(%dma_wait3A_65 : memref<24x128xf32, #tpu.memory_space<hbm>>)
        tpu.yield
      }) : () -> ()
      "tpu.region"() ({
        %run_scoped3A = tpu.sem_alloc : memref<!tpu.dma_semaphore, #tpu.memory_space<semaphore_mem>>
        %dma_start3A = arith.constant 9984 : i32
        %dma_start3A_57 = arith.constant 0 : i32
        %dma_start3A_58 = tpu.memref_slice %arg7[%arg0, %dma_start3A, %dma_start3A_57] : memref<2x10008x16xf32, #tpu.memory_space<hbm>> -> memref<1x24x16xf32, #tpu.memory_space<hbm>>
        %dma_start3A_59 = tpu.memref_squeeze %dma_start3A_58 : memref<1x24x16xf32, #tpu.memory_space<hbm>> -> memref<24x16xf32, #tpu.memory_space<hbm>>
        %dma_start3A_60 = arith.constant 9984 : i32
        %dma_start3A_61 = arith.constant 0 : i32
        %dma_start3A_62 = tpu.memref_slice %arg21[%dma_start3A_60, %dma_start3A_61] : memref<10008x16xf32, #tpu.memory_space<vmem_shared>> -> memref<24x16xf32, #tpu.memory_space<vmem_shared>>
        tpu.enqueue_dma source(%dma_start3A_62 : memref<24x16xf32, #tpu.memory_space<vmem_shared>>) target(%dma_start3A_59 : memref<24x16xf32, #tpu.memory_space<hbm>>) target_semaphore(%run_scoped3A : memref<!tpu.dma_semaphore, #tpu.memory_space<semaphore_mem>>)
        %dma_wait3A = arith.constant 9984 : i32
        %dma_wait3A_63 = arith.constant 0 : i32
        %dma_wait3A_64 = tpu.memref_slice %arg7[%arg0, %dma_wait3A, %dma_wait3A_63] : memref<2x10008x16xf32, #tpu.memory_space<hbm>> -> memref<1x24x16xf32, #tpu.memory_space<hbm>>
        %dma_wait3A_65 = tpu.memref_squeeze %dma_wait3A_64 : memref<1x24x16xf32, #tpu.memory_space<hbm>> -> memref<24x16xf32, #tpu.memory_space<hbm>>
        %dma_wait3A_66 = arith.constant 9984 : i32
        %dma_wait3A_67 = arith.constant 0 : i32
        %dma_wait3A_68 = tpu.memref_slice %arg21[%dma_wait3A_66, %dma_wait3A_67] : memref<10008x16xf32, #tpu.memory_space<vmem_shared>> -> memref<24x16xf32, #tpu.memory_space<vmem_shared>>
        tpu.wait_dma2 semaphore(%run_scoped3A : memref<!tpu.dma_semaphore, #tpu.memory_space<semaphore_mem>>) src(%dma_wait3A_68 : memref<24x16xf32, #tpu.memory_space<vmem_shared>>) dst(%dma_wait3A_65 : memref<24x16xf32, #tpu.memory_space<hbm>>)
        tpu.yield
      }) : () -> ()
    } else {
    }
    return
  }
}

module attributes {stable_mosaic.version = 14 : i64} {
  func.func @_t1_body(%arg0: i32, %arg1: memref<512x128xf32, #tpu.memory_space<vmem>>, %arg2: memref<128x128xf32, #tpu.memory_space<vmem>>, %arg3: memref<1x128xf32, #tpu.memory_space<vmem>>, %arg4: memref<128x16xf32, #tpu.memory_space<vmem>>, %arg5: memref<128x16xf32, #tpu.memory_space<vmem>>, %arg6: memref<512x128xf32, #tpu.memory_space<vmem>>, %arg7: memref<512x16xf32, #tpu.memory_space<vmem>>, %arg8: memref<512x16xf32, #tpu.memory_space<vmem>>) attributes {dimension_semantics = [#tpu.dimension_semantics<arbitrary>], iteration_bounds = array<i64: 20>, scalar_prefetch = 0 : i64, scratch_operands = 0 : i64, tpu.core_type = #tpu.core_type<tc>, window_params = [{transform_indices = @transform_0, window_bounds = array<i64: 512, 128>}, {pipeline_mode = #tpu.pipeline_mode<synchronous>, transform_indices = @transform_1, window_bounds = array<i64: 128, 128>}, {pipeline_mode = #tpu.pipeline_mode<synchronous>, transform_indices = @transform_2, window_bounds = array<i64: 1, 128>}, {pipeline_mode = #tpu.pipeline_mode<synchronous>, transform_indices = @transform_3, window_bounds = array<i64: 128, 16>}, {pipeline_mode = #tpu.pipeline_mode<synchronous>, transform_indices = @transform_4, window_bounds = array<i64: 128, 16>}, {transform_indices = @transform_5, window_bounds = array<i64: 512, 128>}, {transform_indices = @transform_6, window_bounds = array<i64: 512, 16>}, {transform_indices = @transform_7, window_bounds = array<i64: 512, 16>}]} {
    %get3A = arith.constant 0 : index
    %get3A_0 = arith.constant 0 : index
    %get3A_1 = vector.load %arg1[%get3A, %get3A_0] : memref<512x128xf32, #tpu.memory_space<vmem>>, vector<512x128xf32>
    %get3A_2 = arith.constant 0 : index
    %get3A_3 = arith.constant 0 : index
    %get3A_4 = vector.load %arg2[%get3A_2, %get3A_3] : memref<128x128xf32, #tpu.memory_space<vmem>>, vector<128x128xf32>
    %dot_general3A = arith.constant dense<0.000000e+00> : vector<512x128xf32>
    %dot_general3A_5 = tpu.matmul %get3A_1, %get3A_4, %dot_general3A {dimension_numbers = #tpu.dot_dimension_numbers<[1], [0], [0], [1], [0, 0, 1, 1], [], []>, transpose_lhs_hint = false} : vector<512x128xf32>, vector<128x128xf32>, vector<512x128xf32> -> vector<512x128xf32>
    %get3A_6 = arith.constant 0 : index
    %get3A_7 = arith.constant 0 : index
    %get3A_8 = vector.load %arg3[%get3A_6, %get3A_7] : memref<1x128xf32, #tpu.memory_space<vmem>>, vector<1x128xf32>
    %add3A = vector.broadcast %get3A_8 : vector<1x128xf32> to vector<512x128xf32>
    %add3A_9 = arith.addf %dot_general3A_5, %add3A : vector<512x128xf32>
    %swap3A = arith.constant 0 : index
    %swap3A_10 = arith.constant 0 : index
    %swap3A_11 = vector.load %arg6[%swap3A, %swap3A_10] : memref<512x128xf32, #tpu.memory_space<vmem>>, vector<512x128xf32>
    tpu.vector_store %arg6[%swap3A, %swap3A_10], %add3A_9 {strides = array<i32>} : memref<512x128xf32, #tpu.memory_space<vmem>>, vector<512x128xf32>,
    %get3A_12 = arith.constant 0 : index
    %get3A_13 = arith.constant 0 : index
    %get3A_14 = vector.load %arg4[%get3A_12, %get3A_13] : memref<128x16xf32, #tpu.memory_space<vmem>>, vector<128x16xf32>
    %dot_general3A_15 = arith.constant dense<0.000000e+00> : vector<512x16xf32>
    %dot_general3A_16 = tpu.matmul %add3A_9, %get3A_14, %dot_general3A_15 {dimension_numbers = #tpu.dot_dimension_numbers<[1], [0], [0], [1], [0, 0, 1, 1], [], []>, transpose_lhs_hint = false} : vector<512x128xf32>, vector<128x16xf32>, vector<512x16xf32> -> vector<512x16xf32>
    %swap3A_17 = arith.constant 0 : index
    %swap3A_18 = arith.constant 0 : index
    %swap3A_19 = vector.load %arg7[%swap3A_17, %swap3A_18] : memref<512x16xf32, #tpu.memory_space<vmem>>, vector<512x16xf32>
    tpu.vector_store %arg7[%swap3A_17, %swap3A_18], %dot_general3A_16 {strides = array<i32>} : memref<512x16xf32, #tpu.memory_space<vmem>>, vector<512x16xf32>,
    %get3A_20 = arith.constant 0 : index
    %get3A_21 = arith.constant 0 : index
    %get3A_22 = vector.load %arg5[%get3A_20, %get3A_21] : memref<128x16xf32, #tpu.memory_space<vmem>>, vector<128x16xf32>
    %dot_general3A_23 = arith.constant dense<0.000000e+00> : vector<512x16xf32>
    %dot_general3A_24 = tpu.matmul %add3A_9, %get3A_22, %dot_general3A_23 {dimension_numbers = #tpu.dot_dimension_numbers<[1], [0], [0], [1], [0, 0, 1, 1], [], []>, transpose_lhs_hint = false} : vector<512x128xf32>, vector<128x16xf32>, vector<512x16xf32> -> vector<512x16xf32>
    %swap3A_25 = arith.constant 0 : index
    %swap3A_26 = arith.constant 0 : index
    %swap3A_27 = vector.load %arg8[%swap3A_25, %swap3A_26] : memref<512x16xf32, #tpu.memory_space<vmem>>, vector<512x16xf32>
    tpu.vector_store %arg8[%swap3A_25, %swap3A_26], %dot_general3A_24 {strides = array<i32>} : memref<512x16xf32, #tpu.memory_space<vmem>>, vector<512x16xf32>,
    return
  }
  func.func @transform_0(%arg0: i32) -> (i32, i32) {
    %c0_i32 = arith.constant 0 : i32
    %c0_i32_0 = arith.constant 0 : i32
    return %arg0, %c0_i32 : i32, i32
  }
  func.func @transform_1(%arg0: i32) -> (i32, i32) {
    %c0_i32 = arith.constant 0 : i32
    %c0_i32_0 = arith.constant 0 : i32
    %c0_i32_1 = arith.constant 0 : i32
    return %c0_i32, %c0_i32_0 : i32, i32
  }
  func.func @transform_2(%arg0: i32) -> (i32, i32) {
    %c0_i32 = arith.constant 0 : i32
    %c0_i32_0 = arith.constant 0 : i32
    %c0_i32_1 = arith.constant 0 : i32
    return %c0_i32, %c0_i32_0 : i32, i32
  }
  func.func @transform_3(%arg0: i32) -> (i32, i32) {
    %c0_i32 = arith.constant 0 : i32
    %c0_i32_0 = arith.constant 0 : i32
    %c0_i32_1 = arith.constant 0 : i32
    return %c0_i32, %c0_i32_0 : i32, i32
  }
  func.func @transform_4(%arg0: i32) -> (i32, i32) {
    %c0_i32 = arith.constant 0 : i32
    %c0_i32_0 = arith.constant 0 : i32
    %c0_i32_1 = arith.constant 0 : i32
    return %c0_i32, %c0_i32_0 : i32, i32
  }
  func.func @transform_5(%arg0: i32) -> (i32, i32) {
    %c0_i32 = arith.constant 0 : i32
    %c0_i32_0 = arith.constant 0 : i32
    return %arg0, %c0_i32 : i32, i32
  }
  func.func @transform_6(%arg0: i32) -> (i32, i32) {
    %c0_i32 = arith.constant 0 : i32
    %c0_i32_0 = arith.constant 0 : i32
    return %arg0, %c0_i32 : i32, i32
  }
  func.func @transform_7(%arg0: i32) -> (i32, i32) {
    %c0_i32 = arith.constant 0 : i32
    %c0_i32_0 = arith.constant 0 : i32
    return %arg0, %c0_i32 : i32, i32
  }
}

module attributes {stable_mosaic.version = 14 : i64} {
  func.func @_t2_body(%arg0: i32, %arg1: memref<2x512x128xf32, #tpu.memory_space<vmem>>, %arg2: memref<2x512x16xf32, #tpu.memory_space<vmem>>, %arg3: memref<16x128xf32, #tpu.memory_space<vmem>>, %arg4: memref<128x1024xf32, #tpu.memory_space<vmem>>, %arg5: memref<1x1024xf32, #tpu.memory_space<vmem>>, %arg6: memref<512x1024xf32, #tpu.memory_space<vmem>>) attributes {dimension_semantics = [#tpu.dimension_semantics<arbitrary>], iteration_bounds = array<i64: 20>, scalar_prefetch = 0 : i64, scratch_operands = 0 : i64, tpu.core_type = #tpu.core_type<tc>, window_params = [{transform_indices = @transform_0, window_bounds = array<i64: 2, 512, 128>}, {transform_indices = @transform_1, window_bounds = array<i64: 2, 512, 16>}, {pipeline_mode = #tpu.pipeline_mode<synchronous>, transform_indices = @transform_2, window_bounds = array<i64: 16, 128>}, {pipeline_mode = #tpu.pipeline_mode<synchronous>, transform_indices = @transform_3, window_bounds = array<i64: 128, 1024>}, {pipeline_mode = #tpu.pipeline_mode<synchronous>, transform_indices = @transform_4, window_bounds = array<i64: 1, 1024>}, {transform_indices = @transform_5, window_bounds = array<i64: 512, 1024>}]} {
    %get3A = arith.constant 0 : index
    %get3A_0 = arith.constant 0 : index
    %get3A_1 = arith.constant 0 : index
    %get3A_2 = vector.load %arg1[%get3A, %get3A_0, %get3A_1] : memref<2x512x128xf32, #tpu.memory_space<vmem>>, vector<1x512x128xf32>
    %get3A_3 = vector.shape_cast %get3A_2 : vector<1x512x128xf32> to vector<512x128xf32>
    %get3A_4 = arith.constant 1 : index
    %get3A_5 = arith.constant 0 : index
    %get3A_6 = arith.constant 0 : index
    %get3A_7 = vector.load %arg1[%get3A_4, %get3A_5, %get3A_6] : memref<2x512x128xf32, #tpu.memory_space<vmem>>, vector<1x512x128xf32>
    %get3A_8 = vector.shape_cast %get3A_7 : vector<1x512x128xf32> to vector<512x128xf32>
    %add3A = arith.addf %get3A_3, %get3A_8 : vector<512x128xf32>
    %get3A_9 = arith.constant 0 : index
    %get3A_10 = arith.constant 0 : index
    %get3A_11 = arith.constant 0 : index
    %get3A_12 = vector.load %arg2[%get3A_9, %get3A_10, %get3A_11] : memref<2x512x16xf32, #tpu.memory_space<vmem>>, vector<1x512x16xf32>
    %get3A_13 = vector.shape_cast %get3A_12 : vector<1x512x16xf32> to vector<512x16xf32>
    %get3A_14 = arith.constant 1 : index
    %get3A_15 = arith.constant 0 : index
    %get3A_16 = arith.constant 0 : index
    %get3A_17 = vector.load %arg2[%get3A_14, %get3A_15, %get3A_16] : memref<2x512x16xf32, #tpu.memory_space<vmem>>, vector<1x512x16xf32>
    %get3A_18 = vector.shape_cast %get3A_17 : vector<1x512x16xf32> to vector<512x16xf32>
    %add3A_19 = arith.addf %get3A_13, %get3A_18 : vector<512x16xf32>
    %get3A_20 = arith.constant 0 : index
    %get3A_21 = arith.constant 0 : index
    %get3A_22 = vector.load %arg3[%get3A_20, %get3A_21] : memref<16x128xf32, #tpu.memory_space<vmem>>, vector<16x128xf32>
    %dot_general3A = arith.constant dense<0.000000e+00> : vector<512x128xf32>
    %dot_general3A_23 = tpu.matmul %add3A_19, %get3A_22, %dot_general3A {dimension_numbers = #tpu.dot_dimension_numbers<[1], [0], [0], [1], [0, 0, 1, 1], [], []>, transpose_lhs_hint = false} : vector<512x16xf32>, vector<16x128xf32>, vector<512x128xf32> -> vector<512x128xf32>
    %add3A_24 = arith.constant 9.99999971E-10 : f32
    %add3A_25 = vector.broadcast %add3A_24 : f32 to vector<512x128xf32>
    %add3A_26 = arith.addf %dot_general3A_23, %add3A_25 : vector<512x128xf32>
    %div3A = arith.divf %add3A, %add3A_26 : vector<512x128xf32>
    %get3A_27 = arith.constant 0 : index
    %get3A_28 = arith.constant 0 : index
    %get3A_29 = vector.load %arg4[%get3A_27, %get3A_28] : memref<128x1024xf32, #tpu.memory_space<vmem>>, vector<128x1024xf32>
    %dot_general3A_30 = arith.constant dense<0.000000e+00> : vector<512x1024xf32>
    %dot_general3A_31 = tpu.matmul %div3A, %get3A_29, %dot_general3A_30 {dimension_numbers = #tpu.dot_dimension_numbers<[1], [0], [0], [1], [0, 0, 1, 1], [], []>, transpose_lhs_hint = false} : vector<512x128xf32>, vector<128x1024xf32>, vector<512x1024xf32> -> vector<512x1024xf32>
    %get3A_32 = arith.constant 0 : index
    %get3A_33 = arith.constant 0 : index
    %get3A_34 = vector.load %arg5[%get3A_32, %get3A_33] : memref<1x1024xf32, #tpu.memory_space<vmem>>, vector<1x1024xf32>
    %add3A_35 = vector.broadcast %get3A_34 : vector<1x1024xf32> to vector<512x1024xf32>
    %add3A_36 = arith.addf %dot_general3A_31, %add3A_35 : vector<512x1024xf32>
    %swap3A = arith.constant 0 : index
    %swap3A_37 = arith.constant 0 : index
    %swap3A_38 = vector.load %arg6[%swap3A, %swap3A_37] : memref<512x1024xf32, #tpu.memory_space<vmem>>, vector<512x1024xf32>
    tpu.vector_store %arg6[%swap3A, %swap3A_37], %add3A_36 {strides = array<i32>} : memref<512x1024xf32, #tpu.memory_space<vmem>>, vector<512x1024xf32>,
    return
  }
  func.func @transform_0(%arg0: i32) -> (i32, i32, i32) {
    %c0_i32 = arith.constant 0 : i32
    %c0_i32_0 = arith.constant 0 : i32
    %c0_i32_1 = arith.constant 0 : i32
    return %c0_i32, %arg0, %c0_i32_0 : i32, i32, i32
  }
  func.func @transform_1(%arg0: i32) -> (i32, i32, i32) {
    %c0_i32 = arith.constant 0 : i32
    %c0_i32_0 = arith.constant 0 : i32
    %c0_i32_1 = arith.constant 0 : i32
    return %c0_i32, %arg0, %c0_i32_0 : i32, i32, i32
  }
  func.func @transform_2(%arg0: i32) -> (i32, i32) {
    %c0_i32 = arith.constant 0 : i32
    %c0_i32_0 = arith.constant 0 : i32
    %c0_i32_1 = arith.constant 0 : i32
    return %c0_i32, %c0_i32_0 : i32, i32
  }
  func.func @transform_3(%arg0: i32) -> (i32, i32) {
    %c0_i32 = arith.constant 0 : i32
    %c0_i32_0 = arith.constant 0 : i32
    %c0_i32_1 = arith.constant 0 : i32
    return %c0_i32, %c0_i32_0 : i32, i32
  }
  func.func @transform_4(%arg0: i32) -> (i32, i32) {
    %c0_i32 = arith.constant 0 : i32
    %c0_i32_0 = arith.constant 0 : i32
    %c0_i32_1 = arith.constant 0 : i32
    return %c0_i32, %c0_i32_0 : i32, i32
  }
  func.func @transform_5(%arg0: i32) -> (i32, i32) {
    %c0_i32 = arith.constant 0 : i32
    %c0_i32_0 = arith.constant 0 : i32
    return %arg0, %c0_i32 : i32, i32
  }
}

</mosaic_0001>

<sc_bundles>
// kernel: kernel.5.cloned.1.call-start
scs
__scs_entry_jumppad:
0x0: {  	(pc) =	sbr.rel $0x88, $3  }
0x1: {  	(tag) =	ssettag $0x0;
	lr =	simm.s32 $0x1  }
0x2: {  	[smem:$0x3F98] =	sst lr;
	_ =	strace $0xD0000000  }
0x3: {  	_ = 	snop  }
0x4: {  	_ = 	snop  }
0x5: {  	_ = 	snop  }
0x6: {  	_ = 	snop  }
0x7: {  	_ = 	snop  }
__scs_overlays_trampoline_lowered:
0x8: {  	[smem:$0x3FA7] =	sst s0  }
0x9: {  	[smem:$0x3FA8] =	sst s1  }
0xa: {  	[smem:$0x3FA9] =	sst s2  }
0xb: {  	[smem:$0x3FAA] =	sst s3  }
0xc: {  	[smem:$0x3FAB] =	sst s4  }
0xd: {  	[smem:$0x3FAC] =	sst s5  }
0xe: {  	[smem:$0x3FAD] =	sst s6  }
0xf: {  	[smem:$0x3FAE] =	sst s7  }
0x10: {  	[smem:$0x3FAF] =	sst s8  }
0x11: {  	[smem:$0x3FB0] =	sst s9;
	s0 =	simm.s32 @!p0 $0x0  }
0x12: {  	s1 =	sld [smem:$0x3F96];
	s0 =	simm.s32 @p0 $0x1  }
0x13: {  	[smem:$0x3FB1] =	sst s0;
	s0 =	simm.s32 @!p1 $0x0  }
0x14: {  	s2 =	sld [smem:$0x3F95];
	s0 =	simm.s32 @p1 $0x1  }
0x15: {  	[smem:$0x3FB2] =	sst s0;
	s0 =	simm.s32 @!p2 $0x0  }
0x16: {  	s3 =	sld [smem:$0x3FDB];
	s0 =	simm.s32 @p2 $0x1  }
0x17: {  	s4 =	simm.s32 $0x1BF5;
	[smem:$0x3FB4] =	sst s0  }
0x18: {  	s0 =	sld [smem:$0x3F97];
	_ =	swait.ge [sflag:s4], $0x0  }
0x19: {  	s7 =	sld [smem:$0x3F98]  }
0x1a: {  	s8 =	sadd.s32 $0xFFFFE003, lr  }
0x1b: {  	s9 =	sadd.s32 $0xFFFFFEF7, lr;
	s5 =	simm.s32 $0xFFFFFFFF;
	p2 =	slt.u32 s8, $0xFFFFF086  }
0x1c: {  	p1 =	slt.u32 s9, $0xF7A;
	s5 =	simm.s32 @!p2 $0x0  }
0x1d: {  	s5 =	simm.s32 @p1 $0x1;
	p0 =	seq.s32 s7, s2  }
0x1e: {  	s7 =	smul.u32 @!p0 $0xF7A, s2;
	p2 =	seq.s32 @!p0 s5, $0x0  }
0x1f: {  	s9 =	smul.u32 $0xF7A, s1;
	s8 =	simm.s32 @!p0 $0x1BF5;
	p2 =	por !p2, p0  }
0x20: {  	[sflag:s8] =	ssyncset.s32 @!p0 $0xFFFFF086;
	s6 =	sadd.s32 @!p0 s3, s7;
	s7 =	simm.s32 @!p0 $0x108  }
0x21: {  	s3 =	sadd.s32 s3, s9;
	s6 =	sadd.s32 @!p0 $0x88, s6;
	s7 =	simm.s32 @p2 $0x1082  }
0x22: {  	[simem:s7], [sflag:s8] =	dma.local @!p0 [hbm:s6], $0xF7A  }
0x23: {  	s9 =	sor.u32 $0xD0000000, s2;
	s6 =	simm.s32 $0x108;
	_ =	swait.ge @!p0 [sflag:s8], $0x0  }
0x24: {  	s3 =	sadd.s32 $0x88, s3;
	s6 =	simm.s32 @!p1 $0x1082;
	[sflag:s4] =	ssyncset.s32 $0xFFFFF086  }
0x25: {  	[simem:s6], [sflag:s4] =	dma.local [hbm:s3], $0xF7A  }
0x26: {  	[smem:$0x3F98] =	sst s1;
	(tag) =	ssettag s2;
	_ =	strace s9  }
0x27: {  	s1 =	sld [smem:$0x3FA8]  }
0x28: {  	s2 =	sld [smem:$0x3FA9]  }
0x29: {  	s4 =	sld [smem:$0x3FAB]  }
0x2a: {  	p0 =	seq.s32 s5, $0x0;
	s5 =	sld [smem:$0x3FAC]  }
0x2b: {  	s6 =	sld [smem:$0x3FAD]  }
0x2c: {  	s7 =	sld [smem:$0x3FAE]  }
0x2d: {  	s3 =	simm.s32 $0x108;
	s8 =	sld [smem:$0x3FAF]  }
0x2e: {  	s3 =	simm.s32 @!p0 $0x1082;
	s9 =	sld [smem:$0x3FB0]  }
0x2f: {  	lr =	sadd.s32 s0, s3;
	s0 =	sld [smem:$0x3FA7]  }
0x30: {  	s3 =	sld [smem:$0x3FAA]  }
0x31: {  	[smem:$0x3FB3] =	sst s10  }
0x32: {  	s10 =	sld [smem:$0x3FB1];
	_ =	sdelay $0x3  }
0x33: {  	p0 =	seq.s32 s10, $0x1;
	s10 =	sld [smem:$0x3FB3];
	_ =	sdelay $0x3  }
0x34: {  	[smem:$0x3FB3] =	sst s10  }
0x35: {  	s10 =	sld [smem:$0x3FB2];
	_ =	sdelay $0x3  }
0x36: {  	p1 =	seq.s32 s10, $0x1;
	s10 =	sld [smem:$0x3FB3];
	_ =	sdelay $0x3  }
0x37: {  	[smem:$0x3FB3] =	sst s10  }
0x38: {  	s10 =	sld [smem:$0x3FB4]  }
0x39: {  	_ = 	snop;
	(pc) =	sbr.ind lr, $3  }
0x3a: {  	_ = 	snop  }
0x3b: {  	_ = 	snop  }
0x3c: {  	p2 =	seq.s32 s10, $0x1;
	s10 =	sld [smem:$0x3FB3]  }
0x3d: {  	_ =	shalt  }
0x3e: {  	_ =	shalt  }
0x3f: {  	_ =	shalt  }
0x40: {  	_ =	shalt  }
0x41: {  	_ =	shalt  }
0x42: {  	_ =	shalt  }
0x43: {  	_ =	shalt  }
0x44: {  	_ =	shalt  }
0x45: {  	_ =	shalt  }
0x46: {  	_ =	shalt  }
0x47: {  	_ =	shalt  }
0x48: {  	_ =	shalt  }
0x49: {  	_ =	shalt  }
0x4a: {  	_ =	shalt  }
0x4b: {  	_ =	shalt  }
0x4c: {  	_ =	shalt  }
0x4d: {  	_ =	shalt  }
0x4e: {  	_ =	shalt  }
0x4f: {  	_ =	shalt  }
0x50: {  	_ =	shalt  }
0x51: {  	_ =	shalt  }
0x52: {  	_ =	shalt  }
0x53: {  	_ =	shalt  }
0x54: {  	_ =	shalt  }
0x55: {  	_ =	shalt  }
0x56: {  	_ =	shalt  }
0x57: {  	_ =	shalt  }
0x58: {  	_ =	shalt  }
0x59: {  	_ =	shalt  }
0x5a: {  	_ =	shalt  }
0x5b: {  	_ =	shalt  }
0x5c: {  	_ =	shalt  }
0x5d: {  	_ =	shalt  }
0x5e: {  	_ =	shalt  }
0x5f: {  	_ =	shalt  }
0x60: {  	_ =	shalt  }
0x61: {  	_ =	shalt  }
0x62: {  	_ =	shalt  }
0x63: {  	_ =	shalt  }
0x64: {  	_ =	shalt  }
0x65: {  	_ =	shalt  }
0x66: {  	_ =	shalt  }
0x67: {  	_ =	shalt  }
0x68: {  	_ =	shalt  }
0x69: {  	_ =	shalt  }
0x6a: {  	_ =	shalt  }
0x6b: {  	_ =	shalt  }
0x6c: {  	_ =	shalt  }
0x6d: {  	_ =	shalt  }
0x6e: {  	_ =	shalt  }
0x6f: {  	_ =	shalt  }
0x70: {  	_ =	shalt  }
0x71: {  	_ =	shalt  }
0x72: {  	_ =	shalt  }
0x73: {  	_ =	shalt  }
0x74: {  	_ =	shalt  }
0x75: {  	_ =	shalt  }
0x76: {  	_ =	shalt  }
0x77: {  	_ =	shalt  }
0x78: {  	_ =	shalt  }
0x79: {  	_ =	shalt  }
0x7a: {  	_ =	shalt  }
0x7b: {  	_ =	shalt  }
0x7c: {  	_ =	shalt  }
0x7d: {  	_ =	shalt  }
0x7e: {  	_ =	shalt  }
0x7f: {  	_ =	shalt  }
0x80: {  	_ =	shalt  }
0x81: {  	_ =	shalt  }
0x82: {  	_ =	shalt  }
0x83: {  	_ =	shalt  }
0x84: {  	_ =	shalt  }
0x85: {  	_ =	shalt  }
0x86: {  	_ =	shalt  }
0x87: {  	_ =	shalt  }
.Lfunc_end0:
.L_simem_size_0:
called_computation.1_lowered:
.L_overlay_start_0:
0x88: {  	s2 =	sld [smem:$0x3FD9]  }
0x89: {  	s3 =	sld [smem:$0x3FFE];
	_ =	sdelay $0x1  }
0x8a: {  	s1 =	srdreg.scid  }
0x8b: {  	s0 =	sand.u32 $0x1, s1  }
0x8c: {  	s17 =	sshll.u32 s0, $0xA;
	s2 =	sadd.s32 s3, s2  }
0x8d: {  	s2 =	sadd.s32 s2, s17  }
0x8e: {  	[smem:$0x3FBF] =	sst s2  }
0x8f: {  	_ = 	snop  }
0x90: {  	s2 =	sld [smem:$0x3FD0];
	(tm) =	ssettm $0x1  }
0x91: {  	s18 =	sld [smem:$0x3FFB];
	_ =	sdelay $0x3  }
0x92: {  	_ =	strace s18  }
0x93: {  	s3 =	sld [smem:$0x3FFC];
	_ =	sdelay $0x3  }
0x94: {  	_ =	strace s3  }
0x95: {  	s3 =	sld [smem:$0x3FFD];
	_ =	sdelay $0x3  }
0x96: {  	_ =	strace s3  }
0x97: {  	_ =	strace $0x8FFFFFFF  }
0x98: {  	s19 =	sld [smem:$0x3FDB];
	_ =	sdelay $0x1  }
0x99: {  	s4 =	simm.s32 $_scs_section_size  }
0x9a: {  	s5 =	simm.s32 $_size__tile_overlayer_lowered;
	s6 =	simm.s32 $_tile_overlayer_lowered  }
0x9b: {  	s22 =	simm.s32 $0x1BFF;
	s21 =	sshll.u32 s6, $0x1;
	s3 =	sadd.s32 s4, s19  }
0x9c: {  	s7 =	simm.s32 $0x0;
	s20 =	sshll.u32 s5, $0x1;
	s5 =	sadd.s32 s21, s3  }
0x9d: {  	[timem:s7], [sflag:s22] =	dma.local [hbm:s5], s20  }
0x9e: {  	_ =	swait.ge [sflag:s22], s20  }
0x9f: {  	s4 =	ssub.s32 $0x0, s20;
	[sflag:s22] =	ssyncset.done $0x0  }
0xa0: {  	[sflag:s22] =	ssyncadd.s32 s4;
	_ =	sdelay $0x1  }
0xa1: {  	s23 =	simm.s32 $0x1B8B  }
0xa2: {  	_ =	swait.ge [sflag:s23], $0x1  }
0xa3: {  	[sflag:s23] =	ssyncset.done $0x0  }
0xa4: {  	s25 =	simm.s32 $0x1B8E;
	s24 =	sld [smem:$0x3FFE];
	[sflag:s23] =	ssyncadd.s32 $0xFFFFFFFF  }
0xa5: {  	s26 =	simm.s32 $execute0_lowered;
	[smem:$0x3FD2] =	sst s25  }
0xa6: {  	s5 =	sshll.u32 s26, $0x1;
	_ =	strace $0x80000046;
	[dreg:$0x1] =	wrdreg $0xFFFFFFFF  }
0xa7: {  	s28 =	simm.s32 $_size_execute0_lowered;
	s3 =	sadd.s32 s3, s5;
	[dreg:$0x0] =	wrdreg $0x0  }
0xa8: {  	s5 =	sshll.u32 s28, $0x1;
	[dreg:$0x2] =	wrdreg s3  }
0xa9: {  	[dreg:$0x3] =	wrdreg s5  }
0xaa: {  	[dreg:$0x4] =	wrdreg $0xC0  }
0xab: {  	_ =	task [dreg:s7], $0x5FFFF  }
0xac: {  	[dreg:$0x1] =	wrdreg $0xFFFFFFFF  }
0xad: {  	[dreg:$0x0] =	wrdreg $0x60  }
0xae: {  	[dreg:$0x2] =	wrdreg s24  }
0xaf: {  	[dreg:$0x3] =	wrdreg s2  }
0xb0: {  	[dreg:$0x4] =	wrdreg $0x94000  }
0xb1: {  	[dreg:$0x5] =	wrdreg $0x1CCC00  }
0xb2: {  	[dreg:$0x6] =	wrdreg $0x9  }
0xb3: {  	_ =	task.clear_ibuf [dreg:s7], $0x7FFFF;
	_ =	strace $0x90000046  }
0xb4: {  	s29 =	simm.s32 $0x9;
	_ =	strace $0x80000048  }
0xb5: {  	_ =	swait.ge [sflag:s29], $0x1  }
0xb6: {  	[sflag:s29] =	ssyncadd.s32 $0xFFFFFFFF  }
0xb7: {  	_ =	strace $0x90000048  }
0xb8: {  	_ =	sfence  }
0xb9: {  	s30 =	sld [smem:$0x0];
	_ =	sdelay $0x2  }
0xba: {  	s31 =	sshll.u32 s1, $0xD;
	s1 =	sshrl.u32 s1, $0x2  }
0xbb: {  	s3 =	sand.u32 $0x4000, s31;
	s1 =	sadd.s32 s1, s30  }
0xbc: {  	s0 =	sor.u32 s3, s0;
	s1 =	sshll.u32 s1, $0x11  }
0xbd: {  	s0 =	sor.u32 s1, s0  }
0xbe: {  	s0 =	sadd.s32 $0x8F2B, s0  }
0xbf: {  	[sflag:s0] =	ssyncadd.remote.s32 $0x1  }
0xc0: {  	_ =	sfence.sel $0xFFFF  }
0xc1: {  	[dreg:$0x0] =	wrdreg $0xFFFFFFFF;
	(pc) =	sbr.abs _section_cstart, $3  }
0xc2: {  	[dreg:$0x1] =	wrdreg $0xFFFFFFFF  }
0xc3: {  	_ =	task.clear_ibuf [dreg:s7], $0x2FFFF;
	_ =	strace $0x9FFFFFFF  }
0xc4: {  	(tm) =	ssettm $0x7FFFFFFF  }
0xc5: {  	_ =	shalt  }
tec
execute0_lowered:
.L_overlay_start_1:
0x0: {  	(tag) =	ssettag $0x1  }
0x1: {  	s3 =	rddreg [dreg:$0x0]  }
0x2: {  	s0 =	srdreg.scid;
	s24 =	stileid.u32  }
0x3: {  	s13 =	rddreg [dreg:$0x1];
	s2 =	smul.u32 $0x270, s24  }
0x4: {  	s1 =	simm.s32 $0x0;
	s28 =	simm.s32 $0x2D00;
	s4 =	smul.u32 $0x13800, s24  }
0x5: {  	s29 =	simm.s32 $0x3580;
	s14 =	sand.u32 $0x1, s0;
	s23 =	smul.u32 $0x75C0, s24  }
0x6: {  	[smem:$0x7FF] =	sst s1;
	s0 =	ssub.s32 $0x2, s14;
	s16 =	smul.u32 $0x138C00, s14  }
0x7: {  	s17 =	smul.u32 $0x75C00, s14;
	s5 =	sshrl.u32 s0, $0x1;
	s7 =	sadd.s32 $0x68, s2  }
0x8: {  	s9 =	sadd.s32 $0xD0, s2;
	s11 =	sadd.s32 $0x138, s2;
	s15 =	sadd.s32 $0x1A0, s2  }
0x9: {  	s18 =	sadd.s32 $0x208, s2;
	s0 =	ssub.s32 s0, s5;
	s5 =	smul.u32 $0x2700, s24  }
0xa: {  	s6 =	sshll.u32 s7, $0x7;
	s7 =	sshll.u32 s7, $0x4;
	s8 =	sshll.u32 s9, $0x7  }
0xb: {  	s9 =	sshll.u32 s9, $0x4;
	s10 =	sshll.u32 s11, $0x7;
	s11 =	sshll.u32 s11, $0x4  }
0xc: {  	s12 =	sshll.u32 s15, $0x7;
	s19 =	sadd.s32 s4, s16;
	s15 =	sshll.u32 s15, $0x4  }
0xd: {  	s22 =	sshll.u32 s18, $0x7;
	s2 =	sadd.s32 s23, s17;
	s19 =	sshrl.u32 s19, $0x3  }
0xe: {  	s26 =	sadd.s32 s16, s6;
	s20 =	sadd.s32 s16, s8;
	s23 =	sadd.s32 s16, s10  }
0xf: {  	s25 =	sadd.s32 s13, s19;
	s19 =	smul.u32 $0x27180, s14;
	s17 =	sshrl.u32 s26, $0x3  }
0x10: {  	s21 =	sshrl.u32 s20, $0x3;
	s26 =	sadd.s32 s16, s12;
	[dreg:$0x5] =	wrdreg s25  }
0x11: {  	s14 =	sadd.s32 s13, s17;
	s25 =	sshrl.u32 s23, $0x3;
	s20 =	sshrl.u32 s26, $0x3  }
0x12: {  	s17 =	sadd.s32 $0x50400, s3;
	[dreg:$0x6] =	wrdreg s14;
	s14 =	sadd.s32 s13, s21  }
0x13: {  	s21 =	sadd.s32 s16, s22;
	s16 =	sshrl.u32 s16, $0x3;
	s26 =	sadd.s32 s19, s7  }
0x14: {  	[dreg:$0x7] =	wrdreg s14;
	s14 =	sadd.s32 s13, s25;
	s23 =	sshrl.u32 s21, $0x3  }
0x15: {  	s25 =	sadd.s32 s5, s19;
	[dreg:$0x8] =	wrdreg s14;
	s14 =	sadd.s32 s13, s20  }
0x16: {  	s21 =	sadd.s32 s19, s9;
	[dreg:$0x9] =	wrdreg s14;
	s14 =	sadd.s32 s13, s23  }
0x17: {  	s20 =	sshrl.u32 s26, $0x3;
	[dreg:$0xa] =	wrdreg s14;
	s14 =	sshrl.u32 s25, $0x3  }
0x18: {  	s13 =	sadd.s32 s13, s16;
	s25 =	sadd.s32 s19, s11;
	s14 =	sadd.s32 s17, s14  }
0x19: {  	s16 =	sshrl.u32 s25, $0x3;
	[dreg:$0xb] =	wrdreg s14;
	s14 =	sadd.s32 s17, s20  }
0x1a: {  	s26 =	sadd.s32 s19, s15;
	s16 =	sadd.s32 s17, s16;
	[dreg:$0xc] =	wrdreg s14  }
0x1b: {  	s23 =	sshll.u32 s18, $0x4;
	s14 =	sshrl.u32 s21, $0x3;
	[dreg:$0xe] =	wrdreg s16  }
0x1c: {  	s18 =	sshrl.u32 s26, $0x3;
	s16 =	rddreg [dreg:$0x3];
	s14 =	sadd.s32 s17, s14  }
0x1d: {  	s20 =	sadd.s32 s19, s23;
	[dreg:$0xd] =	wrdreg s14;
	s14 =	sadd.s32 s17, s18  }
0x1e: {  	s30 =	simm.s32 $0x8;
	s21 =	sshrl.u32 s20, $0x3;
	[dreg:$0xf] =	wrdreg s14  }
0x1f: {  	s31 =	simm.s32 $0x3980;
	s18 =	sadd.s32 s17, s21;
	s14 =	rddreg [dreg:$0x2]  }
0x20: {  	p0 =	sne.s32 s24, $0xF;
	s26 =	sadd.s32 s5, s16;
	[dreg:$0x10] =	wrdreg s18  }
0x21: {  	s5 =	sadd.s32 s7, s16;
	_ =	strace $0x80000047;
	[dreg:$0x12] =	wrdreg s26  }
0x22: {  	s24 =	simm.s32 $0x4C0;
	s7 =	sadd.s32 s9, s16;
	[dreg:$0x14] =	wrdreg s5  }
0x23: {  	s0 =	smax.u32 s0, $0x1;
	s19 =	sshrl.u32 s19, $0x3;
	[dreg:$0x16] =	wrdreg s7  }
0x24: {  	s20 =	sadd.s32 $0x24200, s3;
	s25 =	sadd.s32 s4, s14;
	[dreg:$0x1f] =	wrdreg s0  }
0x25: {  	s17 =	sadd.s32 s17, s19;
	s4 =	sadd.s32 s6, s14;
	[dreg:$0x11] =	wrdreg s25  }
0x26: {  	s19 =	sadd.s32 $0x1F200, s3;
	s6 =	sadd.s32 s8, s14;
	[dreg:$0x13] =	wrdreg s4  }
0x27: {  	s21 =	sadd.s32 $0x29200, s3;
	s8 =	sadd.s32 s11, s16;
	[dreg:$0x15] =	wrdreg s6  }
0x28: {  	s18 =	sadd.s32 $0x1A00, s3;
	s9 =	sadd.s32 s12, s14;
	[dreg:$0x18] =	wrdreg s8  }
0x29: {  	s10 =	sadd.s32 s10, s14;
	s11 =	sadd.s32 s15, s16;
	[dreg:$0x19] =	wrdreg s9  }
0x2a: {  	s12 =	sadd.s32 s22, s14;
	s15 =	sadd.s32 s23, s16;
	[dreg:$0x1a] =	wrdreg s11  }
0x2b: {  	s22 =	sadd.s32 $0x27000, s13;
	s23 =	sadd.s32 $0x4E00, s17;
	[dreg:$0x1b] =	wrdreg s12  }
0x2c: {  	s26 =	sadd.s32 $0x27000, s16;
	s13 =	simm.s32 $0x1;
	[dreg:$0x1c] =	wrdreg s15  }
0x2d: {  	s17 =	simm.s32 $0x2;
	s5 =	simm.s32 $0x8C0;
	[dreg:$0x1d] =	wrdreg s22  }
.Ltmp0:
0x2e: {  	s7 =	simm.s32 $0x0;
	[dreg:$0x1e] =	wrdreg s23;
	(pc) =	sbr.rel .LBB2_1-.Ltmp0, $4  }
0x2f: {  	s25 =	sadd.s32 $0x138000, s14;
	[smem:$0x7FD] =	sst s26;
	s9 =	sadd.s32 $0x180, s2  }
0x30: {  	s11 =	simm.s32 $0xB;
	s4 =	simm.s32 $0x40;
	s6 =	simm.s32 $0x3  }
0x31: {  	s22 =	simm.s32 $0xCC0;
	s26 =	simm.s32 $0x7;
	[dreg:$0x17] =	wrdreg s10  }
0x32: {  	v0 =	vimm.f32 $0.0e+00;
	s15 =	simm.s32 $0x2CC0;
	[smem:$0x7FC] =	sst s25;
	s25 =	simm.s32 $0x6  }
.LBB2_20:
0x33: {  	s0 =	stileid.u32;
	[bflag:$0x0] =	sbarrier.arrive $0xFFFF  }
0x34: {  	s0 =	sshll.u32 s0, $0x6;
	s3 =	rddreg [dreg:$0x11]  }
0x35: {  	s8 =	rddreg [dreg:$0x5];
	s0 =	sor.u32 $0x1C0B, s0;
	s3 =	sshrl.u32 s3, $0x3  }
0x36: {  	[hbm:s8], [sflag:s0] =	dma.local [spmem:s3], $0x680  }
0x37: {  	_ =	swait.ge [sflag:s11], $0x680  }
0x38: {  	[sflag:s11] =	ssyncset.done $0x0;
	s8 =	rddreg [dreg:$0x12]  }
0x39: {  	s10 =	rddreg [dreg:$0xb];
	[sflag:s11] =	ssyncadd.s32 $0xFFFFF980;
	s3 =	sshrl.u32 s8, $0x3  }
0x3a: {  	[hbm:s10], [sflag:s0] =	dma.local [spmem:s3], $0xD0  }
0x3b: {  	_ =	swait.ge [sflag:s11], $0xD0  }
0x3c: {  	[sflag:s11] =	ssyncset.done $0x0;
	s12 =	rddreg [dreg:$0x13]  }
0x3d: {  	s23 =	rddreg [dreg:$0x6];
	[sflag:s11] =	ssyncadd.s32 $0xFFFFFF30;
	s3 =	sshrl.u32 s12, $0x3  }
0x3e: {  	[hbm:s23], [sflag:s0] =	dma.local [spmem:s3], $0x680  }
0x3f: {  	_ =	swait.ge [sflag:s11], $0x680  }
0x40: {  	[sflag:s11] =	ssyncset.done $0x0;
	s8 =	rddreg [dreg:$0x14]  }
0x41: {  	s10 =	rddreg [dreg:$0xc];
	[sflag:s11] =	ssyncadd.s32 $0xFFFFF980;
	s3 =	sshrl.u32 s8, $0x3  }
0x42: {  	[hbm:s10], [sflag:s0] =	dma.local [spmem:s3], $0xD0  }
0x43: {  	_ =	swait.ge [sflag:s11], $0xD0  }
0x44: {  	[sflag:s11] =	ssyncset.done $0x0;
	s12 =	rddreg [dreg:$0x15]  }
0x45: {  	s23 =	rddreg [dreg:$0x7];
	[sflag:s11] =	ssyncadd.s32 $0xFFFFFF30;
	s3 =	sshrl.u32 s12, $0x3  }
0x46: {  	[hbm:s23], [sflag:s0] =	dma.local [spmem:s3], $0x680  }
0x47: {  	_ =	swait.ge [sflag:s11], $0x680  }
0x48: {  	[sflag:s11] =	ssyncset.done $0x0;
	s8 =	rddreg [dreg:$0x16]  }
0x49: {  	s10 =	rddreg [dreg:$0xd];
	[sflag:s11] =	ssyncadd.s32 $0xFFFFF980;
	s3 =	sshrl.u32 s8, $0x3  }
0x4a: {  	[hbm:s10], [sflag:s0] =	dma.local [spmem:s3], $0xD0  }
0x4b: {  	_ =	swait.ge [sflag:s11], $0xD0  }
0x4c: {  	[sflag:s11] =	ssyncset.done $0x0;
	s10 =	rddreg [dreg:$0x17]  }
0x4d: {  	s23 =	rddreg [dreg:$0x8];
	[sflag:s11] =	ssyncadd.s32 $0xFFFFFF30;
	s12 =	sshrl.u32 s10, $0x3  }
0x4e: {  	[hbm:s23], [sflag:s0] =	dma.local [spmem:s12], $0x680  }
0x4f: {  	_ =	swait.ge [sflag:s11], $0x680  }
0x50: {  	[sflag:s11] =	ssyncset.done $0x0;
	s12 =	rddreg [dreg:$0x18]  }
0x51: {  	s23 =	rddreg [dreg:$0xe];
	[sflag:s11] =	ssyncadd.s32 $0xFFFFF980;
	s3 =	sshrl.u32 s12, $0x3  }
0x52: {  	[hbm:s23], [sflag:s0] =	dma.local [spmem:s3], $0xD0  }
0x53: {  	_ =	swait.ge [sflag:s11], $0xD0  }
0x54: {  	[sflag:s11] =	ssyncset.done $0x0;
	s12 =	rddreg [dreg:$0x19]  }
0x55: {  	s23 =	rddreg [dreg:$0x9];
	[sflag:s11] =	ssyncadd.s32 $0xFFFFFF30;
	s3 =	sshrl.u32 s12, $0x3  }
0x56: {  	[hbm:s23], [sflag:s0] =	dma.local [spmem:s3], $0x680  }
0x57: {  	_ =	swait.ge [sflag:s11], $0x680  }
0x58: {  	[sflag:s11] =	ssyncset.done $0x0;
	s12 =	rddreg [dreg:$0x1a]  }
0x59: {  	s23 =	rddreg [dreg:$0xf];
	[sflag:s11] =	ssyncadd.s32 $0xFFFFF980;
	s3 =	sshrl.u32 s12, $0x3  }
0x5a: {  	[hbm:s23], [sflag:s0] =	dma.local [spmem:s3], $0xD0  }
0x5b: {  	_ =	swait.ge [sflag:s11], $0xD0  }
0x5c: {  	[sflag:s11] =	ssyncset.done $0x0;
	s12 =	rddreg [dreg:$0x1b]  }
0x5d: {  	s23 =	rddreg [dreg:$0xa];
	[sflag:s11] =	ssyncadd.s32 $0xFFFFFF30;
	s3 =	sshrl.u32 s12, $0x3  }
0x5e: {  	[hbm:s23], [sflag:s0] =	dma.local [spmem:s3], $0x680  }
0x5f: {  	_ =	swait.ge [sflag:s11], $0x680  }
0x60: {  	[sflag:s11] =	ssyncset.done $0x0;
	s8 =	rddreg [dreg:$0x1c]  }
0x61: {  	s12 =	rddreg [dreg:$0x10];
	[sflag:s11] =	ssyncadd.s32 $0xFFFFF980;
	s3 =	sshrl.u32 s8, $0x3  }
0x62: {  	[hbm:s12], [sflag:s0] =	dma.local [spmem:s3], $0xD0  }
0x63: {  	_ =	swait.ge [sflag:s11], $0xD0  }
0x64: {  	s3 =	sld [smem:$0x7FC];
	_ =	sdelay $0x1  }
0x65: {  	[sflag:s11] =	ssyncset.done $0x0  }
0x66: {  	s8 =	rddreg [dreg:$0x1d];
	[sflag:s11] =	ssyncadd.s32 $0xFFFFFF30;
	s3 =	sshrl.u32 @!p0 s3, $0x3  }
0x67: {  	[hbm:s8], [sflag:s0] =	dma.local @!p0 [spmem:s3], $0x180  }
0x68: {  	s3 =	simm.s32 @!p0 $0xB  }
0x69: {  	_ =	swait.ge @!p0 [sflag:s3], $0x180  }
0x6a: {  	s8 =	sld [smem:$0x7FD];
	_ =	sdelay $0x1  }
0x6b: {  	[sflag:s3] =	ssyncset.done @!p0 $0x0  }
0x6c: {  	s12 =	rddreg [dreg:$0x1e];
	[sflag:s3] =	ssyncadd.s32 @!p0 $0xFFFFFE80;
	s8 =	sshrl.u32 @!p0 s8, $0x3  }
0x6d: {  	[hbm:s12], [sflag:s0] =	dma.local @!p0 [spmem:s8], $0x30  }
0x6e: {  	_ =	swait.ge @!p0 [sflag:s3], $0x30  }
0x6f: {  	s7 =	sadd.s32 $0x1, s7;
	s23 =	rddreg [dreg:$0x1f]  }
0x70: {  	p1 =	sne.s32 s7, s23  }
.Ltmp1:
0x71: {  	_ = 	snop;
	(pc) =	sbr.rel @!p1 .LBB2_21-.Ltmp1, $3  }
0x72: {  	_ =	sdelay $0x1  }
0x73: {  	[sflag:s3] =	ssyncset.done @!p0 $0x0  }
0x74: {  	[sflag:s3] =	ssyncadd.s32 @!p0 $0xFFFFFFD0  }
.LBB2_1:
0x75: {  	s0 =	simm.s32 $0x59C0  }
0x76: {  	[tilespmem:s0+$0xFFFFFFD0] =	vst v0  }
0x77: {  	[tilespmem:s0+$0xFFFFFFE0] =	vst v0  }
0x78: {  	[tilespmem:s0+$0xFFFFFFF0] =	vst v0  }
0x79: {  	[tilespmem:s0+$0x0] =	vst v0  }
0x7a: {  	[tilespmem:s0+$0x10] =	vst v0  }
0x7b: {  	[tilespmem:s0+$0x20] =	vst v0  }
0x7c: {  	[tilespmem:s0+$0x30] =	vst v0  }
0x7d: {  	s8 =	simm.s32 $0x0;
	s3 =	simm.s32 $0x40;
	[tilespmem:s0+$0xFFFFFFC0] =	vst v0  }
.LBB2_2:
0x7e: {  	p1 =	sne.s32 s3, $0x19C0;
	[tilespmem:s8+$0x8D80] =	vst v0;
	s0 =	sadd.s32 $0x80, s0  }
0x7f: {  	[tilespmem:s0+$0xFFFFFFD0] =	vst v0  }
0x80: {  	[tilespmem:s0+$0xFFFFFFE0] =	vst v0  }
0x81: {  	[tilespmem:s0+$0xFFFFFFF0] =	vst v0  }
.Ltmp2:
0x82: {  	[tilespmem:s0+$0x0] =	vst v0;
	(pc) =	sbr.rel @p1 .LBB2_2-.Ltmp2, $4  }
0x83: {  	[tilespmem:s0+$0x10] =	vst v0  }
0x84: {  	[tilespmem:s0+$0x20] =	vst v0  }
0x85: {  	[tilespmem:s0+$0x30] =	vst v0  }
0x86: {  	s8 =	sshra.s32 s3, $0x2;
	s3 =	sadd.s32 $0x40, s3;
	[tilespmem:s0+$0xFFFFFFC0] =	vst v0  }
0x87: {  	[tilespmem:s8+$0x8D80] =	vst v0;
	s0 =	rddreg [dreg:$0x11];
	s3 =	simm.s32 $0x5980  }
0x88: {  	[spmem:s0] =	stream.linear.scatter [tilespmem:s3], [sflag:$0xB], $0x3400, $0x38;
	[tilespmem:$0x1F3D8] =	vst v63  }
0x89: {  	_ =	swait.ge [sflag:s11], $0x3400  }
0x8a: {  	[sflag:s11] =	ssyncset.done $0x0  }
0x8b: {  	s8 =	simm.s32 $0x8D80;
	s23 =	rddreg [dreg:$0x12];
	[sflag:s11] =	ssyncadd.s32 $0xFFFFCC00  }
0x8c: {  	[spmem:s23] =	stream.linear.scatter [tilespmem:s8], [sflag:$0xB], $0x680, $0x38;
	[tilespmem:$0x1F3D8] =	vst v63  }
0x8d: {  	_ =	swait.ge [sflag:s11], $0x680  }
0x8e: {  	[sflag:s11] =	ssyncset.done $0x0  }
0x8f: {  	s12 =	rddreg [dreg:$0x13];
	[sflag:s11] =	ssyncadd.s32 $0xFFFFF980  }
0x90: {  	[spmem:s12] =	stream.linear.scatter [tilespmem:s3], [sflag:$0xB], $0x3400, $0x38;
	[tilespmem:$0x1F3D8] =	vst v63  }
0x91: {  	_ =	swait.ge [sflag:s11], $0x3400  }
0x92: {  	[sflag:s11] =	ssyncset.done $0x0  }
0x93: {  	s23 =	rddreg [dreg:$0x14];
	[sflag:s11] =	ssyncadd.s32 $0xFFFFCC00  }
0x94: {  	[spmem:s23] =	stream.linear.scatter [tilespmem:s8], [sflag:$0xB], $0x680, $0x38;
	[tilespmem:$0x1F3D8] =	vst v63  }
0x95: {  	_ =	swait.ge [sflag:s11], $0x680  }
0x96: {  	[sflag:s11] =	ssyncset.done $0x0  }
0x97: {  	s12 =	rddreg [dreg:$0x15];
	[sflag:s11] =	ssyncadd.s32 $0xFFFFF980  }
0x98: {  	[spmem:s12] =	stream.linear.scatter [tilespmem:s3], [sflag:$0xB], $0x3400, $0x38;
	[tilespmem:$0x1F3D8] =	vst v63  }
0x99: {  	_ =	swait.ge [sflag:s11], $0x3400  }
0x9a: {  	[sflag:s11] =	ssyncset.done $0x0  }
0x9b: {  	s23 =	rddreg [dreg:$0x16];
	[sflag:s11] =	ssyncadd.s32 $0xFFFFCC00  }
0x9c: {  	[spmem:s23] =	stream.linear.scatter [tilespmem:s8], [sflag:$0xB], $0x680, $0x38;
	[tilespmem:$0x1F3D8] =	vst v63  }
0x9d: {  	_ =	swait.ge [sflag:s11], $0x680  }
0x9e: {  	[sflag:s11] =	ssyncset.done $0x0  }
0x9f: {  	[sflag:s11] =	ssyncadd.s32 $0xFFFFF980  }
0xa0: {  	[spmem:s10] =	stream.linear.scatter [tilespmem:s3], [sflag:$0xB], $0x3400, $0x38;
	[tilespmem:$0x1F3D8] =	vst v63  }
0xa1: {  	_ =	swait.ge [sflag:s11], $0x3400  }
0xa2: {  	[sflag:s11] =	ssyncset.done $0x0  }
0xa3: {  	s12 =	rddreg [dreg:$0x18];
	[sflag:s11] =	ssyncadd.s32 $0xFFFFCC00  }
0xa4: {  	[spmem:s12] =	stream.linear.scatter [tilespmem:s8], [sflag:$0xB], $0x680, $0x38;
	[tilespmem:$0x1F3D8] =	vst v63  }
0xa5: {  	_ =	swait.ge [sflag:s11], $0x680  }
0xa6: {  	[sflag:s11] =	ssyncset.done $0x0  }
0xa7: {  	s23 =	rddreg [dreg:$0x19];
	[sflag:s11] =	ssyncadd.s32 $0xFFFFF980  }
0xa8: {  	[spmem:s23] =	stream.linear.scatter [tilespmem:s3], [sflag:$0xB], $0x3400, $0x38;
	[tilespmem:$0x1F3D8] =	vst v63  }
0xa9: {  	_ =	swait.ge [sflag:s11], $0x3400  }
0xaa: {  	[sflag:s11] =	ssyncset.done $0x0  }
0xab: {  	s10 =	rddreg [dreg:$0x1a];
	[sflag:s11] =	ssyncadd.s32 $0xFFFFCC00  }
0xac: {  	[spmem:s10] =	stream.linear.scatter [tilespmem:s8], [sflag:$0xB], $0x680, $0x38;
	[tilespmem:$0x1F3D8] =	vst v63  }
0xad: {  	_ =	swait.ge [sflag:s11], $0x680  }
0xae: {  	[sflag:s11] =	ssyncset.done $0x0  }
0xaf: {  	s12 =	rddreg [dreg:$0x1b];
	[sflag:s11] =	ssyncadd.s32 $0xFFFFF980  }
0xb0: {  	[spmem:s12] =	stream.linear.scatter [tilespmem:s3], [sflag:$0xB], $0x3400, $0x38;
	[tilespmem:$0x1F3D8] =	vst v63  }
0xb1: {  	_ =	swait.ge [sflag:s11], $0x3400  }
0xb2: {  	[sflag:s11] =	ssyncset.done $0x0  }
0xb3: {  	s23 =	rddreg [dreg:$0x1c];
	[sflag:s11] =	ssyncadd.s32 $0xFFFFCC00  }
0xb4: {  	[spmem:s23] =	stream.linear.scatter [tilespmem:s8], [sflag:$0xB], $0x680, $0x38;
	[tilespmem:$0x1F3D8] =	vst v63  }
0xb5: {  	_ =	swait.ge [sflag:s11], $0x680  }
0xb6: {  	s3 =	sld [smem:$0x7FC]  }
0xb7: {  	[sflag:s11] =	ssyncset.done $0x0  }
0xb8: {  	s0 =	simm.s32 @!p0 $0x5980;
	[sflag:s11] =	ssyncadd.s32 $0xFFFFF980  }
0xb9: {  	[spmem:s3] =	stream.linear.scatter @!p0 [tilespmem:s0], [sflag:$0xB], $0xC00, $0x38;
	[tilespmem:$0x1F3D8] =	vst v63  }
0xba: {  	s0 =	simm.s32 @!p0 $0xB  }
0xbb: {  	_ =	swait.ge @!p0 [sflag:s0], $0xC00  }
0xbc: {  	s8 =	sld [smem:$0x7FD]  }
0xbd: {  	[sflag:s0] =	ssyncset.done @!p0 $0x0  }
0xbe: {  	s3 =	simm.s32 @!p0 $0x8D80;
	[sflag:s0] =	ssyncadd.s32 @!p0 $0xFFFFF400  }
0xbf: {  	[spmem:s8] =	stream.linear.scatter @!p0 [tilespmem:s3], [sflag:$0xB], $0x180, $0x38;
	[tilespmem:$0x1F3D8] =	vst v63  }
.Ltmp3:
0xc0: {  	_ =	swait.ge @!p0 [sflag:s0], $0x180;
	(pc) =	sbr.rel .LBB2_4-.Ltmp3, $4  }
0xc1: {  	[sflag:s0] =	ssyncset.done @!p0 $0x0  }
0xc2: {  	[sflag:s0] =	ssyncadd.s32 @!p0 $0xFFFFFE80  }
0xc3: {  	[bflag:$0x0] =	sbarrier.arrive $0xFFFF  }
0xc4: {  	s8 =	simm.s32 $0xFFFFFFFF  }
.LBB2_18:
0xc5: {  	s0 =	sadd.s32 $0x3, s10  }
0xc6: {  	p1 =	seq.s32 s0, $0x1  }
0xc7: {  	s3 =	simm.s32 @!p1 $0x9;
	p2 =	sgt.s32 @!p1 s10, $0x99  }
0xc8: {  	_ =	swait.ge @!p1 [sflag:s3], $0x400;
	p2 =	por p1, !p2  }
0xc9: {  	[sflag:s3] =	ssyncset.done @!p1 $0x0;
	s0 =	smul.u32 @p2 $0xC0, s0  }
0xca: {  	[sflag:s3] =	ssyncadd.s32 @!p1 $0xFFFFFC00;
	s3 =	simm.s32 @!p1 $0xA  }
0xcb: {  	_ =	swait.ge @!p1 [sflag:s3], $0x2000;
	s0 =	sadd.s32 @p2 s0, s2  }
0xcc: {  	[sflag:s3] =	ssyncset.done @!p1 $0x0;
	s0 =	sshrl.u32 @p2 s0, $0x3  }
0xcd: {  	[sflag:s3] =	ssyncadd.s32 @!p1 $0xFFFFE000;
	s0 =	sadd.s32 @p2 s18, s0  }
0xce: {  	[tilespmem:s15], [sflag:$0xB] =	stream.linear.gather @p2 [hbm4b:s0+s1], $0xC0, $0x38;
	[tilespmem:$0x1F3D8] =	vst v63  }
0xcf: {  	_ =	swait.ge @p2 [sflag:s11], $0xC0  }
0xd0: {  	[sflag:s11] =	ssyncset.done @p2 $0x0  }
0xd1: {  	s0 =	simm.s32 @p2 $0x2D80;
	[sflag:s11] =	ssyncadd.s32 @p2 $0xFFFFFF40  }
0xd2: {  	[tilespmem:s0], [sflag:$0x6] =	stream.indirect.gather @p2 [hbm4b:s19+s4], $0x10, s15, s4, $0xb8;
	[tilespmem:$0x1F3D8] =	vst v63  }
0xd3: {  	s0 =	simm.s32 @p2 $0x3180  }
0xd4: {  	[tilespmem:s0], [sflag:$0x7] =	stream.indirect.gather @p2 [hbm4b:s20+s4], $0x10, s28, s4, $0xb8;
	[tilespmem:$0x1F3D8] =	vst v63  }
0xd5: {  	_ = 	snop  }
0xd6: {  	[tilespmem:s31], [sflag:$0x8] =	stream.indirect.gather @p2 [hbm4b:s21+s4], $0x80, s15, s4, $0xb8;
	[tilespmem:$0x1F3D8] =	vst v63  }
.LBB2_19:
0xd7: {  	s8 =	sadd.s32 $0x1, s8  }
0xd8: {  	p1 =	sne.s32 s8, $0x50  }
.Ltmp4:
0xd9: {  	_ = 	snop;
	(pc) =	sbr.rel @!p1 .LBB2_20-.Ltmp4, $1  }
0xda: {  	_ =	sdelay $0x3  }
.LBB2_4:
0xdb: {  	s10 =	sshll.u32 s8, $0x1;
	p1 =	slt.s32 s8, $0x0  }
0xdc: {  	p2 =	sgt.s32 @!p1 s10, $0x9C  }
0xdd: {  	p2 =	por p1, p2  }
.Ltmp5:
0xde: {  	_ = 	snop;
	(pc) =	sbr.rel @p2 .LBB2_10-.Ltmp5, $1  }
0xdf: {  	_ =	sdelay $0x3  }
0xe0: {  	_ =	swait.ge [sflag:s13], $0x400  }
0xe1: {  	[sflag:s13] =	ssyncset.done $0x0  }
0xe2: {  	[sflag:s13] =	ssyncadd.s32 $0xFFFFFC00  }
0xe3: {  	_ =	swait.ge [sflag:s17], $0x400  }
0xe4: {  	[sflag:s17] =	ssyncset.done $0x0  }
0xe5: {  	s0 =	simm.s32 $0x0;
	[sflag:s17] =	ssyncadd.s32 $0xFFFFFC00  }
0xe6: {  	v2 =	vld [tilespmem:s0+$0xC0]  }
0xe7: {  	v3 =	vld [tilespmem:s0+$0x4C0]  }
0xe8: {  	v4 =	vld [tilespmem:s0+$0xD0]  }
0xe9: {  	v5 =	vld [tilespmem:s0+$0x4D0]  }
0xea: {  	v6 =	vld [tilespmem:s0+$0xE0]  }
0xeb: {  	v7 =	vld [tilespmem:s0+$0x4E0]  }
0xec: {  	v8 =	vld [tilespmem:s0+$0xF0]  }
0xed: {  	s3 =	simm.s32 $0x80;
	v9 =	vld [tilespmem:s0+$0x4F0]  }
0xee: {  	v1 =	vld [tilespmem:s3+$0x0]  }
0xef: {  	v10 =	vld [tilespmem:s0+$0x100]  }
0xf0: {  	v11 =	vld [tilespmem:s0+$0x500]  }
0xf1: {  	v12 =	vld [tilespmem:s0+$0x110]  }
0xf2: {  	v13 =	vld [tilespmem:s0+$0x510];
	v2 =	vadd.f32 v3, v2;
	v3 =	vadd.f32 v5, v4  }
0xf3: {  	v14 =	vld [tilespmem:s0+$0x120];
	v4 =	vadd.f32 v7, v6;
	v7 =	vadd.f32 v9, v8;
	v8 =	vbroadcast v1, $0x0  }
0xf4: {  	v15 =	vld [tilespmem:s0+$0x520];
	v27 =	vbroadcast v1, $0x1;
	v5 =	vmul.f32 $1.000000010e-01, v2  }
0xf5: {  	v16 =	vld [tilespmem:s0+$0x130];
	v54 =	vbroadcast v1, $0x2;
	v25 =	vmul.f32 $1.000000010e-01, v3  }
0xf6: {  	v17 =	vld [tilespmem:s0+$0x530];
	v56 =	vbroadcast v1, $0x3;
	v26 =	vmul.f32 $1.000000010e-01, v4;
	v2 =	vmax.f32 v2, v5  }
0xf7: {  	v18 =	vld [tilespmem:s0+$0x140];
	v10 =	vadd.f32 v11, v10;
	v3 =	vmax.f32 v3, v25;
	v2 =	vmul.f32 v2, v8  }
0xf8: {  	v19 =	vld [tilespmem:s0+$0x540];
	v28 =	vmul.f32 $1.000000010e-01, v7;
	v4 =	vmax.f32 v4, v26;
	v55 =	vmul.f32 v3, v27  }
0xf9: {  	v20 =	vld [tilespmem:s0+$0x150];
	v4 =	vmul.f32 v4, v54;
	v2 =	vmul.f32 $1.442695020e+00, v2  }
0xfa: {  	v21 =	vld [tilespmem:s0+$0x550];
	v11 =	vmul.f32 $1.000000010e-01, v10;
	v26 =	vmul.f32 $1.442695020e+00, v55  }
0xfb: {  	v22 =	vld [tilespmem:s0+$0x160];
	v7 =	vmax.f32 v7, v28;
	v4 =	vmul.f32 $1.442695020e+00, v4;
	(erf) = vpow2.f32 v2  }
0xfc: {  	v23 =	vld [tilespmem:s0+$0x560];
	v2 =	vmul.f32 v7, v56;
	v7 =	vadd.f32 v13, v12;
	(erf) = vpow2.f32 v26  }
0xfd: {  	v24 =	vld [tilespmem:s0+$0x170];
	v13 =	vbroadcast v1, $0x4;
	(erf) = vpow2.f32 v4  }
0xfe: {  	s12 =	simm.s32 $0x100;
	v29 =	vld [tilespmem:s0+$0x590];
	v10 =	vmax.f32 v10, v11;
	v12 =	vmul.f32 $1.442695020e+00, v2;
	v60 =	vmul.f32 $1.000000010e-01, v7  }
0xff: {  	v30 =	vld [tilespmem:s12+$0xD0];
	v11 =	vbroadcast v1, $0x5;
	v10 =	vmul.f32 v10, v13  }
0x100: {  	v31 =	vld [tilespmem:s12+$0x4D0];
	(erf) = vpow2.f32 v12;
	v12 =	vadd.f32 v15, v14;
	v7 =	vmax.f32 v7, v60  }
0x101: {  	v61 =	vld [tilespmem:s12+$0x4E0];
	v7 =	vmul.f32 v7, v11  }
0x102: {  	v32 =	vld [tilespmem:s12+$0xF0];
	v10 =	vmul.f32 $1.442695020e+00, v10;
	v11 =	vadd.f32 v17, v16;
	v13 =	vmul.f32 $1.000000010e-01, v12  }
0x103: {  	v2 =	vld [tilespmem:s12+$0xC0];
	v15 =	vbroadcast v1, $0x6;
	v7 =	vmul.f32 $1.442695020e+00, v7  }
0x104: {  	v4 =	vld [tilespmem:s12+$0x4C0];
	v12 =	vmax.f32 v12, v13;
	v16 =	vpop (erf);
	(erf) = vpow2.f32 v10;
	v10 =	vmul.f32 $1.000000010e-01, v11  }
0x105: {  	v14 =	vld [tilespmem:s12+$0xE0];
	v13 =	vbroadcast v1, $0x7;
	v12 =	vmul.f32 v12, v15;
	[tilespmem:s0+$0x8C0] =	vst v16;
	v16 =	vpop (erf)  }
0x106: {  	(erf) = vpow2.f32 v7;
	v7 =	vadd.f32 v19, v18;
	v33 =	vld [tilespmem:s12+$0x4F0];
	[tilespmem:s0+$0x8D0] =	vst v16;
	v10 =	vmax.f32 v11, v10;
	v11 =	vpop (erf)  }
0x107: {  	v15 =	vbroadcast v1, $0x8;
	v12 =	vmul.f32 $1.442695020e+00, v12;
	v34 =	vld [tilespmem:s12+$0x100];
	[tilespmem:s0+$0x8E0] =	vst v11;
	v11 =	vadd.f32 v21, v20  }
0x108: {  	v6 =	vld [tilespmem:s0+$0x570];
	v10 =	vmul.f32 v10, v13;
	v13 =	vmul.f32 $1.000000010e-01, v7  }
0x109: {  	v9 =	vld [tilespmem:s0+$0x180];
	(erf) = vpow2.f32 v12;
	v12 =	vmul.f32 $1.000000010e-01, v11  }
0x10a: {  	v5 =	vld [tilespmem:s0+$0x580];
	v16 =	vpop (erf);
	v10 =	vmul.f32 $1.442695020e+00, v10;
	v7 =	vmax.f32 v7, v13  }
0x10b: {  	v20 =	vld [tilespmem:s12+$0x500];
	[tilespmem:s0+$0x8F0] =	vst v16;
	v7 =	vmul.f32 v7, v15  }
0x10c: {  	v13 =	vbroadcast v1, $0x9;
	v21 =	vld [tilespmem:s12+$0x110];
	(erf) = vpow2.f32 v10;
	v10 =	vadd.f32 v23, v22  }
0x10d: {  	v6 =	vadd.f32 v6, v24;
	v35 =	vld [tilespmem:s12+$0x510];
	v11 =	vmax.f32 v11, v12;
	v7 =	vmul.f32 $1.442695020e+00, v7;
	v12 =	vpop (erf)  }
0x10e: {  	v22 =	vld [tilespmem:s12+$0x120];
	v11 =	vmul.f32 v11, v13;
	[tilespmem:s0+$0x900] =	vst v12;
	v12 =	vmul.f32 $1.000000010e-01, v10  }
0x10f: {  	v8 =	vld [tilespmem:s0+$0x190];
	(erf) = vpow2.f32 v7;
	v7 =	vmul.f32 $1.000000010e-01, v6  }
0x110: {  	v13 =	vbroadcast v1, $0xA;
	v15 =	vpop (erf)  }
0x111: {  	v11 =	vmul.f32 $1.442695020e+00, v11;
	v23 =	vld [tilespmem:s12+$0x520];
	[tilespmem:s0+$0x910] =	vst v15;
	v10 =	vmax.f32 v10, v12;
	v12 =	vbroadcast v1, $0xB  }
0x112: {  	v62 =	vld [tilespmem:s12+$0x130];
	v6 =	vmax.f32 v6, v7;
	v10 =	vmul.f32 v10, v13  }
0x113: {  	v5 =	vadd.f32 v5, v9;
	(erf) = vpow2.f32 v11;
	v36 =	vld [tilespmem:s12+$0x530];
	v7 =	vpop (erf);
	v6 =	vmul.f32 v6, v12  }
0x114: {  	v37 =	vld [tilespmem:s12+$0x140];
	v9 =	vmul.f32 $1.442695020e+00, v10;
	[tilespmem:s0+$0x920] =	vst v7;
	v7 =	vadd.f32 v29, v8  }
0x115: {  	v57 =	vld [tilespmem:s0+$0x5A0];
	v8 =	vmul.f32 $1.000000010e-01, v5;
	v6 =	vmul.f32 $1.442695020e+00, v6  }
0x116: {  	v58 =	vld [tilespmem:s0+$0x1B0];
	(erf) = vpow2.f32 v9;
	v9 =	vmul.f32 $1.000000010e-01, v7  }
0x117: {  	v59 =	vld [tilespmem:s0+$0x5B0];
	v10 =	vbroadcast v1, $0xC;
	v5 =	vmax.f32 v5, v8;
	v8 =	vbroadcast v1, $0xD  }
0x118: {  	v3 =	vld [tilespmem:s0+$0x1A0];
	v11 =	vpop (erf);
	(erf) = vpow2.f32 v6;
	v6 =	vmax.f32 v7, v9  }
0x119: {  	v63 =	vld [tilespmem:s12+$0x540];
	[tilespmem:s0+$0x930] =	vst v11;
	v10 =	vmul.f32 v5, v10;
	v6 =	vmul.f32 v6, v8  }
0x11a: {  	v38 =	vld [tilespmem:s12+$0x150]  }
0x11b: {  	v39 =	vld [tilespmem:s12+$0x550];
	v7 =	vpop (erf);
	v8 =	vmul.f32 $1.442695020e+00, v10;
	v6 =	vmul.f32 $1.442695020e+00, v6  }
0x11c: {  	v5 =	vld [tilespmem:s12+$0x160];
	[tilespmem:s0+$0x940] =	vst v7;
	v7 =	vpop (erf)  }
0x11d: {  	v11 =	vld [tilespmem:s12+$0x560];
	(erf) = vpow2.f32 v8;
	[tilespmem:s0+$0x950] =	vst v7  }
0x11e: {  	v3 =	vadd.f32 v57, v3;
	v7 =	vld [tilespmem:s12+$0x170];
	(erf) = vpow2.f32 v6  }
0x11f: {  	v8 =	vadd.f32 v59, v58;
	v12 =	vld [tilespmem:s12+$0x570];
	v6 =	vpop (erf)  }
0x120: {  	v9 =	vld [tilespmem:s12+$0x180];
	[tilespmem:s0+$0x960] =	vst v6;
	v6 =	vmul.f32 $1.000000010e-01, v3  }
0x121: {  	v16 =	vbroadcast v1, $0xE;
	v15 =	vmul.f32 $1.000000010e-01, v8  }
0x122: {  	v1 =	vbroadcast v1, $0xF;
	v3 =	vmax.f32 v3, v6  }
0x123: {  	v10 =	vpop (erf);
	v6 =	vmax.f32 v8, v15;
	v3 =	vmul.f32 v3, v16  }
0x124: {  	v17 =	vld [tilespmem:s12+$0x580];
	[tilespmem:s0+$0x970] =	vst v10;
	v1 =	vmul.f32 v6, v1  }
0x125: {  	v13 =	vld [tilespmem:s12+$0x190];
	v3 =	vmul.f32 $1.442695020e+00, v3  }
0x126: {  	v10 =	vadd.f32 v4, v2;
	v18 =	vld [tilespmem:s12+$0x590];
	v2 =	vpop (erf);
	v1 =	vmul.f32 $1.442695020e+00, v1  }
0x127: {  	v19 =	vld [tilespmem:s12+$0x1A0];
	[tilespmem:s0+$0x980] =	vst v2;
	v2 =	vpop (erf);
	(erf) = vpow2.f32 v3  }
0x128: {  	(erf) = vpow2.f32 v1;
	_ =	sdelay $0x2  }
0x129: {  	v4 =	vadd.f32 v23, v22  }
0x12a: {  	v15 =	vadd.f32 v31, v30;
	v8 =	vadd.f32 v20, v34  }
0x12b: {  	v16 =	vadd.f32 v61, v14;
	v14 =	vadd.f32 v33, v32  }
0x12c: {  	v6 =	vadd.f32 v35, v21;
	v20 =	vld [tilespmem:s12+$0x5A0];
	v3 =	vadd.f32 v36, v62;
	[tilespmem:s0+$0x990] =	vst v2  }
0x12d: {  	s23 =	simm.s32 $0x800;
	v2 =	vadd.f32 v63, v37;
	v1 =	vadd.f32 v39, v38;
	v21 =	vld [tilespmem:s12+$0x1B0]  }
.LBB2_6:
0x12e: {  	p2 =	sne.s32 s23, $0xC00;
	v22 =	vmul.f32 $1.000000010e-01, v10;
	v23 =	vmul.f32 $1.000000010e-01, v15;
	v24 =	vadd.f32 v11, v5;
	v25 =	vld [tilespmem:s12+$0x5B0];
	v5 =	vpop (erf)  }
0x12f: {  	v26 =	vmul.f32 $1.000000010e-01, v16;
	v27 =	vmul.f32 $1.000000010e-01, v14;
	v28 =	vadd.f32 v12, v7;
	[tilespmem:s0+$0x9A0] =	vst v5;
	v5 =	vpop (erf)  }
0x130: {  	v29 =	vmul.f32 $1.000000010e-01, v8;
	v30 =	vmul.f32 $1.000000010e-01, v6;
	v11 =	vadd.f32 v17, v9;
	s3 =	sadd.s32 $0x10, s3;
	[tilespmem:s0+$0x9B0] =	vst v5;
	s0 =	smov.u32 s12  }
0x131: {  	v17 =	vmul.f32 $1.000000010e-01, v4;
	v31 =	vmul.f32 $1.000000010e-01, v3;
	v13 =	vadd.f32 v18, v13;
	v5 =	vld [tilespmem:s3+$0x0]  }
0x132: {  	v18 =	vmul.f32 $1.000000010e-01, v2;
	v32 =	vmul.f32 $1.000000010e-01, v1;
	v9 =	vadd.f32 v20, v19  }
0x133: {  	v19 =	vmul.f32 $1.000000010e-01, v24;
	v20 =	vmul.f32 $1.000000010e-01, v28;
	v7 =	vadd.f32 v25, v21  }
0x134: {  	v21 =	vmul.f32 $1.000000010e-01, v11;
	v25 =	vmul.f32 $1.000000010e-01, v13  }
0x135: {  	v22 =	vmax.f32 v10, v22;
	v12 =	vmul.f32 $1.000000010e-01, v9;
	v10 =	vmul.f32 $1.000000010e-01, v7  }
0x136: {  	v15 =	vmax.f32 v15, v23;
	v33 =	vbroadcast v5, $0x0;
	v23 =	vbroadcast v5, $0x1  }
0x137: {  	v16 =	vmax.f32 v16, v26;
	v26 =	vbroadcast v5, $0x2;
	v34 =	vbroadcast v5, $0x3  }
0x138: {  	v14 =	vmax.f32 v14, v27;
	v22 =	vmul.f32 v22, v33;
	v15 =	vmul.f32 v15, v23  }
0x139: {  	v16 =	vmul.f32 v16, v26;
	v14 =	vmul.f32 v14, v34  }
0x13a: {  	v22 =	vmul.f32 $1.442695020e+00, v22;
	v15 =	vmul.f32 $1.442695020e+00, v15  }
0x13b: {  	v16 =	vmul.f32 $1.442695020e+00, v16;
	v14 =	vmul.f32 $1.442695020e+00, v14  }
0x13c: {  	v23 =	vbroadcast v5, $0x4;
	(erf) = vpow2.f32 v22  }
0x13d: {  	v8 =	vmax.f32 v8, v29;
	v22 =	vbroadcast v5, $0x5;
	(erf) = vpow2.f32 v15  }
0x13e: {  	v6 =	vmax.f32 v6, v30;
	v8 =	vmul.f32 v8, v23;
	(erf) = vpow2.f32 v16  }
0x13f: {  	s12 =	sshra.s32 s23, $0x2;
	v15 =	vmul.f32 v6, v22;
	(erf) = vpow2.f32 v14  }
0x140: {  	v8 =	vmul.f32 $1.442695020e+00, v8;
	v14 =	vbroadcast v5, $0x6;
	v6 =	vld [tilespmem:s12+$0xC0]  }
0x141: {  	v4 =	vmax.f32 v4, v17;
	v17 =	vbroadcast v5, $0x7;
	v15 =	vmul.f32 $1.442695020e+00, v15;
	v16 =	vld [tilespmem:s12+$0x4C0]  }
0x142: {  	v3 =	vmax.f32 v3, v31;
	v4 =	vmul.f32 v4, v14;
	v22 =	vld [tilespmem:s12+$0xD0];
	(erf) = vpow2.f32 v8  }
0x143: {  	v3 =	vmul.f32 v3, v17;
	v8 =	vld [tilespmem:s12+$0x4D0];
	(erf) = vpow2.f32 v15  }
0x144: {  	v27 =	vbroadcast v5, $0x8;
	v4 =	vmul.f32 $1.442695020e+00, v4;
	v14 =	vld [tilespmem:s12+$0xE0]  }
0x145: {  	v2 =	vmax.f32 v2, v18;
	v29 =	vbroadcast v5, $0x9;
	v3 =	vmul.f32 $1.442695020e+00, v3;
	v23 =	vld [tilespmem:s12+$0x4E0];
	v18 =	vpop (erf)  }
0x146: {  	v1 =	vmax.f32 v1, v32;
	v2 =	vmul.f32 v2, v27;
	v26 =	vld [tilespmem:s12+$0xF0];
	[tilespmem:s0+$0x8C0] =	vst v18;
	v15 =	vpop (erf);
	(erf) = vpow2.f32 v4  }
0x147: {  	v1 =	vmul.f32 v1, v29;
	v4 =	vld [tilespmem:s12+$0x4F0];
	[tilespmem:s0+$0x8D0] =	vst v15;
	v15 =	vpop (erf);
	(erf) = vpow2.f32 v3  }
0x148: {  	v2 =	vmul.f32 $1.442695020e+00, v2;
	v3 =	vld [tilespmem:s12+$0x100];
	[tilespmem:s0+$0x8E0] =	vst v15;
	v15 =	vbroadcast v5, $0xA;
	v17 =	vpop (erf)  }
0x149: {  	v1 =	vmul.f32 $1.442695020e+00, v1;
	v27 =	vld [tilespmem:s12+$0x500];
	[tilespmem:s0+$0x8F0] =	vst v17;
	v17 =	vmax.f32 v24, v19;
	v24 =	vbroadcast v5, $0xB  }
0x14a: {  	v19 =	vld [tilespmem:s12+$0x110];
	v15 =	vmul.f32 v17, v15;
	v17 =	vmax.f32 v28, v20;
	(erf) = vpow2.f32 v2  }
0x14b: {  	v2 =	vld [tilespmem:s12+$0x510];
	v17 =	vmul.f32 v17, v24;
	v18 =	vpop (erf);
	(erf) = vpow2.f32 v1  }
0x14c: {  	v1 =	vld [tilespmem:s12+$0x120];
	[tilespmem:s0+$0x900] =	vst v18;
	v28 =	vmul.f32 $1.442695020e+00, v15;
	v18 =	vbroadcast v5, $0xC;
	v20 =	vpop (erf)  }
0x14d: {  	v11 =	vmax.f32 v11, v21;
	v24 =	vld [tilespmem:s12+$0x520];
	[tilespmem:s0+$0x910] =	vst v20;
	v29 =	vmul.f32 $1.442695020e+00, v17;
	v20 =	vbroadcast v5, $0xD  }
0x14e: {  	v13 =	vmax.f32 v13, v25;
	v21 =	vld [tilespmem:s12+$0x130];
	v11 =	vmul.f32 v11, v18;
	(erf) = vpow2.f32 v28  }
0x14f: {  	v25 =	vld [tilespmem:s12+$0x530];
	v13 =	vmul.f32 v13, v20;
	v15 =	vpop (erf);
	(erf) = vpow2.f32 v29  }
0x150: {  	v28 =	vld [tilespmem:s12+$0x140];
	[tilespmem:s0+$0x920] =	vst v15;
	v11 =	vmul.f32 $1.442695020e+00, v11;
	v15 =	vbroadcast v5, $0xE;
	v17 =	vpop (erf)  }
0x151: {  	v9 =	vmax.f32 v9, v12;
	v5 =	vbroadcast v5, $0xF;
	v29 =	vld [tilespmem:s12+$0x540];
	[tilespmem:s0+$0x930] =	vst v17;
	v13 =	vmul.f32 $1.442695020e+00, v13  }
0x152: {  	v7 =	vmax.f32 v7, v10;
	v30 =	vld [tilespmem:s12+$0x150];
	v9 =	vmul.f32 v9, v15;
	(erf) = vpow2.f32 v11  }
0x153: {  	v7 =	vmul.f32 v7, v5;
	v31 =	vld [tilespmem:s12+$0x550];
	v10 =	vpop (erf);
	(erf) = vpow2.f32 v13  }
0x154: {  	v5 =	vld [tilespmem:s12+$0x160];
	[tilespmem:s0+$0x940] =	vst v10;
	v9 =	vmul.f32 $1.442695020e+00, v9;
	v10 =	vpop (erf)  }
0x155: {  	v15 =	vmul.f32 $1.442695020e+00, v7;
	v11 =	vld [tilespmem:s12+$0x560];
	[tilespmem:s0+$0x950] =	vst v10  }
0x156: {  	v7 =	vld [tilespmem:s12+$0x170];
	(erf) = vpow2.f32 v9  }
0x157: {  	v12 =	vld [tilespmem:s12+$0x570];
	v13 =	vpop (erf);
	(erf) = vpow2.f32 v15  }
0x158: {  	v9 =	vld [tilespmem:s12+$0x180];
	[tilespmem:s0+$0x960] =	vst v13;
	v10 =	vpop (erf)  }
0x159: {  	v17 =	vld [tilespmem:s12+$0x580];
	[tilespmem:s0+$0x970] =	vst v10  }
.Ltmp6:
0x15a: {  	v15 =	vadd.f32 v8, v22;
	v10 =	vadd.f32 v16, v6;
	v13 =	vld [tilespmem:s12+$0x190];
	(pc) =	sbr.rel @p2 .LBB2_6-.Ltmp6, $4  }
0x15b: {  	v16 =	vadd.f32 v23, v14;
	v14 =	vadd.f32 v4, v26;
	v18 =	vld [tilespmem:s12+$0x590];
	v4 =	vpop (erf)  }
0x15c: {  	v8 =	vadd.f32 v27, v3;
	v6 =	vadd.f32 v2, v19;
	v19 =	vld [tilespmem:s12+$0x1A0];
	[tilespmem:s0+$0x980] =	vst v4;
	v2 =	vpop (erf)  }
0x15d: {  	v3 =	vadd.f32 v25, v21;
	v4 =	vadd.f32 v24, v1;
	v20 =	vld [tilespmem:s12+$0x5A0];
	[tilespmem:s0+$0x990] =	vst v2  }
0x15e: {  	s23 =	sadd.s32 $0x400, s23;
	v1 =	vadd.f32 v31, v30;
	v2 =	vadd.f32 v29, v28;
	v21 =	vld [tilespmem:s12+$0x1B0]  }
0x15f: {  	v22 =	vmul.f32 $1.000000010e-01, v10  }
0x160: {  	v23 =	vmul.f32 $1.000000010e-01, v15;
	v35 =	vld [tilespmem:s12+$0x5B0];
	v24 =	vpop (erf);
	v25 =	vmul.f32 $1.000000010e-01, v16  }
0x161: {  	v5 =	vadd.f32 v11, v5;
	v26 =	vmul.f32 $1.000000010e-01, v14;
	v37 =	vmul.f32 $1.000000010e-01, v8;
	[tilespmem:s0+$0x9A0] =	vst v24;
	v36 =	vpop (erf)  }
0x162: {  	v7 =	vadd.f32 v12, v7;
	v27 =	vmul.f32 $1.000000010e-01, v6;
	s23 =	sadd.s32 $0x10, s3;
	v38 =	vmul.f32 $1.000000010e-01, v4;
	[tilespmem:s0+$0x9B0] =	vst v36  }
0x163: {  	v9 =	vadd.f32 v17, v9;
	v28 =	vmul.f32 $1.000000010e-01, v3;
	v39 =	vmul.f32 $1.000000010e-01, v2;
	v12 =	vld [tilespmem:s23+$0x0]  }
0x164: {  	v13 =	vadd.f32 v18, v13;
	v29 =	vmul.f32 $1.000000010e-01, v1;
	v40 =	vmul.f32 $1.000000010e-01, v5  }
0x165: {  	v30 =	vmul.f32 $1.000000010e-01, v7;
	v19 =	vadd.f32 v20, v19;
	v11 =	vadd.f32 v35, v21  }
0x166: {  	v41 =	vmul.f32 $1.000000010e-01, v9;
	v31 =	vmul.f32 $1.000000010e-01, v13  }
0x167: {  	v42 =	vmul.f32 $1.000000010e-01, v19;
	v32 =	vmul.f32 $1.000000010e-01, v11  }
0x168: {  	v33 =	vbroadcast v12, $0x0;
	v43 =	vbroadcast v12, $0x1  }
0x169: {  	v10 =	vmax.f32 v10, v22;
	v44 =	vbroadcast v12, $0x2;
	v34 =	vbroadcast v12, $0x3  }
0x16a: {  	v15 =	vmax.f32 v15, v23;
	v45 =	vbroadcast v12, $0x4;
	v46 =	vbroadcast v12, $0x5  }
0x16b: {  	v16 =	vmax.f32 v16, v25;
	v47 =	vbroadcast v12, $0x6;
	v48 =	vbroadcast v12, $0x7  }
0x16c: {  	v14 =	vmax.f32 v14, v26;
	v49 =	vbroadcast v12, $0x8;
	v50 =	vbroadcast v12, $0x9  }
0x16d: {  	v8 =	vmax.f32 v8, v37;
	v52 =	vbroadcast v12, $0xB;
	v55 =	vbroadcast v12, $0xD  }
0x16e: {  	v6 =	vmax.f32 v6, v27;
	v10 =	vmul.f32 v10, v33;
	v15 =	vmul.f32 v15, v43  }
0x16f: {  	v4 =	vmax.f32 v4, v38;
	v16 =	vmul.f32 v16, v44;
	v14 =	vmul.f32 v14, v34  }
0x170: {  	v3 =	vmax.f32 v3, v28;
	v8 =	vmul.f32 v8, v45;
	v6 =	vmul.f32 v6, v46  }
0x171: {  	v2 =	vmax.f32 v2, v39;
	v4 =	vmul.f32 v4, v47;
	v3 =	vmul.f32 v3, v48  }
0x172: {  	v1 =	vmax.f32 v1, v29;
	v2 =	vmul.f32 v2, v49;
	v10 =	vmul.f32 $1.442695020e+00, v10  }
0x173: {  	v1 =	vmul.f32 v1, v50;
	v15 =	vmul.f32 $1.442695020e+00, v15  }
0x174: {  	v16 =	vmul.f32 $1.442695020e+00, v16;
	(erf) = vpow2.f32 v10  }
0x175: {  	v14 =	vmul.f32 $1.442695020e+00, v14;
	(erf) = vpow2.f32 v15  }
0x176: {  	v8 =	vmul.f32 $1.442695020e+00, v8;
	(erf) = vpow2.f32 v16  }
0x177: {  	v6 =	vmul.f32 $1.442695020e+00, v6;
	(erf) = vpow2.f32 v14  }
0x178: {  	v4 =	vmul.f32 $1.442695020e+00, v4;
	(erf) = vpow2.f32 v8  }
0x179: {  	v3 =	vmul.f32 $1.442695020e+00, v3;
	(erf) = vpow2.f32 v6  }
0x17a: {  	v2 =	vmul.f32 $1.442695020e+00, v2;
	(erf) = vpow2.f32 v4  }
0x17b: {  	(erf) = vpow2.f32 v3;
	v3 =	vbroadcast v12, $0xA  }
0x17c: {  	v51 =	vmax.f32 v5, v40;
	v57 =	vbroadcast v12, $0xE;
	v1 =	vmul.f32 $1.442695020e+00, v1  }
0x17d: {  	v53 =	vmax.f32 v7, v30;
	(erf) = vpow2.f32 v2;
	v3 =	vmul.f32 v51, v3  }
0x17e: {  	v2 =	vmul.f32 v53, v52;
	(erf) = vpow2.f32 v1  }
0x17f: {  	v1 =	vmul.f32 $1.442695020e+00, v3;
	v3 =	vbroadcast v12, $0xC  }
0x180: {  	v54 =	vmax.f32 v9, v41;
	v59 =	vbroadcast v12, $0xF;
	v2 =	vmul.f32 $1.442695020e+00, v2  }
0x181: {  	v56 =	vmax.f32 v13, v31;
	v3 =	vmul.f32 v54, v3;
	(erf) = vpow2.f32 v1  }
0x182: {  	v58 =	vpop (erf);
	v1 =	vmul.f32 v56, v55;
	(erf) = vpow2.f32 v2;
	v2 =	vmax.f32 v19, v42  }
0x183: {  	v61 =	vmax.f32 v11, v32;
	v60 =	vpop (erf);
	v3 =	vmul.f32 $1.442695020e+00, v3;
	v2 =	vmul.f32 v2, v57  }
0x184: {  	v4 =	vmul.f32 v61, v59;
	[tilespmem:s12+$0x8C0] =	vst v58;
	v62 =	vpop (erf);
	v1 =	vmul.f32 $1.442695020e+00, v1  }
0x185: {  	[tilespmem:s12+$0x8D0] =	vst v60;
	v63 =	vpop (erf);
	(erf) = vpow2.f32 v3;
	v2 =	vmul.f32 $1.442695020e+00, v2  }
0x186: {  	[tilespmem:s12+$0x8E0] =	vst v62;
	(erf) = vpow2.f32 v1;
	v1 =	vmul.f32 $1.442695020e+00, v4  }
0x187: {  	[tilespmem:s12+$0x8F0] =	vst v63;
	v3 =	vpop (erf)  }
0x188: {  	[tilespmem:s12+$0x900] =	vst v3;
	v3 =	vpop (erf);
	(erf) = vpow2.f32 v2  }
0x189: {  	[tilespmem:s12+$0x910] =	vst v3;
	v2 =	vpop (erf);
	(erf) = vpow2.f32 v1  }
0x18a: {  	v1 =	vpop (erf);
	[tilespmem:s12+$0x920] =	vst v2  }
0x18b: {  	v2 =	vpop (erf);
	[tilespmem:s12+$0x930] =	vst v1  }
0x18c: {  	v1 =	vpop (erf);
	[tilespmem:s12+$0x940] =	vst v2  }
0x18d: {  	[tilespmem:s12+$0x950] =	vst v1;
	v1 =	vpop (erf)  }
0x18e: {  	[tilespmem:s12+$0x960] =	vst v1;
	v1 =	vpop (erf)  }
0x18f: {  	[tilespmem:s12+$0x970] =	vst v1;
	v1 =	vpop (erf)  }
0x190: {  	[tilespmem:s12+$0x980] =	vst v1;
	v1 =	vpop (erf)  }
0x191: {  	[tilespmem:s12+$0x990] =	vst v1;
	v1 =	vpop (erf)  }
0x192: {  	[tilespmem:s12+$0x9A0] =	vst v1;
	v1 =	vpop (erf)  }
0x193: {  	[tilespmem:s12+$0x9B0] =	vst v1  }
0x194: {  	[spmem:s16] =	stream.indirect.scatter.add.f32 [tilespmem:s5], [sflag:$0x4], $0x10, s4, s4, $0xb8;
	[tilespmem:$0x1F3D8] =	vst v63  }
0x195: {  	_ =	swait.ge [sflag:s6], $0x2000  }
0x196: {  	[sflag:s6] =	ssyncset.done $0x0  }
0x197: {  	s0 =	simm.s32 $0xD00;
	[sflag:s6] =	ssyncadd.s32 $0xFFFFE000  }
0x198: {  	s3 =	simm.s32 $0xD00;
	s23 =	simm.s32 $0x0;
	s12 =	simm.s32 $0x40;
	v1 =	vld [tilespmem:s0+$0xFFFFFFF0]  }
.LBB2_8:
0x199: {  	p2 =	sne.s32 s12, $0xFC0;
	v2 =	vld [tilespmem:s23+$0x8C0]  }
0x19a: {  	v3 =	vld [tilespmem:s0+$0xFFFFFFD0]  }
0x19b: {  	v4 =	vld [tilespmem:s0+$0xFFFFFFC0]  }
0x19c: {  	v5 =	vld [tilespmem:s0+$0xFFFFFFE0]  }
0x19d: {  	v6 =	vld [tilespmem:s0+$0x30]  }
0x19e: {  	v7 =	vbroadcast v2, $0x0;
	v8 =	vbroadcast v2, $0x1;
	v9 =	vld [tilespmem:s0+$0x10]  }
0x19f: {  	v10 =	vbroadcast v2, $0x2;
	v11 =	vbroadcast v2, $0x3;
	v12 =	vld [tilespmem:s0+$0x0]  }
0x1a0: {  	v4 =	vmul.f32 v7, v4;
	v3 =	vmul.f32 v3, v8;
	v7 =	vld [tilespmem:s0+$0x20]  }
0x1a1: {  	v1 =	vmul.f32 v1, v11;
	v5 =	vmul.f32 v5, v10  }
0x1a2: {  	v8 =	vbroadcast v2, $0x5;
	[tilespmem:s0+$0xFFFFFFC0] =	vst v4;
	v4 =	vbroadcast v2, $0x4  }
0x1a3: {  	[tilespmem:s0+$0xFFFFFFD0] =	vst v3;
	v3 =	vbroadcast v2, $0x6;
	v2 =	vbroadcast v2, $0x7  }
0x1a4: {  	[tilespmem:s0+$0xFFFFFFE0] =	vst v5;
	v4 =	vmul.f32 v12, v4;
	v5 =	vmul.f32 v9, v8  }
.Ltmp7:
0x1a5: {  	[tilespmem:s0+$0xFFFFFFF0] =	vst v1;
	v1 =	vmul.f32 v7, v3;
	v2 =	vmul.f32 v6, v2;
	(pc) =	sbr.rel @p2 .LBB2_8-.Ltmp7, $4  }
0x1a6: {  	[tilespmem:s0+$0x0] =	vst v4  }
0x1a7: {  	[tilespmem:s0+$0x10] =	vst v5  }
0x1a8: {  	s0 =	sadd.s32 $0x80, s0;
	[tilespmem:s3+$0x20] =	vst v1  }
0x1a9: {  	s23 =	sshra.s32 s12, $0x2;
	s12 =	sadd.s32 $0x40, s12;
	v1 =	vld [tilespmem:s0+$0xFFFFFFF0];
	[tilespmem:s3+$0x30] =	vst v2;
	s3 =	smov.u32 s0  }
0x1aa: {  	v2 =	vld [tilespmem:s23+$0x8C0];
	_ =	sdelay $0x1  }
0x1ab: {  	v3 =	vld [tilespmem:s0+$0xFFFFFFC0]  }
0x1ac: {  	v4 =	vld [tilespmem:s0+$0xFFFFFFD0]  }
0x1ad: {  	v5 =	vld [tilespmem:s0+$0xFFFFFFE0]  }
0x1ae: {  	v6 =	vbroadcast v2, $0x0  }
0x1af: {  	v9 =	vld [tilespmem:s0+$0x10];
	v7 =	vbroadcast v2, $0x1  }
0x1b0: {  	v8 =	vld [tilespmem:s0+$0x0];
	v10 =	vbroadcast v2, $0x2;
	v3 =	vmul.f32 v6, v3  }
0x1b1: {  	v60 =	vld [tilespmem:s0+$0x20];
	v59 =	vbroadcast v2, $0x3;
	v4 =	vmul.f32 v4, v7  }
0x1b2: {  	v11 =	vld [tilespmem:s0+$0x30];
	v61 =	vbroadcast v2, $0x5;
	v5 =	vmul.f32 v5, v10;
	[tilespmem:s0+$0xFFFFFFC0] =	vst v3  }
0x1b3: {  	v1 =	vmul.f32 v1, v59;
	v3 =	vbroadcast v2, $0x4;
	[tilespmem:s0+$0xFFFFFFD0] =	vst v4  }
0x1b4: {  	v62 =	vbroadcast v2, $0x6;
	v63 =	vmul.f32 v9, v61;
	[tilespmem:s0+$0xFFFFFFE0] =	vst v5  }
0x1b5: {  	v2 =	vbroadcast v2, $0x7;
	[tilespmem:s0+$0xFFFFFFF0] =	vst v1;
	v3 =	vmul.f32 v8, v3  }
0x1b6: {  	v1 =	vmul.f32 v60, v62;
	[tilespmem:s0+$0x10] =	vst v63  }
0x1b7: {  	v2 =	vmul.f32 v11, v2;
	[tilespmem:s0+$0x0] =	vst v3  }
0x1b8: {  	[tilespmem:s3+$0x20] =	vst v1  }
0x1b9: {  	[tilespmem:s3+$0x30] =	vst v2  }
0x1ba: {  	[spmem:s14] =	stream.indirect.scatter.add.f32 [tilespmem:s22], [sflag:$0x5], $0x80, s4, s4, $0xb8;
	[tilespmem:$0x1F3D8] =	vst v63  }
.LBB2_11:
0x1bb: {  	p2 =	sgt.u32 s10, $0x7FFFFFFD  }
0x1bc: {  	s0 =	simm.s32 @!p2 $0x4  }
0x1bd: {  	_ =	swait.ge @!p2 [sflag:s0], $0x400  }
0x1be: {  	[sflag:s0] =	ssyncset.done @!p2 $0x0  }
0x1bf: {  	[sflag:s0] =	ssyncadd.s32 @!p2 $0xFFFFFC00;
	s0 =	simm.s32 @!p2 $0x5  }
0x1c0: {  	p3 =	sgt.u32 @!p2 s10, $0x9A;
	_ =	swait.ge @!p2 [sflag:s0], $0x2000  }
0x1c1: {  	p3 =	por p2, !p3;
	[sflag:s0] =	ssyncset.done @!p2 $0x0  }
0x1c2: {  	[sflag:s0] =	ssyncadd.s32 @!p2 $0xFFFFE000;
	s0 =	smul.u32 @p3 $0x180, s8;
	_ =	sdelay $0x1  }
0x1c3: {  	s0 =	sadd.s32 @p3 s9, s0  }
0x1c4: {  	s0 =	sshrl.u32 @p3 s0, $0x3  }
0x1c5: {  	s0 =	sadd.s32 @p3 s18, s0  }
0x1c6: {  	[tilespmem:s1], [sflag:$0xB] =	stream.linear.gather @p3 [hbm4b:s0+s1], $0xC0, $0x38;
	[tilespmem:$0x1F3D8] =	vst v63  }
0x1c7: {  	_ =	swait.ge @p3 [sflag:s11], $0xC0  }
0x1c8: {  	p2 =	sgt.s32 @!p1 s10, $0x9B;
	[sflag:s11] =	ssyncset.done @p3 $0x0  }
0x1c9: {  	p1 =	por p1, p2;
	s0 =	simm.s32 @p3 $0xC0;
	[sflag:s11] =	ssyncadd.s32 @p3 $0xFFFFFF40  }
0x1ca: {  	[tilespmem:s0], [sflag:$0x1] =	stream.indirect.gather @p3 [hbm4b:s19+s4], $0x10, s1, s4, $0xb8;
	[tilespmem:$0x1F3D8] =	vst v63  }
.Ltmp8:
0x1cb: {  	_ = 	snop;
	(pc) =	sbr.rel @p1 .LBB2_17-.Ltmp8, $4  }
0x1cc: {  	_ = 	snop  }
0x1cd: {  	[tilespmem:s24], [sflag:$0x2] =	stream.indirect.gather @p3 [hbm4b:s20+s4], $0x10, s4, s4, $0xb8;
	[tilespmem:$0x1F3D8] =	vst v63  }
0x1ce: {  	_ = 	snop  }
0x1cf: {  	[tilespmem:s22], [sflag:$0x3] =	stream.indirect.gather @p3 [hbm4b:s21+s4], $0x80, s1, s4, $0xb8;
	[tilespmem:$0x1F3D8] =	vst v63  }
0x1d0: {  	_ =	swait.ge [sflag:s25], $0x400  }
0x1d1: {  	[sflag:s25] =	ssyncset.done $0x0  }
0x1d2: {  	[sflag:s25] =	ssyncadd.s32 $0xFFFFFC00  }
0x1d3: {  	_ =	swait.ge [sflag:s26], $0x400  }
0x1d4: {  	[sflag:s26] =	ssyncset.done $0x0  }
0x1d5: {  	s0 =	simm.s32 $0x0;
	[sflag:s26] =	ssyncadd.s32 $0xFFFFFC00  }
0x1d6: {  	v2 =	vld [tilespmem:s0+$0x2D80]  }
0x1d7: {  	v3 =	vld [tilespmem:s0+$0x3180]  }
0x1d8: {  	v4 =	vld [tilespmem:s0+$0x2D90]  }
0x1d9: {  	v5 =	vld [tilespmem:s0+$0x3190]  }
0x1da: {  	v6 =	vld [tilespmem:s0+$0x2DA0]  }
0x1db: {  	v7 =	vld [tilespmem:s0+$0x31A0]  }
0x1dc: {  	v8 =	vld [tilespmem:s0+$0x2DB0]  }
0x1dd: {  	s3 =	simm.s32 $0x2D40;
	v9 =	vld [tilespmem:s0+$0x31B0]  }
0x1de: {  	v1 =	vld [tilespmem:s3+$0x0]  }
0x1df: {  	v10 =	vld [tilespmem:s0+$0x2DC0]  }
0x1e0: {  	v11 =	vld [tilespmem:s0+$0x31C0]  }
0x1e1: {  	v12 =	vld [tilespmem:s0+$0x2DD0]  }
0x1e2: {  	v13 =	vld [tilespmem:s0+$0x31D0];
	v2 =	vadd.f32 v3, v2;
	v3 =	vadd.f32 v5, v4  }
0x1e3: {  	v14 =	vld [tilespmem:s0+$0x2DE0];
	v4 =	vadd.f32 v7, v6;
	v7 =	vadd.f32 v9, v8;
	v8 =	vbroadcast v1, $0x0  }
0x1e4: {  	v15 =	vld [tilespmem:s0+$0x31E0];
	v27 =	vbroadcast v1, $0x1;
	v5 =	vmul.f32 $1.000000010e-01, v2  }
0x1e5: {  	v16 =	vld [tilespmem:s0+$0x2DF0];
	v54 =	vbroadcast v1, $0x2;
	v25 =	vmul.f32 $1.000000010e-01, v3  }
0x1e6: {  	v17 =	vld [tilespmem:s0+$0x31F0];
	v56 =	vbroadcast v1, $0x3;
	v26 =	vmul.f32 $1.000000010e-01, v4;
	v2 =	vmax.f32 v2, v5  }
0x1e7: {  	v18 =	vld [tilespmem:s0+$0x2E00];
	v10 =	vadd.f32 v11, v10;
	v3 =	vmax.f32 v3, v25;
	v2 =	vmul.f32 v2, v8  }
0x1e8: {  	v19 =	vld [tilespmem:s0+$0x3200];
	v28 =	vmul.f32 $1.000000010e-01, v7;
	v4 =	vmax.f32 v4, v26;
	v55 =	vmul.f32 v3, v27  }
0x1e9: {  	v20 =	vld [tilespmem:s0+$0x2E10];
	v4 =	vmul.f32 v4, v54;
	v2 =	vmul.f32 $1.442695020e+00, v2  }
0x1ea: {  	v21 =	vld [tilespmem:s0+$0x3210];
	v11 =	vmul.f32 $1.000000010e-01, v10;
	v26 =	vmul.f32 $1.442695020e+00, v55  }
0x1eb: {  	v22 =	vld [tilespmem:s0+$0x2E20];
	v7 =	vmax.f32 v7, v28;
	v4 =	vmul.f32 $1.442695020e+00, v4;
	(erf) = vpow2.f32 v2  }
0x1ec: {  	v23 =	vld [tilespmem:s0+$0x3220];
	v2 =	vmul.f32 v7, v56;
	v7 =	vadd.f32 v13, v12;
	(erf) = vpow2.f32 v26  }
0x1ed: {  	v24 =	vld [tilespmem:s0+$0x2E30];
	v13 =	vbroadcast v1, $0x4;
	(erf) = vpow2.f32 v4  }
0x1ee: {  	s12 =	simm.s32 $0x100;
	v29 =	vld [tilespmem:s0+$0x3250];
	v10 =	vmax.f32 v10, v11;
	v12 =	vmul.f32 $1.442695020e+00, v2;
	v60 =	vmul.f32 $1.000000010e-01, v7  }
0x1ef: {  	v30 =	vld [tilespmem:s12+$0x2D90];
	v11 =	vbroadcast v1, $0x5;
	v10 =	vmul.f32 v10, v13  }
0x1f0: {  	v31 =	vld [tilespmem:s12+$0x3190];
	(erf) = vpow2.f32 v12;
	v12 =	vadd.f32 v15, v14;
	v7 =	vmax.f32 v7, v60  }
0x1f1: {  	v61 =	vld [tilespmem:s12+$0x31A0];
	v7 =	vmul.f32 v7, v11  }
0x1f2: {  	v32 =	vld [tilespmem:s12+$0x2DB0];
	v10 =	vmul.f32 $1.442695020e+00, v10;
	v11 =	vadd.f32 v17, v16;
	v13 =	vmul.f32 $1.000000010e-01, v12  }
0x1f3: {  	v2 =	vld [tilespmem:s12+$0x2D80];
	v15 =	vbroadcast v1, $0x6;
	v7 =	vmul.f32 $1.442695020e+00, v7  }
0x1f4: {  	v4 =	vld [tilespmem:s12+$0x3180];
	v12 =	vmax.f32 v12, v13;
	v16 =	vpop (erf);
	(erf) = vpow2.f32 v10;
	v10 =	vmul.f32 $1.000000010e-01, v11  }
0x1f5: {  	v14 =	vld [tilespmem:s12+$0x2DA0];
	v13 =	vbroadcast v1, $0x7;
	v12 =	vmul.f32 v12, v15;
	[tilespmem:s0+$0x3580] =	vst v16;
	v16 =	vpop (erf)  }
0x1f6: {  	(erf) = vpow2.f32 v7;
	v7 =	vadd.f32 v19, v18;
	v33 =	vld [tilespmem:s12+$0x31B0];
	[tilespmem:s0+$0x3590] =	vst v16;
	v10 =	vmax.f32 v11, v10;
	v11 =	vpop (erf)  }
0x1f7: {  	v15 =	vbroadcast v1, $0x8;
	v12 =	vmul.f32 $1.442695020e+00, v12;
	v34 =	vld [tilespmem:s12+$0x2DC0];
	[tilespmem:s0+$0x35A0] =	vst v11;
	v11 =	vadd.f32 v21, v20  }
0x1f8: {  	v6 =	vld [tilespmem:s0+$0x3230];
	v10 =	vmul.f32 v10, v13;
	v13 =	vmul.f32 $1.000000010e-01, v7  }
0x1f9: {  	v9 =	vld [tilespmem:s0+$0x2E40];
	(erf) = vpow2.f32 v12;
	v12 =	vmul.f32 $1.000000010e-01, v11  }
0x1fa: {  	v5 =	vld [tilespmem:s0+$0x3240];
	v16 =	vpop (erf);
	v10 =	vmul.f32 $1.442695020e+00, v10;
	v7 =	vmax.f32 v7, v13  }
0x1fb: {  	v20 =	vld [tilespmem:s12+$0x31C0];
	[tilespmem:s0+$0x35B0] =	vst v16;
	v7 =	vmul.f32 v7, v15  }
0x1fc: {  	v13 =	vbroadcast v1, $0x9;
	v21 =	vld [tilespmem:s12+$0x2DD0];
	(erf) = vpow2.f32 v10;
	v10 =	vadd.f32 v23, v22  }
0x1fd: {  	v6 =	vadd.f32 v6, v24;
	v35 =	vld [tilespmem:s12+$0x31D0];
	v11 =	vmax.f32 v11, v12;
	v7 =	vmul.f32 $1.442695020e+00, v7;
	v12 =	vpop (erf)  }
0x1fe: {  	v22 =	vld [tilespmem:s12+$0x2DE0];
	v11 =	vmul.f32 v11, v13;
	[tilespmem:s0+$0x35C0] =	vst v12;
	v12 =	vmul.f32 $1.000000010e-01, v10  }
0x1ff: {  	v8 =	vld [tilespmem:s0+$0x2E50];
	(erf) = vpow2.f32 v7;
	v7 =	vmul.f32 $1.000000010e-01, v6  }
0x200: {  	v13 =	vbroadcast v1, $0xA;
	v15 =	vpop (erf)  }
0x201: {  	v11 =	vmul.f32 $1.442695020e+00, v11;
	v23 =	vld [tilespmem:s12+$0x31E0];
	[tilespmem:s0+$0x35D0] =	vst v15;
	v10 =	vmax.f32 v10, v12;
	v12 =	vbroadcast v1, $0xB  }
0x202: {  	v62 =	vld [tilespmem:s12+$0x2DF0];
	v6 =	vmax.f32 v6, v7;
	v10 =	vmul.f32 v10, v13  }
0x203: {  	v5 =	vadd.f32 v5, v9;
	(erf) = vpow2.f32 v11;
	v36 =	vld [tilespmem:s12+$0x31F0];
	v7 =	vpop (erf);
	v6 =	vmul.f32 v6, v12  }
0x204: {  	v37 =	vld [tilespmem:s12+$0x2E00];
	v9 =	vmul.f32 $1.442695020e+00, v10;
	[tilespmem:s0+$0x35E0] =	vst v7;
	v7 =	vadd.f32 v29, v8  }
0x205: {  	v57 =	vld [tilespmem:s0+$0x3260];
	v8 =	vmul.f32 $1.000000010e-01, v5;
	v6 =	vmul.f32 $1.442695020e+00, v6  }
0x206: {  	v58 =	vld [tilespmem:s0+$0x2E70];
	(erf) = vpow2.f32 v9;
	v9 =	vmul.f32 $1.000000010e-01, v7  }
0x207: {  	v59 =	vld [tilespmem:s0+$0x3270];
	v10 =	vbroadcast v1, $0xC;
	v5 =	vmax.f32 v5, v8;
	v8 =	vbroadcast v1, $0xD  }
0x208: {  	v3 =	vld [tilespmem:s0+$0x2E60];
	v11 =	vpop (erf);
	(erf) = vpow2.f32 v6;
	v6 =	vmax.f32 v7, v9  }
0x209: {  	v63 =	vld [tilespmem:s12+$0x3200];
	[tilespmem:s0+$0x35F0] =	vst v11;
	v10 =	vmul.f32 v5, v10;
	v6 =	vmul.f32 v6, v8  }
0x20a: {  	v38 =	vld [tilespmem:s12+$0x2E10]  }
0x20b: {  	v39 =	vld [tilespmem:s12+$0x3210];
	v7 =	vpop (erf);
	v8 =	vmul.f32 $1.442695020e+00, v10;
	v6 =	vmul.f32 $1.442695020e+00, v6  }
0x20c: {  	v5 =	vld [tilespmem:s12+$0x2E20];
	[tilespmem:s0+$0x3600] =	vst v7;
	v7 =	vpop (erf)  }
0x20d: {  	v11 =	vld [tilespmem:s12+$0x3220];
	(erf) = vpow2.f32 v8;
	[tilespmem:s0+$0x3610] =	vst v7  }
0x20e: {  	v3 =	vadd.f32 v57, v3;
	v7 =	vld [tilespmem:s12+$0x2E30];
	(erf) = vpow2.f32 v6  }
0x20f: {  	v8 =	vadd.f32 v59, v58;
	v12 =	vld [tilespmem:s12+$0x3230];
	v6 =	vpop (erf)  }
0x210: {  	v9 =	vld [tilespmem:s12+$0x2E40];
	[tilespmem:s0+$0x3620] =	vst v6;
	v6 =	vmul.f32 $1.000000010e-01, v3  }
0x211: {  	v16 =	vbroadcast v1, $0xE;
	v15 =	vmul.f32 $1.000000010e-01, v8  }
0x212: {  	v1 =	vbroadcast v1, $0xF;
	v3 =	vmax.f32 v3, v6  }
0x213: {  	v10 =	vpop (erf);
	v6 =	vmax.f32 v8, v15;
	v3 =	vmul.f32 v3, v16  }
0x214: {  	v17 =	vld [tilespmem:s12+$0x3240];
	[tilespmem:s0+$0x3630] =	vst v10;
	v1 =	vmul.f32 v6, v1  }
0x215: {  	v13 =	vld [tilespmem:s12+$0x2E50];
	v3 =	vmul.f32 $1.442695020e+00, v3  }
0x216: {  	v10 =	vadd.f32 v4, v2;
	v18 =	vld [tilespmem:s12+$0x3250];
	v2 =	vpop (erf);
	v1 =	vmul.f32 $1.442695020e+00, v1  }
0x217: {  	v19 =	vld [tilespmem:s12+$0x2E60];
	[tilespmem:s0+$0x3640] =	vst v2;
	v2 =	vpop (erf);
	(erf) = vpow2.f32 v3  }
0x218: {  	(erf) = vpow2.f32 v1;
	_ =	sdelay $0x2  }
0x219: {  	v4 =	vadd.f32 v23, v22  }
0x21a: {  	v15 =	vadd.f32 v31, v30;
	v8 =	vadd.f32 v20, v34  }
0x21b: {  	v16 =	vadd.f32 v61, v14;
	v14 =	vadd.f32 v33, v32  }
0x21c: {  	v6 =	vadd.f32 v35, v21;
	v20 =	vld [tilespmem:s12+$0x3260];
	v3 =	vadd.f32 v36, v62;
	[tilespmem:s0+$0x3650] =	vst v2  }
0x21d: {  	s23 =	simm.s32 $0x800;
	v2 =	vadd.f32 v63, v37;
	v1 =	vadd.f32 v39, v38;
	v21 =	vld [tilespmem:s12+$0x2E70]  }
.LBB2_13:
0x21e: {  	p1 =	sne.s32 s23, $0xC00;
	v22 =	vmul.f32 $1.000000010e-01, v10;
	v23 =	vmul.f32 $1.000000010e-01, v15;
	v24 =	vadd.f32 v11, v5;
	v25 =	vld [tilespmem:s12+$0x3270];
	v5 =	vpop (erf)  }
0x21f: {  	v26 =	vmul.f32 $1.000000010e-01, v16;
	v27 =	vmul.f32 $1.000000010e-01, v14;
	v28 =	vadd.f32 v12, v7;
	[tilespmem:s0+$0x3660] =	vst v5;
	v5 =	vpop (erf)  }
0x220: {  	v29 =	vmul.f32 $1.000000010e-01, v8;
	v30 =	vmul.f32 $1.000000010e-01, v6;
	v11 =	vadd.f32 v17, v9;
	s3 =	sadd.s32 $0x10, s3;
	[tilespmem:s0+$0x3670] =	vst v5;
	s0 =	smov.u32 s12  }
0x221: {  	v17 =	vmul.f32 $1.000000010e-01, v4;
	v31 =	vmul.f32 $1.000000010e-01, v3;
	v13 =	vadd.f32 v18, v13;
	v5 =	vld [tilespmem:s3+$0x0]  }
0x222: {  	v18 =	vmul.f32 $1.000000010e-01, v2;
	v32 =	vmul.f32 $1.000000010e-01, v1;
	v9 =	vadd.f32 v20, v19  }
0x223: {  	v19 =	vmul.f32 $1.000000010e-01, v24;
	v20 =	vmul.f32 $1.000000010e-01, v28;
	v7 =	vadd.f32 v25, v21  }
0x224: {  	v21 =	vmul.f32 $1.000000010e-01, v11;
	v25 =	vmul.f32 $1.000000010e-01, v13  }
0x225: {  	v22 =	vmax.f32 v10, v22;
	v12 =	vmul.f32 $1.000000010e-01, v9;
	v10 =	vmul.f32 $1.000000010e-01, v7  }
0x226: {  	v15 =	vmax.f32 v15, v23;
	v33 =	vbroadcast v5, $0x0;
	v23 =	vbroadcast v5, $0x1  }
0x227: {  	v16 =	vmax.f32 v16, v26;
	v26 =	vbroadcast v5, $0x2;
	v34 =	vbroadcast v5, $0x3  }
0x228: {  	v14 =	vmax.f32 v14, v27;
	v22 =	vmul.f32 v22, v33;
	v15 =	vmul.f32 v15, v23  }
0x229: {  	v16 =	vmul.f32 v16, v26;
	v14 =	vmul.f32 v14, v34  }
0x22a: {  	v22 =	vmul.f32 $1.442695020e+00, v22;
	v15 =	vmul.f32 $1.442695020e+00, v15  }
0x22b: {  	v16 =	vmul.f32 $1.442695020e+00, v16;
	v14 =	vmul.f32 $1.442695020e+00, v14  }
0x22c: {  	v23 =	vbroadcast v5, $0x4;
	(erf) = vpow2.f32 v22  }
0x22d: {  	v8 =	vmax.f32 v8, v29;
	v22 =	vbroadcast v5, $0x5;
	(erf) = vpow2.f32 v15  }
0x22e: {  	v6 =	vmax.f32 v6, v30;
	v8 =	vmul.f32 v8, v23;
	(erf) = vpow2.f32 v16  }
0x22f: {  	s12 =	sshra.s32 s23, $0x2;
	v15 =	vmul.f32 v6, v22;
	(erf) = vpow2.f32 v14  }
0x230: {  	v8 =	vmul.f32 $1.442695020e+00, v8;
	v14 =	vbroadcast v5, $0x6;
	v6 =	vld [tilespmem:s12+$0x2D80]  }
0x231: {  	v4 =	vmax.f32 v4, v17;
	v17 =	vbroadcast v5, $0x7;
	v15 =	vmul.f32 $1.442695020e+00, v15;
	v16 =	vld [tilespmem:s12+$0x3180]  }
0x232: {  	v3 =	vmax.f32 v3, v31;
	v4 =	vmul.f32 v4, v14;
	v22 =	vld [tilespmem:s12+$0x2D90];
	(erf) = vpow2.f32 v8  }
0x233: {  	v3 =	vmul.f32 v3, v17;
	v8 =	vld [tilespmem:s12+$0x3190];
	(erf) = vpow2.f32 v15  }
0x234: {  	v27 =	vbroadcast v5, $0x8;
	v4 =	vmul.f32 $1.442695020e+00, v4;
	v14 =	vld [tilespmem:s12+$0x2DA0]  }
0x235: {  	v2 =	vmax.f32 v2, v18;
	v29 =	vbroadcast v5, $0x9;
	v3 =	vmul.f32 $1.442695020e+00, v3;
	v23 =	vld [tilespmem:s12+$0x31A0];
	v18 =	vpop (erf)  }
0x236: {  	v1 =	vmax.f32 v1, v32;
	v2 =	vmul.f32 v2, v27;
	v26 =	vld [tilespmem:s12+$0x2DB0];
	[tilespmem:s0+$0x3580] =	vst v18;
	v15 =	vpop (erf);
	(erf) = vpow2.f32 v4  }
0x237: {  	v1 =	vmul.f32 v1, v29;
	v4 =	vld [tilespmem:s12+$0x31B0];
	[tilespmem:s0+$0x3590] =	vst v15;
	v15 =	vpop (erf);
	(erf) = vpow2.f32 v3  }
0x238: {  	v2 =	vmul.f32 $1.442695020e+00, v2;
	v3 =	vld [tilespmem:s12+$0x2DC0];
	[tilespmem:s0+$0x35A0] =	vst v15;
	v15 =	vbroadcast v5, $0xA;
	v17 =	vpop (erf)  }
0x239: {  	v1 =	vmul.f32 $1.442695020e+00, v1;
	v27 =	vld [tilespmem:s12+$0x31C0];
	[tilespmem:s0+$0x35B0] =	vst v17;
	v17 =	vmax.f32 v24, v19;
	v24 =	vbroadcast v5, $0xB  }
0x23a: {  	v19 =	vld [tilespmem:s12+$0x2DD0];
	v15 =	vmul.f32 v17, v15;
	v17 =	vmax.f32 v28, v20;
	(erf) = vpow2.f32 v2  }
0x23b: {  	v2 =	vld [tilespmem:s12+$0x31D0];
	v17 =	vmul.f32 v17, v24;
	v18 =	vpop (erf);
	(erf) = vpow2.f32 v1  }
0x23c: {  	v1 =	vld [tilespmem:s12+$0x2DE0];
	[tilespmem:s0+$0x35C0] =	vst v18;
	v28 =	vmul.f32 $1.442695020e+00, v15;
	v18 =	vbroadcast v5, $0xC;
	v20 =	vpop (erf)  }
0x23d: {  	v11 =	vmax.f32 v11, v21;
	v24 =	vld [tilespmem:s12+$0x31E0];
	[tilespmem:s0+$0x35D0] =	vst v20;
	v29 =	vmul.f32 $1.442695020e+00, v17;
	v20 =	vbroadcast v5, $0xD  }
0x23e: {  	v13 =	vmax.f32 v13, v25;
	v21 =	vld [tilespmem:s12+$0x2DF0];
	v11 =	vmul.f32 v11, v18;
	(erf) = vpow2.f32 v28  }
0x23f: {  	v25 =	vld [tilespmem:s12+$0x31F0];
	v13 =	vmul.f32 v13, v20;
	v15 =	vpop (erf);
	(erf) = vpow2.f32 v29  }
0x240: {  	v28 =	vld [tilespmem:s12+$0x2E00];
	[tilespmem:s0+$0x35E0] =	vst v15;
	v11 =	vmul.f32 $1.442695020e+00, v11;
	v15 =	vbroadcast v5, $0xE;
	v17 =	vpop (erf)  }
0x241: {  	v9 =	vmax.f32 v9, v12;
	v5 =	vbroadcast v5, $0xF;
	v29 =	vld [tilespmem:s12+$0x3200];
	[tilespmem:s0+$0x35F0] =	vst v17;
	v13 =	vmul.f32 $1.442695020e+00, v13  }
0x242: {  	v7 =	vmax.f32 v7, v10;
	v30 =	vld [tilespmem:s12+$0x2E10];
	v9 =	vmul.f32 v9, v15;
	(erf) = vpow2.f32 v11  }
0x243: {  	v7 =	vmul.f32 v7, v5;
	v31 =	vld [tilespmem:s12+$0x3210];
	v10 =	vpop (erf);
	(erf) = vpow2.f32 v13  }
0x244: {  	v5 =	vld [tilespmem:s12+$0x2E20];
	[tilespmem:s0+$0x3600] =	vst v10;
	v9 =	vmul.f32 $1.442695020e+00, v9;
	v10 =	vpop (erf)  }
0x245: {  	v15 =	vmul.f32 $1.442695020e+00, v7;
	v11 =	vld [tilespmem:s12+$0x3220];
	[tilespmem:s0+$0x3610] =	vst v10  }
0x246: {  	v7 =	vld [tilespmem:s12+$0x2E30];
	(erf) = vpow2.f32 v9  }
0x247: {  	v12 =	vld [tilespmem:s12+$0x3230];
	v13 =	vpop (erf);
	(erf) = vpow2.f32 v15  }
0x248: {  	v9 =	vld [tilespmem:s12+$0x2E40];
	[tilespmem:s0+$0x3620] =	vst v13;
	v10 =	vpop (erf)  }
0x249: {  	v17 =	vld [tilespmem:s12+$0x3240];
	[tilespmem:s0+$0x3630] =	vst v10  }
.Ltmp9:
0x24a: {  	v15 =	vadd.f32 v8, v22;
	v10 =	vadd.f32 v16, v6;
	v13 =	vld [tilespmem:s12+$0x2E50];
	(pc) =	sbr.rel @p1 .LBB2_13-.Ltmp9, $4  }
0x24b: {  	v16 =	vadd.f32 v23, v14;
	v14 =	vadd.f32 v4, v26;
	v18 =	vld [tilespmem:s12+$0x3250];
	v4 =	vpop (erf)  }
0x24c: {  	v8 =	vadd.f32 v27, v3;
	v6 =	vadd.f32 v2, v19;
	v19 =	vld [tilespmem:s12+$0x2E60];
	[tilespmem:s0+$0x3640] =	vst v4;
	v2 =	vpop (erf)  }
0x24d: {  	v3 =	vadd.f32 v25, v21;
	v4 =	vadd.f32 v24, v1;
	v20 =	vld [tilespmem:s12+$0x3260];
	[tilespmem:s0+$0x3650] =	vst v2  }
0x24e: {  	s23 =	sadd.s32 $0x400, s23;
	v1 =	vadd.f32 v31, v30;
	v2 =	vadd.f32 v29, v28;
	v21 =	vld [tilespmem:s12+$0x2E70]  }
0x24f: {  	v22 =	vmul.f32 $1.000000010e-01, v10  }
0x250: {  	v23 =	vmul.f32 $1.000000010e-01, v15;
	v35 =	vld [tilespmem:s12+$0x3270];
	v24 =	vpop (erf);
	v25 =	vmul.f32 $1.000000010e-01, v16  }
0x251: {  	v5 =	vadd.f32 v11, v5;
	v26 =	vmul.f32 $1.000000010e-01, v14;
	v37 =	vmul.f32 $1.000000010e-01, v8;
	[tilespmem:s0+$0x3660] =	vst v24;
	v36 =	vpop (erf)  }
0x252: {  	v7 =	vadd.f32 v12, v7;
	v27 =	vmul.f32 $1.000000010e-01, v6;
	s23 =	sadd.s32 $0x10, s3;
	v38 =	vmul.f32 $1.000000010e-01, v4;
	[tilespmem:s0+$0x3670] =	vst v36  }
0x253: {  	v9 =	vadd.f32 v17, v9;
	v28 =	vmul.f32 $1.000000010e-01, v3;
	v39 =	vmul.f32 $1.000000010e-01, v2;
	v12 =	vld [tilespmem:s23+$0x0]  }
0x254: {  	v13 =	vadd.f32 v18, v13;
	v29 =	vmul.f32 $1.000000010e-01, v1;
	v40 =	vmul.f32 $1.000000010e-01, v5  }
0x255: {  	v30 =	vmul.f32 $1.000000010e-01, v7;
	v19 =	vadd.f32 v20, v19;
	v11 =	vadd.f32 v35, v21  }
0x256: {  	v41 =	vmul.f32 $1.000000010e-01, v9;
	v31 =	vmul.f32 $1.000000010e-01, v13  }
0x257: {  	v42 =	vmul.f32 $1.000000010e-01, v19;
	v32 =	vmul.f32 $1.000000010e-01, v11  }
0x258: {  	v33 =	vbroadcast v12, $0x0;
	v43 =	vbroadcast v12, $0x1  }
0x259: {  	v10 =	vmax.f32 v10, v22;
	v44 =	vbroadcast v12, $0x2;
	v34 =	vbroadcast v12, $0x3  }
0x25a: {  	v15 =	vmax.f32 v15, v23;
	v45 =	vbroadcast v12, $0x4;
	v46 =	vbroadcast v12, $0x5  }
0x25b: {  	v16 =	vmax.f32 v16, v25;
	v47 =	vbroadcast v12, $0x6;
	v48 =	vbroadcast v12, $0x7  }
0x25c: {  	v14 =	vmax.f32 v14, v26;
	v49 =	vbroadcast v12, $0x8;
	v50 =	vbroadcast v12, $0x9  }
0x25d: {  	v8 =	vmax.f32 v8, v37;
	v52 =	vbroadcast v12, $0xB;
	v55 =	vbroadcast v12, $0xD  }
0x25e: {  	v6 =	vmax.f32 v6, v27;
	v10 =	vmul.f32 v10, v33;
	v15 =	vmul.f32 v15, v43  }
0x25f: {  	v4 =	vmax.f32 v4, v38;
	v16 =	vmul.f32 v16, v44;
	v14 =	vmul.f32 v14, v34  }
0x260: {  	v3 =	vmax.f32 v3, v28;
	v8 =	vmul.f32 v8, v45;
	v6 =	vmul.f32 v6, v46  }
0x261: {  	v2 =	vmax.f32 v2, v39;
	v4 =	vmul.f32 v4, v47;
	v3 =	vmul.f32 v3, v48  }
0x262: {  	v1 =	vmax.f32 v1, v29;
	v2 =	vmul.f32 v2, v49;
	v10 =	vmul.f32 $1.442695020e+00, v10  }
0x263: {  	v1 =	vmul.f32 v1, v50;
	v15 =	vmul.f32 $1.442695020e+00, v15  }
0x264: {  	v16 =	vmul.f32 $1.442695020e+00, v16;
	(erf) = vpow2.f32 v10  }
0x265: {  	v14 =	vmul.f32 $1.442695020e+00, v14;
	(erf) = vpow2.f32 v15  }
0x266: {  	v8 =	vmul.f32 $1.442695020e+00, v8;
	(erf) = vpow2.f32 v16  }
0x267: {  	v6 =	vmul.f32 $1.442695020e+00, v6;
	(erf) = vpow2.f32 v14  }
0x268: {  	v4 =	vmul.f32 $1.442695020e+00, v4;
	(erf) = vpow2.f32 v8  }
0x269: {  	v3 =	vmul.f32 $1.442695020e+00, v3;
	(erf) = vpow2.f32 v6  }
0x26a: {  	v2 =	vmul.f32 $1.442695020e+00, v2;
	(erf) = vpow2.f32 v4  }
0x26b: {  	(erf) = vpow2.f32 v3;
	v3 =	vbroadcast v12, $0xA  }
0x26c: {  	v51 =	vmax.f32 v5, v40;
	v57 =	vbroadcast v12, $0xE;
	v1 =	vmul.f32 $1.442695020e+00, v1  }
0x26d: {  	v53 =	vmax.f32 v7, v30;
	(erf) = vpow2.f32 v2;
	v3 =	vmul.f32 v51, v3  }
0x26e: {  	v2 =	vmul.f32 v53, v52;
	(erf) = vpow2.f32 v1  }
0x26f: {  	v1 =	vmul.f32 $1.442695020e+00, v3;
	v3 =	vbroadcast v12, $0xC  }
0x270: {  	v54 =	vmax.f32 v9, v41;
	v59 =	vbroadcast v12, $0xF;
	v2 =	vmul.f32 $1.442695020e+00, v2  }
0x271: {  	v56 =	vmax.f32 v13, v31;
	v3 =	vmul.f32 v54, v3;
	(erf) = vpow2.f32 v1  }
0x272: {  	v58 =	vpop (erf);
	v1 =	vmul.f32 v56, v55;
	(erf) = vpow2.f32 v2;
	v2 =	vmax.f32 v19, v42  }
0x273: {  	v61 =	vmax.f32 v11, v32;
	v60 =	vpop (erf);
	v3 =	vmul.f32 $1.442695020e+00, v3;
	v2 =	vmul.f32 v2, v57  }
0x274: {  	v4 =	vmul.f32 v61, v59;
	[tilespmem:s12+$0x3580] =	vst v58;
	v62 =	vpop (erf);
	v1 =	vmul.f32 $1.442695020e+00, v1  }
0x275: {  	[tilespmem:s12+$0x3590] =	vst v60;
	v63 =	vpop (erf);
	(erf) = vpow2.f32 v3;
	v2 =	vmul.f32 $1.442695020e+00, v2  }
0x276: {  	[tilespmem:s12+$0x35A0] =	vst v62;
	(erf) = vpow2.f32 v1;
	v1 =	vmul.f32 $1.442695020e+00, v4  }
0x277: {  	[tilespmem:s12+$0x35B0] =	vst v63;
	v3 =	vpop (erf)  }
0x278: {  	[tilespmem:s12+$0x35C0] =	vst v3;
	v3 =	vpop (erf);
	(erf) = vpow2.f32 v2  }
0x279: {  	[tilespmem:s12+$0x35D0] =	vst v3;
	v2 =	vpop (erf);
	(erf) = vpow2.f32 v1  }
0x27a: {  	v1 =	vpop (erf);
	[tilespmem:s12+$0x35E0] =	vst v2  }
0x27b: {  	v2 =	vpop (erf);
	[tilespmem:s12+$0x35F0] =	vst v1  }
0x27c: {  	v1 =	vpop (erf);
	[tilespmem:s12+$0x3600] =	vst v2  }
0x27d: {  	[tilespmem:s12+$0x3610] =	vst v1;
	v1 =	vpop (erf)  }
0x27e: {  	[tilespmem:s12+$0x3620] =	vst v1;
	v1 =	vpop (erf)  }
0x27f: {  	[tilespmem:s12+$0x3630] =	vst v1;
	v1 =	vpop (erf)  }
0x280: {  	[tilespmem:s12+$0x3640] =	vst v1;
	v1 =	vpop (erf)  }
0x281: {  	[tilespmem:s12+$0x3650] =	vst v1;
	v1 =	vpop (erf)  }
0x282: {  	[tilespmem:s12+$0x3660] =	vst v1;
	v1 =	vpop (erf)  }
0x283: {  	[tilespmem:s12+$0x3670] =	vst v1  }
0x284: {  	[spmem:s16] =	stream.indirect.scatter.add.f32 [tilespmem:s29], [sflag:$0x9], $0x10, s28, s4, $0xb8;
	[tilespmem:$0x1F3D8] =	vst v63  }
0x285: {  	_ =	swait.ge [sflag:s30], $0x2000  }
0x286: {  	[sflag:s30] =	ssyncset.done $0x0  }
0x287: {  	s0 =	simm.s32 $0x39C0;
	[sflag:s30] =	ssyncadd.s32 $0xFFFFE000  }
0x288: {  	s3 =	simm.s32 $0x39C0;
	s23 =	simm.s32 $0x0;
	s12 =	simm.s32 $0x40;
	v1 =	vld [tilespmem:s0+$0xFFFFFFF0]  }
.LBB2_15:
0x289: {  	p1 =	sne.s32 s12, $0xFC0;
	v2 =	vld [tilespmem:s23+$0x3580]  }
0x28a: {  	v3 =	vld [tilespmem:s0+$0xFFFFFFD0]  }
0x28b: {  	v4 =	vld [tilespmem:s0+$0xFFFFFFC0]  }
0x28c: {  	v5 =	vld [tilespmem:s0+$0xFFFFFFE0]  }
0x28d: {  	v6 =	vld [tilespmem:s0+$0x30]  }
0x28e: {  	v7 =	vbroadcast v2, $0x0;
	v8 =	vbroadcast v2, $0x1;
	v9 =	vld [tilespmem:s0+$0x10]  }
0x28f: {  	v10 =	vbroadcast v2, $0x2;
	v11 =	vbroadcast v2, $0x3;
	v12 =	vld [tilespmem:s0+$0x0]  }
0x290: {  	v4 =	vmul.f32 v7, v4;
	v3 =	vmul.f32 v3, v8;
	v7 =	vld [tilespmem:s0+$0x20]  }
0x291: {  	v1 =	vmul.f32 v1, v11;
	v5 =	vmul.f32 v5, v10  }
0x292: {  	v8 =	vbroadcast v2, $0x5;
	[tilespmem:s0+$0xFFFFFFC0] =	vst v4;
	v4 =	vbroadcast v2, $0x4  }
0x293: {  	[tilespmem:s0+$0xFFFFFFD0] =	vst v3;
	v3 =	vbroadcast v2, $0x6;
	v2 =	vbroadcast v2, $0x7  }
0x294: {  	[tilespmem:s0+$0xFFFFFFE0] =	vst v5;
	v4 =	vmul.f32 v12, v4;
	v5 =	vmul.f32 v9, v8  }
.Ltmp10:
0x295: {  	[tilespmem:s0+$0xFFFFFFF0] =	vst v1;
	v1 =	vmul.f32 v7, v3;
	v2 =	vmul.f32 v6, v2;
	(pc) =	sbr.rel @p1 .LBB2_15-.Ltmp10, $4  }
0x296: {  	[tilespmem:s0+$0x0] =	vst v4  }
0x297: {  	[tilespmem:s0+$0x10] =	vst v5  }
0x298: {  	s0 =	sadd.s32 $0x80, s0;
	[tilespmem:s3+$0x20] =	vst v1  }
0x299: {  	s23 =	sshra.s32 s12, $0x2;
	s12 =	sadd.s32 $0x40, s12;
	v1 =	vld [tilespmem:s0+$0xFFFFFFF0];
	[tilespmem:s3+$0x30] =	vst v2;
	s3 =	smov.u32 s0  }
0x29a: {  	v2 =	vld [tilespmem:s23+$0x3580];
	_ =	sdelay $0x1  }
0x29b: {  	v3 =	vld [tilespmem:s0+$0xFFFFFFC0]  }
0x29c: {  	v4 =	vld [tilespmem:s0+$0xFFFFFFD0]  }
0x29d: {  	v5 =	vld [tilespmem:s0+$0xFFFFFFE0]  }
0x29e: {  	v6 =	vbroadcast v2, $0x0  }
0x29f: {  	v9 =	vld [tilespmem:s0+$0x10];
	v7 =	vbroadcast v2, $0x1  }
0x2a0: {  	v8 =	vld [tilespmem:s0+$0x0];
	v10 =	vbroadcast v2, $0x2;
	v3 =	vmul.f32 v6, v3  }
0x2a1: {  	v60 =	vld [tilespmem:s0+$0x20];
	v59 =	vbroadcast v2, $0x3;
	v4 =	vmul.f32 v4, v7  }
0x2a2: {  	v11 =	vld [tilespmem:s0+$0x30];
	v61 =	vbroadcast v2, $0x5;
	v5 =	vmul.f32 v5, v10;
	[tilespmem:s0+$0xFFFFFFC0] =	vst v3  }
0x2a3: {  	v1 =	vmul.f32 v1, v59;
	v3 =	vbroadcast v2, $0x4;
	[tilespmem:s0+$0xFFFFFFD0] =	vst v4  }
0x2a4: {  	v62 =	vbroadcast v2, $0x6;
	v63 =	vmul.f32 v9, v61;
	[tilespmem:s0+$0xFFFFFFE0] =	vst v5  }
0x2a5: {  	v2 =	vbroadcast v2, $0x7;
	[tilespmem:s0+$0xFFFFFFF0] =	vst v1;
	v3 =	vmul.f32 v8, v3  }
.Ltmp11:
0x2a6: {  	v1 =	vmul.f32 v60, v62;
	[tilespmem:s0+$0x10] =	vst v63;
	(pc) =	sbr.rel .LBB2_18-.Ltmp11, $4  }
0x2a7: {  	v2 =	vmul.f32 v11, v2;
	[tilespmem:s0+$0x0] =	vst v3  }
0x2a8: {  	[tilespmem:s3+$0x20] =	vst v1  }
0x2a9: {  	[tilespmem:s3+$0x30] =	vst v2  }
0x2aa: {  	[spmem:s14] =	stream.indirect.scatter.add.f32 [tilespmem:s31], [sflag:$0xA], $0x80, s28, s4, $0xb8;
	[tilespmem:$0x1F3D8] =	vst v63  }
.LBB2_10:
0x2ab: {  	p2 =	sgt.s32 s10, $0x9C  }
.Ltmp12:
0x2ac: {  	_ = 	snop;
	(pc) =	sbr.rel @p2 .LBB2_19-.Ltmp12, $4  }
.Ltmp13:
0x2ad: {  	_ = 	snop;
	(pc) =	sbr.rel @!p2 .LBB2_11-.Ltmp13, $4  }
0x2ae: {  	_ = 	snop  }
0x2af: {  	_ = 	snop  }
0x2b0: {  	_ = 	snop  }
0x2b1: {  	_ = 	snop  }
.LBB2_17:
0x2b2: {  	p1 =	sgt.s32 s10, $0x9B  }
.Ltmp14:
0x2b3: {  	_ = 	snop;
	(pc) =	sbr.rel @p1 .LBB2_19-.Ltmp14, $4  }
.Ltmp15:
0x2b4: {  	_ = 	snop;
	(pc) =	sbr.rel @!p1 .LBB2_18-.Ltmp15, $4  }
0x2b5: {  	_ = 	snop  }
0x2b6: {  	_ = 	snop  }
0x2b7: {  	_ = 	snop  }
0x2b8: {  	_ = 	snop  }
.LBB2_21:
0x2b9: {  	_ =	sfence.sel $0x180000  }
0x2ba: {  	[bflag:$0x0] =	sbarrier.arrive $0xFFFF  }
0x2bb: {  	_ =	strace $0x90000047  }
0x2bc: {  	s0 =	stileid.u32;
	[bflag:$0x2] =	sbarrier.arrive $0xFFFF  }
0x2bd: {  	p0 =	sne.s32 s0, $0x0;
	s0 =	rddreg [dreg:$0x4]  }
0x2be: {  	s0 =	sadd.s32 @!p0 $0x100000, s0  }
0x2bf: {  	[sflag:s0] =	ssyncadd.tile.s32 @!p0 $0x1;
	_ =	shalt  }
.Lfunc_end2:
_tile_overlayer_lowered:
.L_overlay_start_2:
0x2c0: {  	(tag) =	ssettag $0x2  }
0x2c1: {  	s0 =	rddreg [dreg:$0x0];
	s2 =	stileid.u32  }
0x2c2: {  	s1 =	rddreg [dreg:$0x1];
	p0 =	sne.s32 s2, $0x0  }
0x2c3: {  	s3 =	rddreg [dreg:$0x2];
	[bflag:$0x3] =	sbarrier.arrive $0xFFFF;
	s2 =	simm.s32 @!p0 $0x1C0B  }
0x2c4: {  	[timem:s3], [sflag:s2] =	dma.local @!p0 [hbm:s0], s1  }
0x2c5: {  	s0 =	simm.s32 @!p0 $0xB  }
0x2c6: {  	_ =	swait.ge @!p0 [sflag:s0], s1  }
0x2c7: {  	s1 =	ssub.s32 @!p0 $0x0, s1;
	[sflag:s0] =	ssyncset.done @!p0 $0x0  }
0x2c8: {  	[sflag:s0] =	ssyncadd.s32 @!p0 s1  }
0x2c9: {  	[bflag:$0x3] =	sbarrier.arrive $0xFFFF  }
0x2ca: {  	_ =	shalt  }

// kernel: sparse-core-data-format-call.cloned.1.call-start
scs
called_computation_lowered:
.L_overlay_start_0:
0x0: {  	s2 =	sld [smem:$0x3FD9]  }
0x1: {  	s3 =	sld [smem:$0x3FFE];
	_ =	sdelay $0x1  }
0x2: {  	s1 =	srdreg.scid  }
0x3: {  	s0 =	sand.u32 $0x1, s1  }
0x4: {  	s18 =	sshll.u32 s0, $0xA;
	s2 =	sadd.s32 s3, s2  }
0x5: {  	s2 =	sadd.s32 s2, s18  }
0x6: {  	[smem:$0x3FBF] =	sst s2  }
0x7: {  	_ = 	snop  }
0x8: {  	s2 =	sld [smem:$0x3FD0];
	(tm) =	ssettm $0x1  }
0x9: {  	s19 =	sld [smem:$0x3FFB];
	_ =	sdelay $0x3  }
0xa: {  	_ =	strace s19  }
0xb: {  	s3 =	sld [smem:$0x3FFC];
	_ =	sdelay $0x3  }
0xc: {  	_ =	strace s3  }
0xd: {  	s3 =	sld [smem:$0x3FFD];
	_ =	sdelay $0x3  }
0xe: {  	_ =	strace s3  }
0xf: {  	_ =	strace $0x8FFFFFFF  }
0x10: {  	s20 =	sld [smem:$0x3FDB];
	_ =	sdelay $0x1  }
0x11: {  	s4 =	simm.s32 $_scs_section_size  }
0x12: {  	s5 =	simm.s32 $_size__tile_overlayer_lowered;
	s6 =	simm.s32 $_tile_overlayer_lowered  }
0x13: {  	s23 =	simm.s32 $0x1BFF;
	s22 =	sshll.u32 s6, $0x1;
	s3 =	sadd.s32 s4, s20  }
0x14: {  	s7 =	simm.s32 $0x0;
	s21 =	sshll.u32 s5, $0x1;
	s5 =	sadd.s32 s22, s3  }
0x15: {  	[timem:s7], [sflag:s23] =	dma.local [hbm:s5], s21  }
0x16: {  	_ =	swait.ge [sflag:s23], s21  }
0x17: {  	s4 =	ssub.s32 $0x0, s21;
	[sflag:s23] =	ssyncset.done $0x0  }
0x18: {  	[sflag:s23] =	ssyncadd.s32 s4;
	_ =	sdelay $0x1  }
0x19: {  	s24 =	simm.s32 $0x1B8B  }
0x1a: {  	_ =	swait.ge [sflag:s24], $0x1  }
0x1b: {  	[sflag:s24] =	ssyncset.done $0x0  }
0x1c: {  	s26 =	simm.s32 $0x1B8E;
	s25 =	sld [smem:$0x3FFE];
	[sflag:s24] =	ssyncadd.s32 $0xFFFFFFFF  }
0x1d: {  	s27 =	simm.s32 $execute0_lowered;
	[smem:$0x3FD2] =	sst s26  }
0x1e: {  	s5 =	sshll.u32 s27, $0x1;
	_ =	strace $0x80000049;
	[dreg:$0x1] =	wrdreg $0xFFFFFFFF  }
0x1f: {  	s28 =	simm.s32 $_size_execute0_lowered;
	s3 =	sadd.s32 s3, s5;
	[dreg:$0x0] =	wrdreg $0x0  }
0x20: {  	s5 =	sshll.u32 s28, $0x1;
	[dreg:$0x2] =	wrdreg s3  }
0x21: {  	[dreg:$0x3] =	wrdreg s5  }
0x22: {  	[dreg:$0x4] =	wrdreg $0xC0  }
0x23: {  	_ =	task [dreg:s7], $0x5FFFF  }
0x24: {  	[dreg:$0x1] =	wrdreg $0xFFFFFFFF  }
0x25: {  	[dreg:$0x0] =	wrdreg $0x60  }
0x26: {  	[dreg:$0x2] =	wrdreg s25  }
0x27: {  	[dreg:$0x3] =	wrdreg s2  }
0x28: {  	[dreg:$0x4] =	wrdreg $0x9  }
0x29: {  	_ =	task.clear_ibuf [dreg:s7], $0x5FFFF;
	_ =	strace $0x90000049  }
0x2a: {  	s29 =	simm.s32 $0x9;
	_ =	strace $0x8000004B  }
0x2b: {  	_ =	swait.ge [sflag:s29], $0x1  }
0x2c: {  	[sflag:s29] =	ssyncadd.s32 $0xFFFFFFFF  }
0x2d: {  	_ =	strace $0x9000004B  }
0x2e: {  	_ =	sfence  }
0x2f: {  	s30 =	sld [smem:$0x0];
	_ =	sdelay $0x2  }
0x30: {  	s31 =	sshll.u32 s1, $0xD;
	s1 =	sshrl.u32 s1, $0x2  }
0x31: {  	s3 =	sand.u32 $0x4000, s31;
	s1 =	sadd.s32 s1, s30  }
0x32: {  	s0 =	sor.u32 s3, s0;
	s1 =	sshll.u32 s1, $0x11  }
0x33: {  	s0 =	sor.u32 s1, s0  }
0x34: {  	s0 =	sadd.s32 $0x8F2B, s0  }
0x35: {  	[sflag:s0] =	ssyncadd.remote.s32 $0x1  }
0x36: {  	_ =	sfence.sel $0xFFFF  }
0x37: {  	[dreg:$0x0] =	wrdreg $0xFFFFFFFF;
	(pc) =	sbr.abs _section_cstart, $3  }
0x38: {  	[dreg:$0x1] =	wrdreg $0xFFFFFFFF  }
0x39: {  	_ =	task.clear_ibuf [dreg:s7], $0x2FFFF;
	_ =	strace $0x9FFFFFFF  }
0x3a: {  	(tm) =	ssettm $0x7FFFFFFF  }
0x3b: {  	_ =	shalt  }
tec
execute0_lowered:
.L_overlay_start_1:
0x0: {  	(tag) =	ssettag $0x1  }
0x1: {  	s0 =	srdreg.scid  }
0x2: {  	s1 =	sshll.u32 s0, $0x4  }
0x3: {  	s4 =	rddreg [dreg:$0x0];
	s0 =	stileid.u32;
	s1 =	sand.u32 $0x10, s1  }
0x4: {  	s2 =	rddreg [dreg:$0x1];
	s7 =	simm.s32 $0x1;
	s1 =	sor.u32 s0, s1  }
0x5: {  	s8 =	simm.s32 $0x2;
	s9 =	simm.s32 $0x0;
	s3 =	sshll.u32 s1, $0x1  }
0x6: {  	s12 =	simm.s32 $0x0;
	s11 =	simm.s32 $0x0;
	s6 =	ssub.s32 $0x4E2, s3  }
.Ltmp0:
0x7: {  	s4 =	sadd.s32 $0x1A00, s4;
	s5 =	sand.u32 $0x3E, s6;
	(pc) =	sbr.rel .LBB1_1-.Ltmp0, $4  }
0x8: {  	s1 =	rddreg [dreg:$0x2];
	_ =	strace $0x8000004A;
	p0 =	sne.s32 s5, $0x0  }
0x9: {  	s6 =	sshrl.u32 s6, $0x6;
	s5 =	simm.s32 $0x1;
	s7 =	simm.s32 @!p0 $0x0  }
0xa: {  	s10 =	smov.u32 s3;
	[sflag:s5] =	ssyncpa.u1 $0x0;
	s6 =	sadd.s32 s7, s6  }
0xb: {  	[sflag:s8] =	ssyncpa.u1 $0x0;
	s8 =	simm.s32 $0x0;
	s7 =	sadd.s32 $0x1, s6  }
.LBB1_9:
0xc: {  	s14 =	sadd.s32 $0x40, s10  }
0xd: {  	p1 =	sgt.s32 s14, $0x4E1  }
0xe: {  	s14 =	smov.u32 @p1 s3;
	p1 =	sne.s32 s11, s7  }
.Ltmp1:
0xf: {  	p0 =	slt.u32 s11, $0x2;
	(pc) =	sbr.rel @!p1 .LBB1_10-.Ltmp1, $4  }
0x10: {  	s13 =	simm.s32 @!p0 $0x2  }
0x11: {  	s15 =	sadd.s32 $0x1, s11;
	_ =	swait.ge @!p0 [sflag:s13], $0x4000  }
0x12: {  	s12 =	smov.u32 s10;
	s9 =	sadd.s32 $0x4000, s9;
	[sflag:s13] =	ssyncset.done @!p0 $0x0  }
0x13: {  	s11 =	smov.u32 s15;
	s10 =	smov.u32 s14;
	[sflag:s13] =	ssyncadd.s32 @!p0 $0xFFFFC000  }
.LBB1_1:
0x14: {  	p0 =	sge.u32 s11, s6  }
0x15: {  	s13 =	sxor.u32 @!p0 $0xFFFFFFFF, s11  }
0x16: {  	s31 =	sadd.s32 $0xFFFFFFFF, s11;
	s14 =	sshll.u32 @!p0 s10, $0xA;
	s13 =	sshll.u32 @!p0 s13, $0xE  }
0x17: {  	s15 =	simm.s32 @!p0 $0x0;
	s14 =	sadd.s32 @!p0 s4, s14;
	s13 =	sand.u32 @!p0 $0x4000, s13  }
0x18: {  	[tilespmem:s13], [sflag:$0x1] =	stream.linear.gather @!p0 [hbm4b:s14+s15], $0x4000, $0x38;
	[tilespmem:$0x10000] =	vst v63  }
0x19: {  	p0 =	sge.u32 s31, s6  }
.Ltmp2:
0x1a: {  	_ = 	snop;
	(pc) =	sbr.rel @p0 .LBB1_9-.Ltmp2, $1  }
0x1b: {  	_ =	sdelay $0x3  }
0x1c: {  	s13 =	sshll.u32 s9, $0x2  }
0x1d: {  	_ =	swait.ge [sflag:s5], $0x4000;
	s14 =	sshll.u32 s11, $0xE;
	s16 =	simm.s32 $0x0  }
0x1e: {  	p1 =	por $0x1, $0x1;
	s13 =	sand.u32 $0x10000, s13;
	[sflag:s5] =	ssyncset.done $0x0  }
0x1f: {  	s14 =	sand.u32 $0x4000, s14;
	s15 =	sshrl.u32 s13, $0x2;
	[sflag:s5] =	ssyncadd.s32 $0xFFFFC000  }
0x20: {  	s13 =	sor.u32 $0x8000, s14;
	s14 =	sadd.s32 $0x8040, s15;
	s15 =	sadd.s32 $0x40, s15  }
.LBB1_3:
0x21: {  	s16 =	sshll.u32 s16, $0x2  }
0x22: {  	p0 =	por p1, p1;
	s17 =	sshra.s32 s16, $0x2  }
0x23: {  	s18 =	simm.s32 $0x0;
	s16 =	sadd.s32 s17, s14;
	s17 =	sadd.s32 s17, s15  }
.LBB1_4:
0x24: {  	v0 =	vmov s17;
	_ =	sdelay $0x3  }
0x25: {  	s20 =	simm.s32 $0x0  }
0x26: {  	v6 =	vld.idx.msk [tilespmem:v0+s20+$0x30 ss:$0x1], $0xffff  }
0x27: {  	v7 =	vld.idx.msk [tilespmem:v0+s20+$0xFFFFFFC0 ss:$0x1], $0xffff  }
0x28: {  	v5 =	vld.idx.msk [tilespmem:v0+s20+$0xFFFFFFD0 ss:$0x1], $0xffff  }
0x29: {  	v4 =	vld.idx.msk [tilespmem:v0+s20+$0xFFFFFFE0 ss:$0x1], $0xffff  }
0x2a: {  	v3 =	vld.idx.msk [tilespmem:v0+s20+$0xFFFFFFF0 ss:$0x1], $0xffff  }
0x2b: {  	v1 =	vld.idx.msk [tilespmem:v0+s20+$0x0 ss:$0x1], $0xffff  }
0x2c: {  	v2 =	vld.idx.msk [tilespmem:v0+s20+$0x10 ss:$0x1], $0xffff;
	[tilespmem:s16+$0x30] =	vst v6  }
0x2d: {  	s19 =	simm.s32 $0x80;
	s21 =	simm.s32 $0x400;
	[tilespmem:s16+$0xFFFFFFC0] =	vst v7;
	v6 =	vld.idx.msk [tilespmem:v0+s20+$0x20 ss:$0x1], $0xffff;
	s20 =	smov.u32 s16  }
.LBB1_5:
0x2e: {  	p1 =	sne.s32 s21, $0xE00;
	v7 =	vld.idx.msk [tilespmem:v0+s19+$0x30 ss:$0x1], $0xffff;
	[tilespmem:s20+$0xFFFFFFD0] =	vst v5  }
0x2f: {  	v8 =	vld.idx.msk [tilespmem:v0+s19+$0xFFFFFFC0 ss:$0x1], $0xffff;
	[tilespmem:s20+$0xFFFFFFE0] =	vst v4  }
0x30: {  	v5 =	vld.idx.msk [tilespmem:v0+s19+$0xFFFFFFD0 ss:$0x1], $0xffff;
	[tilespmem:s20+$0xFFFFFFF0] =	vst v3  }
.Ltmp3:
0x31: {  	v4 =	vld.idx.msk [tilespmem:v0+s19+$0xFFFFFFE0 ss:$0x1], $0xffff;
	[tilespmem:s20+$0x0] =	vst v1;
	(pc) =	sbr.rel @p1 .LBB1_5-.Ltmp3, $4  }
0x32: {  	v3 =	vld.idx.msk [tilespmem:v0+s19+$0xFFFFFFF0 ss:$0x1], $0xffff;
	[tilespmem:s20+$0x10] =	vst v2  }
0x33: {  	v1 =	vld.idx.msk [tilespmem:v0+s19+$0x0 ss:$0x1], $0xffff;
	[tilespmem:s20+$0x20] =	vst v6;
	s20 =	sadd.s32 $0x400, s20  }
0x34: {  	v2 =	vld.idx.msk [tilespmem:v0+s19+$0x10 ss:$0x1], $0xffff;
	[tilespmem:s20+$0x30] =	vst v7  }
0x35: {  	[tilespmem:s20+$0xFFFFFFC0] =	vst v8;
	v6 =	vld.idx.msk [tilespmem:v0+s19+$0x20 ss:$0x1], $0xffff;
	s19 =	sshra.s32 s21, $0x2;
	s21 =	sadd.s32 $0x200, s21  }
0x36: {  	_ =	sdelay $0x2  }
0x37: {  	[tilespmem:s20+$0xFFFFFFD0] =	vst v5  }
0x38: {  	v56 =	vld.idx.msk [tilespmem:v0+s19+$0x30 ss:$0x1], $0xffff;
	[tilespmem:s20+$0xFFFFFFE0] =	vst v4  }
0x39: {  	v57 =	vld.idx.msk [tilespmem:v0+s19+$0xFFFFFFC0 ss:$0x1], $0xffff;
	[tilespmem:s20+$0xFFFFFFF0] =	vst v3  }
0x3a: {  	v58 =	vld.idx.msk [tilespmem:v0+s19+$0xFFFFFFD0 ss:$0x1], $0xffff;
	[tilespmem:s20+$0x0] =	vst v1  }
0x3b: {  	v59 =	vld.idx.msk [tilespmem:v0+s19+$0xFFFFFFE0 ss:$0x1], $0xffff;
	[tilespmem:s20+$0x10] =	vst v2  }
0x3c: {  	v60 =	vld.idx.msk [tilespmem:v0+s19+$0xFFFFFFF0 ss:$0x1], $0xffff;
	s31 =	sadd.s32 $0x400, s20;
	[tilespmem:s20+$0x20] =	vst v6  }
0x3d: {  	v61 =	vld.idx.msk [tilespmem:v0+s19+$0x0 ss:$0x1], $0xffff;
	[tilespmem:s31+$0x30] =	vst v56  }
0x3e: {  	v62 =	vld.idx.msk [tilespmem:v0+s19+$0x10 ss:$0x1], $0xffff;
	s18 =	sadd.s32 $0x1, s18;
	[tilespmem:s31+$0xFFFFFFC0] =	vst v57  }
0x3f: {  	v63 =	vld.idx.msk [tilespmem:v0+s19+$0x20 ss:$0x1], $0xffff;
	p1 =	sne.s32 s18, $0x8;
	[tilespmem:s31+$0xFFFFFFD0] =	vst v58  }
.Ltmp4:
0x40: {  	[tilespmem:s31+$0xFFFFFFE0] =	vst v59;
	(pc) =	sbr.rel @p1 .LBB1_4-.Ltmp4, $4  }
0x41: {  	[tilespmem:s31+$0xFFFFFFF0] =	vst v60  }
0x42: {  	[tilespmem:s31+$0x0] =	vst v61  }
0x43: {  	[tilespmem:s31+$0x10] =	vst v62  }
0x44: {  	s16 =	sadd.s32 $0x80, s16;
	s17 =	sadd.s32 $0x400, s17;
	[tilespmem:s31+$0x20] =	vst v63  }
.Ltmp5:
0x45: {  	(pc) =	sbr.rel @p0 .LBB1_3-.Ltmp5, $2  }
0x46: {  	_ =	sdelay $0x2  }
0x47: {  	s16 =	simm.s32 $0x2000;
	p1 =	por $0x0, $0x0  }
.Ltmp6:
0x48: {  	(pc) =	sbr.rel .LBB1_9-.Ltmp6, $4  }
0x49: {  	_ = 	snop  }
0x4a: {  	s12 =	sshll.u32 s12, $0xA  }
0x4b: {  	s12 =	sadd.s32 s2, s12  }
0x4c: {  	[hbm4b:s12+s8] =	stream.linear.scatter [tilespmem:s13], [sflag:$0x2], $0x4000, $0x38;
	[tilespmem:$0x10000] =	vst v63  }
.LBB1_10:
0x4d: {  	_ =	sfence.sel $0x180000  }
0x4e: {  	s2 =	simm.s32 $0x1;
	[bflag:$0x0] =	sbarrier.arrive $0xFFFF  }
0x4f: {  	s31 =	simm.s32 $0x2;
	[sflag:s2] =	ssyncpa.u1 $0x1  }
0x50: {  	[sflag:s31] =	ssyncpa.u1 $0x1  }
0x51: {  	p0 =	sne.s32 s0, $0x0;
	_ =	strace $0x9000004A  }
0x52: {  	s0 =	sadd.s32 @!p0 $0x100000, s1;
	[bflag:$0x2] =	sbarrier.arrive $0xFFFF  }
0x53: {  	[sflag:s0] =	ssyncadd.tile.s32 @!p0 $0x1;
	_ =	shalt  }
.Lfunc_end1:
_tile_overlayer_lowered:
.L_overlay_start_2:
0x54: {  	(tag) =	ssettag $0x2  }
0x55: {  	s0 =	rddreg [dreg:$0x0];
	s2 =	stileid.u32  }
0x56: {  	s1 =	rddreg [dreg:$0x1];
	p0 =	sne.s32 s2, $0x0  }
0x57: {  	s3 =	rddreg [dreg:$0x2];
	[bflag:$0x3] =	sbarrier.arrive $0xFFFF;
	s2 =	simm.s32 @!p0 $0x1C01  }
0x58: {  	[timem:s3], [sflag:s2] =	dma.local @!p0 [hbm:s0], s1  }
0x59: {  	s0 =	simm.s32 @!p0 $0x1  }
0x5a: {  	_ =	swait.ge @!p0 [sflag:s0], s1  }
0x5b: {  	s1 =	ssub.s32 @!p0 $0x0, s1;
	[sflag:s0] =	ssyncset.done @!p0 $0x0  }
0x5c: {  	[sflag:s0] =	ssyncadd.s32 @!p0 s1  }
0x5d: {  	[bflag:$0x3] =	sbarrier.arrive $0xFFFF  }
0x5e: {  	_ =	shalt  }

</sc_bundles>
